<compile_context>
chip_gen: v7x
topology: tpu7x:2x2x1
jax: 0.10.2.dev20260603
libtpu: 0.0.44.dev20260713+nightly
codegen_flags: <defaults>
</compile_context>

<pallas_src>
import functools
import numpy as np
import jax
import jax.numpy as jnp
from jax import lax
from jax.experimental import pallas as pl
from jax.experimental.pallas import tpu as pltpu
from jax.experimental.pallas import tpu_sc as plsc

_NBINS = 1024
_L = 16
_NC, _NS = 2, 16
_NW = _NC * _NS
_BLK = 16384
_UNROLL = 8
_G = 8192
_GPAD = _G + 16

_TOP = np.uint32(0x80000000)


def _tokey(u):
    neg = u >= _TOP
    return jnp.where(neg, ~u, u | _TOP)


def _fromkey(k):
    neg = k < _TOP
    return jnp.where(neg, ~k, k ^ _TOP)


def _ps_body(x_hbm, h_hbm, d_hbm, t_hbm, out_hbm,
             h_v, h0_v, f_v, xs_v, d_v, t_v, cell_v, pk_v, xbuf, obuf):
    wid = lax.axis_index("s") * _NC + lax.axis_index("c")
    n = x_hbm.shape[0]
    per_w = n // _NW
    nblk = per_w // _BLK

    pltpu.sync_copy(h_hbm, h_v)
    pltpu.sync_copy(d_hbm, d_v)
    pltpu.sync_copy(t_hbm, t_v)

    lane = lax.iota(jnp.int32, _L)
    d_vec = d_v[...]
    t_vec = t_v[...]
    b_s = d_vec[0]
    lo_s = d_vec[9]
    inv_s = d_vec[10]

    def build_body(g, _):
        rows = (lane + g * _L) * 9
        h0 = plsc.load_gather(h_v, [rows])
        h0_v[pl.ds(g * _L, _L)] = h0
        acc = jnp.zeros((_L,), jnp.float32)
        for t in range(1, 9):
            if t == 1:
                v = h0
            else:
                v = plsc.load_gather(h_v, [rows + t])
            z = (v - t_vec[t] >= 0).astype(jnp.float32)
            acc = acc + z * d_vec[t]
        f_v[pl.ds(g * _L, _L)] = acc - b_s
        return 0

    lax.fori_loop(0, _NBINS // _L, build_body, 0)

    def xs_body(g, _):
        j = lane + g * _L
        l = plsc.load_gather(h0_v, [j])
        r = plsc.load_gather(h0_v, [jnp.minimum(j + 1, _NBINS - 1)])
        kl = _tokey(plsc.bitcast(l, jnp.uint32))
        kr = _tokey(plsc.bitcast(r, jnp.uint32))

        def bis(_, carry):
            klo, khi = carry
            active = (khi - klo) > 1
            mid = klo + lax.shift_right_logical(khi - klo, jnp.uint32(1))
            xm = plsc.bitcast(_fromkey(mid), jnp.float32)
            p_right = ~(jnp.abs(xm - l) < jnp.abs(xm - r))
            khi = jnp.where(active & p_right, mid, khi)
            klo = jnp.where(active & ~p_right, mid, klo)
            return klo, khi

        _, khi = lax.fori_loop(0, 32, bis, (kl, kr))
        ks = jnp.where(kl == kr, kr + 1, khi)
        xs = plsc.bitcast(_fromkey(ks), jnp.float32)
        inf = plsc.bitcast(jnp.full((_L,), 0x7F800000, jnp.uint32), jnp.float32)
        xs_v[pl.ds(g * _L, _L)] = jnp.where(j > _NBINS - 2, inf, xs)
        return 0

    lax.fori_loop(0, _NBINS // _L, xs_body, 0)

    def cellof(v):
        t = jnp.clip((v - lo_s) * inv_s, 0.0, jnp.float32(_G - 1))
        return t.astype(jnp.int32)

    def cell_body(g, _):
        v = xs_v[pl.ds(g * _L, _L)]
        cell_v[pl.ds(g * _L, _L)] = cellof(v)
        return 0

    lax.fori_loop(0, _NBINS // _L, cell_body, 0)

    def base_body(g, _):
        cq = lane + g * _L
        cnt = jnp.zeros((_L,), jnp.int32)
        s = _NBINS // 2
        while s >= 1:
            pv = plsc.load_gather(cell_v, [cnt + (s - 1)])
            cnt = cnt + jnp.int32(s) * (pv < cq).astype(jnp.int32)
            s //= 2
        pk_v[pl.ds(g * _L, _L)] = cnt
        return 0

    lax.fori_loop(0, _GPAD // _L, base_body, 0)

    def pack_body(g, mx):
        b_cur = pk_v[pl.ds(g * _L, _L)]
        b_nxt = plsc.load_gather(pk_v, [lane + g * _L + 1])
        occ = b_nxt - b_cur
        pk_v[pl.ds(g * _L, _L)] = b_cur * 16 + jnp.minimum(occ, 15)
        return jnp.maximum(mx, occ)

    mx = lax.fori_loop(0, _G // _L, pack_body, jnp.zeros((_L,), jnp.int32))
    fast_ok = jnp.max(mx) <= 7

    def fast_vecs():
        @plsc.parallel_loop(0, _BLK // _L, unroll=_UNROLL)
        def vec_body(j):
            off = j * _L
            xv = xbuf[pl.ds(off, _L)]
            c = cellof(xv)
            pk = plsc.load_gather(pk_v, [c])
            b0 = lax.shift_right_logical(pk, 4)
            occ = pk & 15
            rel = jnp.zeros((_L,), jnp.int32)
            for s in (4, 2, 1):
                probe = jnp.minimum(b0 + rel + (s - 1), jnp.int32(_NBINS - 1))
                pv = plsc.load_gather(xs_v, [probe])
                take = ((rel + s) <= occ) & (pv <= xv)
                rel = rel + jnp.int32(s) * take.astype(jnp.int32)
            obuf[pl.ds(off, _L)] = plsc.load_gather(f_v, [b0 + rel])

    def slow_vecs():
        @plsc.parallel_loop(0, _BLK // _L, unroll=_UNROLL)
        def vec_body(j):
            off = j * _L
            xv = xbuf[pl.ds(off, _L)]
            cnt = jnp.zeros((_L,), jnp.int32)
            s = _NBINS // 2
            while s >= 1:
                pv = plsc.load_gather(h0_v, [cnt + (s - 1)])
                cnt = cnt + jnp.int32(s) * (pv < xv).astype(jnp.int32)
                s //= 2
            idx = jnp.maximum(cnt, 1)
            left = plsc.load_gather(h0_v, [idx - 1])
            right = plsc.load_gather(h0_v, [idx])
            go_left = jnp.abs(xv - left) < jnp.abs(xv - right)
            nidx = idx - go_left.astype(jnp.int32)
            obuf[pl.ds(off, _L)] = plsc.load_gather(f_v, [nidx])

    def run_blocks(vec_loop):
        def blk_body(bi, _):
            base_el = wid * per_w + bi * _BLK
            pltpu.sync_copy(x_hbm.at[pl.ds(base_el, _BLK)], xbuf)
            vec_loop()
            pltpu.sync_copy(obuf, out_hbm.at[pl.ds(base_el, _BLK)])
            return 0
        lax.fori_loop(0, nblk, blk_body, 0)

    lax.cond(fast_ok,
             lambda: run_blocks(fast_vecs),
             lambda: run_blocks(slow_vecs))


def _make_call(n, interpret=False):
    return pl.kernel(
        _ps_body,
        out_type=jax.ShapeDtypeStruct((n,), jnp.float32),
        mesh=plsc.VectorSubcoreMesh(
            core_axis_name="c", subcore_axis_name="s",
            num_cores=_NC, num_subcores=_NS),
        scratch_types=[
            pltpu.VMEM((_NBINS * 9,), jnp.float32),
            pltpu.VMEM((_NBINS,), jnp.float32),
            pltpu.VMEM((_NBINS,), jnp.float32),
            pltpu.VMEM((_NBINS,), jnp.float32),
            pltpu.VMEM((_L,), jnp.float32),
            pltpu.VMEM((_L,), jnp.float32),
            pltpu.VMEM((_NBINS,), jnp.int32),
            pltpu.VMEM((_GPAD,), jnp.int32),
            pltpu.VMEM((_BLK,), jnp.float32),
            pltpu.VMEM((_BLK,), jnp.float32),
        ],
        compiler_params=pltpu.CompilerParams(needs_layout_passes=False),
        interpret=interpret,
    )


@jax.jit
def _run(x, h, d, T, b):
    xf = x.reshape(-1)
    hf = h.reshape(-1)
    span = h[_NBINS - 1, 0] - h[0, 0]
    inv = jnp.where(span > 0, jnp.float32(_G) / span, jnp.float32(0.0))
    dq = (jnp.zeros((_L,), jnp.float32).at[:9].set(d).at[0].set(b)
          .at[9].set(h[0, 0]).at[10].set(inv))
    tq = jnp.zeros((_L,), jnp.float32).at[:9].set(T)
    out = _make_call(xf.shape[0])(xf, hf, dq, tq)
    return out.reshape(x.shape)


def kernel(x, h, d, T, b):
    return _run(x, h, d, T, b)

# --- scband reference (transcript-rebuilt; emitter-appended) ---
"""Pipeline reference for scband-ps-activation-20684562497577 (READ-ONLY COPY).

The authoritative reference and input builder live on the scoring server;
editing this copy changes nothing except your own understanding.
"""

import jax, jax.numpy as jnp
import numpy as np

N_BINS = 1024
K = 8
B, D = 4096, 4096


def setup_inputs(seed: int = 0) -> dict:
    key = jax.random.key(seed)
    k1, k2, k3, k4, k5 = jax.random.split(key, 5)
    x = jax.random.normal(k1, (B, D), dtype=jnp.float32) * 2.0
    h = jax.random.normal(k2, (N_BINS, K + 1), dtype=jnp.float32)
    col0 = jnp.sort(jax.random.uniform(k3, (N_BINS,), dtype=jnp.float32, minval=-6.0, maxval=6.0))
    h = h.at[:, 0].set(col0)
    d = jax.random.uniform(k4, (K + 1,), dtype=jnp.float32)
    T = jax.random.normal(k5, (K + 1,), dtype=jnp.float32) * 0.5
    b = jnp.float32(0.1)
    return {"x": x, "h": h, "d": d, "T": T, "b": b}


def reference(x, h, d, T, b):
    sp = x.shape
    x_flat = x.reshape(-1)
    _h = h[:, 0]
    idx = jnp.searchsorted(_h, x_flat)
    idx = jnp.clip(idx, 1, _h.shape[0] - 1)
    left = _h[idx - 1]
    right = _h[idx]
    left_diff = jnp.abs(x_flat - left)
    right_diff = jnp.abs(x_flat - right)
    nearest = jnp.where(left_diff < right_diff, left, right)
    nearest_idx = jnp.where(left_diff < right_diff, idx - 1, idx)
    xq = nearest.reshape(sp)
    idxq = nearest_idx.reshape(sp)
    # ps(x, h, d, T, b, idx, fast=True)
    v = xq
    out = jnp.zeros_like(xq)
    spikes = jnp.float32(0.0)
    Kn = d.shape[0] - 1
    for t in range(1, Kn + 1):
        z = jnp.where(v - T[t] >= 0, jnp.ones_like(v), jnp.zeros_like(v))
        out = out + z * d[t]
        spikes = spikes + z.sum()
        if t != Kn:
            v = h[idxq, t + 1]
    out = out - b
    return out

if __name__ == "__main__":
    import jax
    _d = setup_inputs()
    print(jax.jit(kernel)(*tuple(_d.values())))

</pallas_src>

<mosaic_0001>
#map = affine_map<(d0, d1) -> (0)>
module attributes {stable_mosaic.version = 14 : i64} {
  func.func @_ps_body(%arg0: i32, %arg1: i32, %arg2: memref<16777216xf32, #tpu.memory_space<hbm>>, %arg3: memref<9216xf32, #tpu.memory_space<hbm>>, %arg4: memref<16xf32, #tpu.memory_space<hbm>>, %arg5: memref<16xf32, #tpu.memory_space<hbm>>, %arg6: memref<16777216xf32, #tpu.memory_space<hbm>>, %arg7: memref<9216xf32, #tpu.memory_space<vmem>>, %arg8: memref<1024xf32, #tpu.memory_space<vmem>>, %arg9: memref<1024xf32, #tpu.memory_space<vmem>>, %arg10: memref<1024xf32, #tpu.memory_space<vmem>>, %arg11: memref<16xf32, #tpu.memory_space<vmem>>, %arg12: memref<16xf32, #tpu.memory_space<vmem>>, %arg13: memref<1024xi32, #tpu.memory_space<vmem>>, %arg14: memref<8208xi32, #tpu.memory_space<vmem>>, %arg15: memref<16384xf32, #tpu.memory_space<vmem>>, %arg16: memref<16384xf32, #tpu.memory_space<vmem>>) attributes {dimension_semantics = [#tpu.dimension_semantics<core_parallel>, #tpu.dimension_semantics<subcore_parallel>], iteration_bounds = array<i64: 2, 16>, scalar_prefetch = 0 : i64, scratch_operands = 10 : i64, tpu.core_type = #tpu.core_type<sc_vector_subcore>, window_params = [{transform_indices = #map}, {transform_indices = #map}, {transform_indices = #map}, {transform_indices = #map}, {transform_indices = #map}]} {
    %mul3A = arith.constant 2 : i32
    %mul3A_0 = arith.muli %arg1, %mul3A : i32
    %add3A = arith.addi %mul3A_0, %arg0 : i32
    "tpu.region"() ({
      %run_scoped3A = tpu.sem_alloc : memref<!tpu.dma_semaphore, #tpu.memory_space<semaphore_mem>>
      tpu.enqueue_dma source(%arg3 : memref<9216xf32, #tpu.memory_space<hbm>>) target(%arg7 : memref<9216xf32, #tpu.memory_space<vmem>>) target_semaphore(%run_scoped3A : memref<!tpu.dma_semaphore, #tpu.memory_space<semaphore_mem>>)
      tpu.wait_dma2 semaphore(%run_scoped3A : memref<!tpu.dma_semaphore, #tpu.memory_space<semaphore_mem>>) src(%arg3 : memref<9216xf32, #tpu.memory_space<hbm>>) dst(%arg7 : memref<9216xf32, #tpu.memory_space<vmem>>)
      tpu.yield
    }) : () -> ()
    "tpu.region"() ({
      %run_scoped3A = tpu.sem_alloc : memref<!tpu.dma_semaphore, #tpu.memory_space<semaphore_mem>>
      tpu.enqueue_dma source(%arg4 : memref<16xf32, #tpu.memory_space<hbm>>) target(%arg11 : memref<16xf32, #tpu.memory_space<vmem>>) target_semaphore(%run_scoped3A : memref<!tpu.dma_semaphore, #tpu.memory_space<semaphore_mem>>)
      tpu.wait_dma2 semaphore(%run_scoped3A : memref<!tpu.dma_semaphore, #tpu.memory_space<semaphore_mem>>) src(%arg4 : memref<16xf32, #tpu.memory_space<hbm>>) dst(%arg11 : memref<16xf32, #tpu.memory_space<vmem>>)
      tpu.yield
    }) : () -> ()
    "tpu.region"() ({
      %run_scoped3A = tpu.sem_alloc : memref<!tpu.dma_semaphore, #tpu.memory_space<semaphore_mem>>
      tpu.enqueue_dma source(%arg5 : memref<16xf32, #tpu.memory_space<hbm>>) target(%arg12 : memref<16xf32, #tpu.memory_space<vmem>>) target_semaphore(%run_scoped3A : memref<!tpu.dma_semaphore, #tpu.memory_space<semaphore_mem>>)
      tpu.wait_dma2 semaphore(%run_scoped3A : memref<!tpu.dma_semaphore, #tpu.memory_space<semaphore_mem>>) src(%arg5 : memref<16xf32, #tpu.memory_space<hbm>>) dst(%arg12 : memref<16xf32, #tpu.memory_space<vmem>>)
      tpu.yield
    }) : () -> ()
    %iota3A = tpu.iota {dimensions = array<i32: 0>} : vector<16xi32>
    %get3A = arith.constant 0 : index
    %get3A_1 = tpu.vector_load %arg11[%get3A] {strides = array<i32>} : memref<16xf32, #tpu.memory_space<vmem>>, vector<16xf32>,
    %get3A_2 = arith.constant 0 : index
    %get3A_3 = tpu.vector_load %arg12[%get3A_2] {strides = array<i32>} : memref<16xf32, #tpu.memory_space<vmem>>, vector<16xf32>,
    %slice3A = vector.extract_strided_slice %get3A_1 {offsets = [0], sizes = [1], strides = [1]} : vector<16xf32> to vector<1xf32>
    %squeeze3A = vector.extract %slice3A[0] : f32 from vector<1xf32>
    %slice3A_4 = vector.extract_strided_slice %get3A_1 {offsets = [9], sizes = [1], strides = [1]} : vector<16xf32> to vector<1xf32>
    %squeeze3A_5 = vector.extract %slice3A_4[0] : f32 from vector<1xf32>
    %slice3A_6 = vector.extract_strided_slice %get3A_1 {offsets = [10], sizes = [1], strides = [1]} : vector<16xf32> to vector<1xf32>
    %squeeze3A_7 = vector.extract %slice3A_6[0] : f32 from vector<1xf32>
    %scan3A = arith.constant 0 : i32
    %scan3A_8 = arith.constant 0 : i32
    %scan3A_9 = arith.constant 64 : i32
    %scan3A_10 = arith.addi %scan3A_8, %scan3A_9 : i32
    %scan3A_11 = arith.constant 1 : i32
    %scan3A_12 = scf.for %scan3A_51 = %scan3A_8 to %scan3A_10 step %scan3A_11 iter_args(%scan3A_52 = %scan3A) -> (i32)  : i32 {
      %mul3A_53 = arith.constant 16 : i32
      %mul3A_54 = arith.muli %scan3A_51, %mul3A_53 : i32
      %add3A_55 = vector.broadcast %mul3A_54 : i32 to vector<16xi32>
      %add3A_56 = arith.addi %iota3A, %add3A_55 : vector<16xi32>
      %mul3A_57 = arith.constant 9 : i32
      %mul3A_58 = vector.broadcast %mul3A_57 : i32 to vector<16xi32>
      %mul3A_59 = arith.muli %add3A_56, %mul3A_58 : vector<16xi32>
      %gather3A = tpu.vector_load_idx %arg7[%mul3A_59] : memref<9216xf32, #tpu.memory_space<vmem>>[vector<16xi32>], vector<16xf32>,
      %mul3A_60 = arith.constant 16 : i32
      %mul3A_61 = arith.muli %scan3A_51, %mul3A_60 : i32
      %swap3A = arith.index_cast %mul3A_61 : i32 to index
      %swap3A_62 = tpu.vector_load %arg8[%swap3A] {strides = array<i32>} : memref<1024xf32, #tpu.memory_space<vmem>>, vector<16xf32>,
      tpu.vector_store %arg8[%swap3A], %gather3A {strides = array<i32>} : memref<1024xf32, #tpu.memory_space<vmem>>, vector<16xf32>,
      %broadcast_in_dim3A_63 = arith.constant 0.000000e+00 : f32
      %broadcast_in_dim3A_64 = vector.broadcast %broadcast_in_dim3A_63 : f32 to vector<16xf32>
      %slice3A_65 = vector.extract_strided_slice %get3A_3 {offsets = [1], sizes = [1], strides = [1]} : vector<16xf32> to vector<1xf32>
      %squeeze3A_66 = vector.extract %slice3A_65[0] : f32 from vector<1xf32>
      %sub3A = vector.broadcast %squeeze3A_66 : f32 to vector<16xf32>
      %sub3A_67 = arith.subf %gather3A, %sub3A : vector<16xf32>
      %ge3A = arith.constant 0.000000e+00 : f32
      %ge3A_68 = vector.broadcast %ge3A : f32 to vector<16xf32>
      %ge3A_69 = arith.cmpf oge, %sub3A_67, %ge3A_68 : vector<16xf32>
      %convert_element_type3A_70 = arith.extui %ge3A_69 : vector<16xi1> to vector<16xi32>
      %convert_element_type3A_71 = arith.sitofp %convert_element_type3A_70 : vector<16xi32> to vector<16xf32>
      %slice3A_72 = vector.extract_strided_slice %get3A_1 {offsets = [1], sizes = [1], strides = [1]} : vector<16xf32> to vector<1xf32>
      %squeeze3A_73 = vector.extract %slice3A_72[0] : f32 from vector<1xf32>
      %mul3A_74 = vector.broadcast %squeeze3A_73 : f32 to vector<16xf32>
      %mul3A_75 = arith.mulf %convert_element_type3A_71, %mul3A_74 : vector<16xf32>
      %add3A_76 = arith.addf %broadcast_in_dim3A_64, %mul3A_75 : vector<16xf32>
      %add3A_77 = arith.constant 2 : i32
      %add3A_78 = vector.broadcast %add3A_77 : i32 to vector<16xi32>
      %add3A_79 = arith.addi %mul3A_59, %add3A_78 : vector<16xi32>
      %gather3A_80 = tpu.vector_load_idx %arg7[%add3A_79] : memref<9216xf32, #tpu.memory_space<vmem>>[vector<16xi32>], vector<16xf32>,
      %slice3A_81 = vector.extract_strided_slice %get3A_3 {offsets = [2], sizes = [1], strides = [1]} : vector<16xf32> to vector<1xf32>
      %squeeze3A_82 = vector.extract %slice3A_81[0] : f32 from vector<1xf32>
      %sub3A_83 = vector.broadcast %squeeze3A_82 : f32 to vector<16xf32>
      %sub3A_84 = arith.subf %gather3A_80, %sub3A_83 : vector<16xf32>
      %ge3A_85 = arith.constant 0.000000e+00 : f32
      %ge3A_86 = vector.broadcast %ge3A_85 : f32 to vector<16xf32>
      %ge3A_87 = arith.cmpf oge, %sub3A_84, %ge3A_86 : vector<16xf32>
      %convert_element_type3A_88 = arith.extui %ge3A_87 : vector<16xi1> to vector<16xi32>
      %convert_element_type3A_89 = arith.sitofp %convert_element_type3A_88 : vector<16xi32> to vector<16xf32>
      %slice3A_90 = vector.extract_strided_slice %get3A_1 {offsets = [2], sizes = [1], strides = [1]} : vector<16xf32> to vector<1xf32>
      %squeeze3A_91 = vector.extract %slice3A_90[0] : f32 from vector<1xf32>
      %mul3A_92 = vector.broadcast %squeeze3A_91 : f32 to vector<16xf32>
      %mul3A_93 = arith.mulf %convert_element_type3A_89, %mul3A_92 : vector<16xf32>
      %add3A_94 = arith.addf %add3A_76, %mul3A_93 : vector<16xf32>
      %add3A_95 = arith.constant 3 : i32
      %add3A_96 = vector.broadcast %add3A_95 : i32 to vector<16xi32>
      %add3A_97 = arith.addi %mul3A_59, %add3A_96 : vector<16xi32>
      %gather3A_98 = tpu.vector_load_idx %arg7[%add3A_97] : memref<9216xf32, #tpu.memory_space<vmem>>[vector<16xi32>], vector<16xf32>,
      %slice3A_99 = vector.extract_strided_slice %get3A_3 {offsets = [3], sizes = [1], strides = [1]} : vector<16xf32> to vector<1xf32>
      %squeeze3A_100 = vector.extract %slice3A_99[0] : f32 from vector<1xf32>
      %sub3A_101 = vector.broadcast %squeeze3A_100 : f32 to vector<16xf32>
      %sub3A_102 = arith.subf %gather3A_98, %sub3A_101 : vector<16xf32>
      %ge3A_103 = arith.constant 0.000000e+00 : f32
      %ge3A_104 = vector.broadcast %ge3A_103 : f32 to vector<16xf32>
      %ge3A_105 = arith.cmpf oge, %sub3A_102, %ge3A_104 : vector<16xf32>
      %convert_element_type3A_106 = arith.extui %ge3A_105 : vector<16xi1> to vector<16xi32>
      %convert_element_type3A_107 = arith.sitofp %convert_element_type3A_106 : vector<16xi32> to vector<16xf32>
      %slice3A_108 = vector.extract_strided_slice %get3A_1 {offsets = [3], sizes = [1], strides = [1]} : vector<16xf32> to vector<1xf32>
      %squeeze3A_109 = vector.extract %slice3A_108[0] : f32 from vector<1xf32>
      %mul3A_110 = vector.broadcast %squeeze3A_109 : f32 to vector<16xf32>
      %mul3A_111 = arith.mulf %convert_element_type3A_107, %mul3A_110 : vector<16xf32>
      %add3A_112 = arith.addf %add3A_94, %mul3A_111 : vector<16xf32>
      %add3A_113 = arith.constant 4 : i32
      %add3A_114 = vector.broadcast %add3A_113 : i32 to vector<16xi32>
      %add3A_115 = arith.addi %mul3A_59, %add3A_114 : vector<16xi32>
      %gather3A_116 = tpu.vector_load_idx %arg7[%add3A_115] : memref<9216xf32, #tpu.memory_space<vmem>>[vector<16xi32>], vector<16xf32>,
      %slice3A_117 = vector.extract_strided_slice %get3A_3 {offsets = [4], sizes = [1], strides = [1]} : vector<16xf32> to vector<1xf32>
      %squeeze3A_118 = vector.extract %slice3A_117[0] : f32 from vector<1xf32>
      %sub3A_119 = vector.broadcast %squeeze3A_118 : f32 to vector<16xf32>
      %sub3A_120 = arith.subf %gather3A_116, %sub3A_119 : vector<16xf32>
      %ge3A_121 = arith.constant 0.000000e+00 : f32
      %ge3A_122 = vector.broadcast %ge3A_121 : f32 to vector<16xf32>
      %ge3A_123 = arith.cmpf oge, %sub3A_120, %ge3A_122 : vector<16xf32>
      %convert_element_type3A_124 = arith.extui %ge3A_123 : vector<16xi1> to vector<16xi32>
      %convert_element_type3A_125 = arith.sitofp %convert_element_type3A_124 : vector<16xi32> to vector<16xf32>
      %slice3A_126 = vector.extract_strided_slice %get3A_1 {offsets = [4], sizes = [1], strides = [1]} : vector<16xf32> to vector<1xf32>
      %squeeze3A_127 = vector.extract %slice3A_126[0] : f32 from vector<1xf32>
      %mul3A_128 = vector.broadcast %squeeze3A_127 : f32 to vector<16xf32>
      %mul3A_129 = arith.mulf %convert_element_type3A_125, %mul3A_128 : vector<16xf32>
      %add3A_130 = arith.addf %add3A_112, %mul3A_129 : vector<16xf32>
      %add3A_131 = arith.constant 5 : i32
      %add3A_132 = vector.broadcast %add3A_131 : i32 to vector<16xi32>
      %add3A_133 = arith.addi %mul3A_59, %add3A_132 : vector<16xi32>
      %gather3A_134 = tpu.vector_load_idx %arg7[%add3A_133] : memref<9216xf32, #tpu.memory_space<vmem>>[vector<16xi32>], vector<16xf32>,
      %slice3A_135 = vector.extract_strided_slice %get3A_3 {offsets = [5], sizes = [1], strides = [1]} : vector<16xf32> to vector<1xf32>
      %squeeze3A_136 = vector.extract %slice3A_135[0] : f32 from vector<1xf32>
      %sub3A_137 = vector.broadcast %squeeze3A_136 : f32 to vector<16xf32>
      %sub3A_138 = arith.subf %gather3A_134, %sub3A_137 : vector<16xf32>
      %ge3A_139 = arith.constant 0.000000e+00 : f32
      %ge3A_140 = vector.broadcast %ge3A_139 : f32 to vector<16xf32>
      %ge3A_141 = arith.cmpf oge, %sub3A_138, %ge3A_140 : vector<16xf32>
      %convert_element_type3A_142 = arith.extui %ge3A_141 : vector<16xi1> to vector<16xi32>
      %convert_element_type3A_143 = arith.sitofp %convert_element_type3A_142 : vector<16xi32> to vector<16xf32>
      %slice3A_144 = vector.extract_strided_slice %get3A_1 {offsets = [5], sizes = [1], strides = [1]} : vector<16xf32> to vector<1xf32>
      %squeeze3A_145 = vector.extract %slice3A_144[0] : f32 from vector<1xf32>
      %mul3A_146 = vector.broadcast %squeeze3A_145 : f32 to vector<16xf32>
      %mul3A_147 = arith.mulf %convert_element_type3A_143, %mul3A_146 : vector<16xf32>
      %add3A_148 = arith.addf %add3A_130, %mul3A_147 : vector<16xf32>
      %add3A_149 = arith.constant 6 : i32
      %add3A_150 = vector.broadcast %add3A_149 : i32 to vector<16xi32>
      %add3A_151 = arith.addi %mul3A_59, %add3A_150 : vector<16xi32>
      %gather3A_152 = tpu.vector_load_idx %arg7[%add3A_151] : memref<9216xf32, #tpu.memory_space<vmem>>[vector<16xi32>], vector<16xf32>,
      %slice3A_153 = vector.extract_strided_slice %get3A_3 {offsets = [6], sizes = [1], strides = [1]} : vector<16xf32> to vector<1xf32>
      %squeeze3A_154 = vector.extract %slice3A_153[0] : f32 from vector<1xf32>
      %sub3A_155 = vector.broadcast %squeeze3A_154 : f32 to vector<16xf32>
      %sub3A_156 = arith.subf %gather3A_152, %sub3A_155 : vector<16xf32>
      %ge3A_157 = arith.constant 0.000000e+00 : f32
      %ge3A_158 = vector.broadcast %ge3A_157 : f32 to vector<16xf32>
      %ge3A_159 = arith.cmpf oge, %sub3A_156, %ge3A_158 : vector<16xf32>
      %convert_element_type3A_160 = arith.extui %ge3A_159 : vector<16xi1> to vector<16xi32>
      %convert_element_type3A_161 = arith.sitofp %convert_element_type3A_160 : vector<16xi32> to vector<16xf32>
      %slice3A_162 = vector.extract_strided_slice %get3A_1 {offsets = [6], sizes = [1], strides = [1]} : vector<16xf32> to vector<1xf32>
      %squeeze3A_163 = vector.extract %slice3A_162[0] : f32 from vector<1xf32>
      %mul3A_164 = vector.broadcast %squeeze3A_163 : f32 to vector<16xf32>
      %mul3A_165 = arith.mulf %convert_element_type3A_161, %mul3A_164 : vector<16xf32>
      %add3A_166 = arith.addf %add3A_148, %mul3A_165 : vector<16xf32>
      %add3A_167 = arith.constant 7 : i32
      %add3A_168 = vector.broadcast %add3A_167 : i32 to vector<16xi32>
      %add3A_169 = arith.addi %mul3A_59, %add3A_168 : vector<16xi32>
      %gather3A_170 = tpu.vector_load_idx %arg7[%add3A_169] : memref<9216xf32, #tpu.memory_space<vmem>>[vector<16xi32>], vector<16xf32>,
      %slice3A_171 = vector.extract_strided_slice %get3A_3 {offsets = [7], sizes = [1], strides = [1]} : vector<16xf32> to vector<1xf32>
      %squeeze3A_172 = vector.extract %slice3A_171[0] : f32 from vector<1xf32>
      %sub3A_173 = vector.broadcast %squeeze3A_172 : f32 to vector<16xf32>
      %sub3A_174 = arith.subf %gather3A_170, %sub3A_173 : vector<16xf32>
      %ge3A_175 = arith.constant 0.000000e+00 : f32
      %ge3A_176 = vector.broadcast %ge3A_175 : f32 to vector<16xf32>
      %ge3A_177 = arith.cmpf oge, %sub3A_174, %ge3A_176 : vector<16xf32>
      %convert_element_type3A_178 = arith.extui %ge3A_177 : vector<16xi1> to vector<16xi32>
      %convert_element_type3A_179 = arith.sitofp %convert_element_type3A_178 : vector<16xi32> to vector<16xf32>
      %slice3A_180 = vector.extract_strided_slice %get3A_1 {offsets = [7], sizes = [1], strides = [1]} : vector<16xf32> to vector<1xf32>
      %squeeze3A_181 = vector.extract %slice3A_180[0] : f32 from vector<1xf32>
      %mul3A_182 = vector.broadcast %squeeze3A_181 : f32 to vector<16xf32>
      %mul3A_183 = arith.mulf %convert_element_type3A_179, %mul3A_182 : vector<16xf32>
      %add3A_184 = arith.addf %add3A_166, %mul3A_183 : vector<16xf32>
      %add3A_185 = arith.constant 8 : i32
      %add3A_186 = vector.broadcast %add3A_185 : i32 to vector<16xi32>
      %add3A_187 = arith.addi %mul3A_59, %add3A_186 : vector<16xi32>
      %gather3A_188 = tpu.vector_load_idx %arg7[%add3A_187] : memref<9216xf32, #tpu.memory_space<vmem>>[vector<16xi32>], vector<16xf32>,
      %slice3A_189 = vector.extract_strided_slice %get3A_3 {offsets = [8], sizes = [1], strides = [1]} : vector<16xf32> to vector<1xf32>
      %squeeze3A_190 = vector.extract %slice3A_189[0] : f32 from vector<1xf32>
      %sub3A_191 = vector.broadcast %squeeze3A_190 : f32 to vector<16xf32>
      %sub3A_192 = arith.subf %gather3A_188, %sub3A_191 : vector<16xf32>
      %ge3A_193 = arith.constant 0.000000e+00 : f32
      %ge3A_194 = vector.broadcast %ge3A_193 : f32 to vector<16xf32>
      %ge3A_195 = arith.cmpf oge, %sub3A_192, %ge3A_194 : vector<16xf32>
      %convert_element_type3A_196 = arith.extui %ge3A_195 : vector<16xi1> to vector<16xi32>
      %convert_element_type3A_197 = arith.sitofp %convert_element_type3A_196 : vector<16xi32> to vector<16xf32>
      %slice3A_198 = vector.extract_strided_slice %get3A_1 {offsets = [8], sizes = [1], strides = [1]} : vector<16xf32> to vector<1xf32>
      %squeeze3A_199 = vector.extract %slice3A_198[0] : f32 from vector<1xf32>
      %mul3A_200 = vector.broadcast %squeeze3A_199 : f32 to vector<16xf32>
      %mul3A_201 = arith.mulf %convert_element_type3A_197, %mul3A_200 : vector<16xf32>
      %add3A_202 = arith.addf %add3A_184, %mul3A_201 : vector<16xf32>
      %sub3A_203 = vector.broadcast %squeeze3A : f32 to vector<16xf32>
      %sub3A_204 = arith.subf %add3A_202, %sub3A_203 : vector<16xf32>
      %mul3A_205 = arith.constant 16 : i32
      %mul3A_206 = arith.muli %scan3A_51, %mul3A_205 : i32
      %swap3A_207 = arith.index_cast %mul3A_206 : i32 to index
      %swap3A_208 = tpu.vector_load %arg9[%swap3A_207] {strides = array<i32>} : memref<1024xf32, #tpu.memory_space<vmem>>, vector<16xf32>,
      tpu.vector_store %arg9[%swap3A_207], %sub3A_204 {strides = array<i32>} : memref<1024xf32, #tpu.memory_space<vmem>>, vector<16xf32>,
      %scan3A_209 = arith.constant 0 : i32
      scf.yield %scan3A_209 : i32
    }
    %scan3A_13 = arith.constant 64 : i32
    %scan3A_14 = arith.constant 0 : i32
    %scan3A_15 = arith.constant 0 : i32
    %scan3A_16 = arith.constant 64 : i32
    %scan3A_17 = arith.addi %scan3A_15, %scan3A_16 : i32
    %scan3A_18 = arith.constant 1 : i32
    %scan3A_19 = scf.for %scan3A_51 = %scan3A_15 to %scan3A_17 step %scan3A_18 iter_args(%scan3A_52 = %scan3A_14) -> (i32)  : i32 {
      %mul3A_53 = arith.constant 16 : i32
      %mul3A_54 = arith.muli %scan3A_51, %mul3A_53 : i32
      %add3A_55 = vector.broadcast %mul3A_54 : i32 to vector<16xi32>
      %add3A_56 = arith.addi %iota3A, %add3A_55 : vector<16xi32>
      %gather3A = tpu.vector_load_idx %arg8[%add3A_56] : memref<1024xf32, #tpu.memory_space<vmem>>[vector<16xi32>], vector<16xf32>,
      %add3A_57 = arith.constant 1 : i32
      %add3A_58 = vector.broadcast %add3A_57 : i32 to vector<16xi32>
      %add3A_59 = arith.addi %add3A_56, %add3A_58 : vector<16xi32>
      %min3A = arith.constant 1023 : i32
      %min3A_60 = vector.broadcast %min3A : i32 to vector<16xi32>
      %min3A_61 = arith.minsi %add3A_59, %min3A_60 : vector<16xi32>
      %gather3A_62 = tpu.vector_load_idx %arg8[%min3A_61] : memref<1024xf32, #tpu.memory_space<vmem>>[vector<16xi32>], vector<16xf32>,
      %bitcast3A = vector.bitcast %gather3A : vector<16xf32> to vector<16xi32>
      %ge3A = arith.constant -2147483648 : i32
      %ge3A_63 = vector.broadcast %ge3A : i32 to vector<16xi32>
      %ge3A_64 = arith.cmpi uge, %bitcast3A, %ge3A_63 : vector<16xi32>
      %not3A = arith.constant dense<-1> : vector<16xi32>
      %not3A_65 = arith.xori %bitcast3A, %not3A : vector<16xi32>
      %or3A = arith.constant -2147483648 : i32
      %or3A_66 = vector.broadcast %or3A : i32 to vector<16xi32>
      %or3A_67 = arith.ori %bitcast3A, %or3A_66 : vector<16xi32>
      %select_n3A = arith.select %ge3A_64, %not3A_65, %or3A_67 : vector<16xi1>, vector<16xi32>
      %bitcast3A_68 = vector.bitcast %gather3A_62 : vector<16xf32> to vector<16xi32>
      %ge3A_69 = arith.constant -2147483648 : i32
      %ge3A_70 = vector.broadcast %ge3A_69 : i32 to vector<16xi32>
      %ge3A_71 = arith.cmpi uge, %bitcast3A_68, %ge3A_70 : vector<16xi32>
      %not3A_72 = arith.constant dense<-1> : vector<16xi32>
      %not3A_73 = arith.xori %bitcast3A_68, %not3A_72 : vector<16xi32>
      %or3A_74 = arith.constant -2147483648 : i32
      %or3A_75 = vector.broadcast %or3A_74 : i32 to vector<16xi32>
      %or3A_76 = arith.ori %bitcast3A_68, %or3A_75 : vector<16xi32>
      %select_n3A_77 = arith.select %ge3A_71, %not3A_73, %or3A_76 : vector<16xi1>, vector<16xi32>
      %scan3A_78 = arith.constant 0 : i32
      %scan3A_79 = arith.constant 32 : i32
      %scan3A_80 = arith.addi %scan3A_78, %scan3A_79 : i32
      %scan3A_81 = arith.constant 1 : i32
      %scan3A_82:2 = scf.for %scan3A_106 = %scan3A_78 to %scan3A_80 step %scan3A_81 iter_args(%scan3A_107 = %select_n3A, %scan3A_108 = %select_n3A_77) -> (vector<16xi32>, vector<16xi32>)  : i32 {
        %sub3A = arith.subi %scan3A_108, %scan3A_107 : vector<16xi32>
        %gt3A_109 = arith.constant 1 : i32
        %gt3A_110 = vector.broadcast %gt3A_109 : i32 to vector<16xi32>
        %gt3A_111 = arith.cmpi ugt, %sub3A, %gt3A_110 : vector<16xi32>
        %sub3A_112 = arith.subi %scan3A_108, %scan3A_107 : vector<16xi32>
        %shift_right_logical3A = arith.constant 1 : i32
        %shift_right_logical3A_113 = vector.broadcast %shift_right_logical3A : i32 to vector<16xi32>
        %shift_right_logical3A_114 = arith.shrui %sub3A_112, %shift_right_logical3A_113 : vector<16xi32>
        %add3A_115 = arith.addi %scan3A_107, %shift_right_logical3A_114 : vector<16xi32>
        %lt3A_116 = arith.constant -2147483648 : i32
        %lt3A_117 = vector.broadcast %lt3A_116 : i32 to vector<16xi32>
        %lt3A_118 = arith.cmpi ult, %add3A_115, %lt3A_117 : vector<16xi32>
        %not3A_119 = arith.constant dense<-1> : vector<16xi32>
        %not3A_120 = arith.xori %add3A_115, %not3A_119 : vector<16xi32>
        %xor3A_121 = arith.constant -2147483648 : i32
        %xor3A_122 = vector.broadcast %xor3A_121 : i32 to vector<16xi32>
        %xor3A_123 = arith.xori %add3A_115, %xor3A_122 : vector<16xi32>
        %select_n3A_124 = arith.select %lt3A_118, %not3A_120, %xor3A_123 : vector<16xi1>, vector<16xi32>
        %bitcast3A_125 = vector.bitcast %select_n3A_124 : vector<16xi32> to vector<16xf32>
        %sub3A_126 = arith.subf %bitcast3A_125, %gather3A : vector<16xf32>
        %abs3A = math.absf %sub3A_126 : vector<16xf32>
        %sub3A_127 = arith.subf %bitcast3A_125, %gather3A_62 : vector<16xf32>
        %abs3A_128 = math.absf %sub3A_127 : vector<16xf32>
        %lt3A_129 = arith.cmpf olt, %abs3A, %abs3A_128 : vector<16xf32>
        %not3A_130 = arith.constant dense<true> : vector<16xi1>
        %not3A_131 = arith.xori %lt3A_129, %not3A_130 : vector<16xi1>
        %and3A = arith.andi %gt3A_111, %not3A_131 : vector<16xi1>
        %select_n3A_132 = arith.select %and3A, %add3A_115, %scan3A_108 : vector<16xi1>, vector<16xi32>
        %not3A_133 = arith.constant dense<true> : vector<16xi1>
        %not3A_134 = arith.xori %not3A_131, %not3A_133 : vector<16xi1>
        %and3A_135 = arith.andi %gt3A_111, %not3A_134 : vector<16xi1>
        %select_n3A_136 = arith.select %and3A_135, %add3A_115, %scan3A_107 : vector<16xi1>, vector<16xi32>
        scf.yield %select_n3A_136, %select_n3A_132 : vector<16xi32>, vector<16xi32>
      }
      %scan3A_83 = arith.constant 32 : i32
      %eq3A = arith.cmpi eq, %select_n3A, %select_n3A_77 : vector<16xi32>
      %add3A_84 = arith.constant 1 : i32
      %add3A_85 = vector.broadcast %add3A_84 : i32 to vector<16xi32>
      %add3A_86 = arith.addi %select_n3A_77, %add3A_85 : vector<16xi32>
      %select_n3A_87 = arith.select %eq3A, %add3A_86, %scan3A_82#1 : vector<16xi1>, vector<16xi32>
      %lt3A = arith.constant -2147483648 : i32
      %lt3A_88 = vector.broadcast %lt3A : i32 to vector<16xi32>
      %lt3A_89 = arith.cmpi ult, %select_n3A_87, %lt3A_88 : vector<16xi32>
      %not3A_90 = arith.constant dense<-1> : vector<16xi32>
      %not3A_91 = arith.xori %select_n3A_87, %not3A_90 : vector<16xi32>
      %xor3A = arith.constant -2147483648 : i32
      %xor3A_92 = vector.broadcast %xor3A : i32 to vector<16xi32>
      %xor3A_93 = arith.xori %select_n3A_87, %xor3A_92 : vector<16xi32>
      %select_n3A_94 = arith.select %lt3A_89, %not3A_91, %xor3A_93 : vector<16xi1>, vector<16xi32>
      %bitcast3A_95 = vector.bitcast %select_n3A_94 : vector<16xi32> to vector<16xf32>
      %broadcast_in_dim3A_96 = arith.constant 2139095040 : i32
      %broadcast_in_dim3A_97 = vector.broadcast %broadcast_in_dim3A_96 : i32 to vector<16xi32>
      %bitcast3A_98 = vector.bitcast %broadcast_in_dim3A_97 : vector<16xi32> to vector<16xf32>
      %gt3A = arith.constant 1022 : i32
      %gt3A_99 = vector.broadcast %gt3A : i32 to vector<16xi32>
      %gt3A_100 = arith.cmpi sgt, %add3A_56, %gt3A_99 : vector<16xi32>
      %select_n3A_101 = arith.select %gt3A_100, %bitcast3A_98, %bitcast3A_95 : vector<16xi1>, vector<16xf32>
      %mul3A_102 = arith.constant 16 : i32
      %mul3A_103 = arith.muli %scan3A_51, %mul3A_102 : i32
      %swap3A = arith.index_cast %mul3A_103 : i32 to index
      %swap3A_104 = tpu.vector_load %arg10[%swap3A] {strides = array<i32>} : memref<1024xf32, #tpu.memory_space<vmem>>, vector<16xf32>,
      tpu.vector_store %arg10[%swap3A], %select_n3A_101 {strides = array<i32>} : memref<1024xf32, #tpu.memory_space<vmem>>, vector<16xf32>,
      %scan3A_105 = arith.constant 0 : i32
      scf.yield %scan3A_105 : i32
    }
    %scan3A_20 = arith.constant 64 : i32
    %scan3A_21 = arith.constant 0 : i32
    %scan3A_22 = arith.constant 0 : i32
    %scan3A_23 = arith.constant 64 : i32
    %scan3A_24 = arith.addi %scan3A_22, %scan3A_23 : i32
    %scan3A_25 = arith.constant 1 : i32
    %scan3A_26 = scf.for %scan3A_51 = %scan3A_22 to %scan3A_24 step %scan3A_25 iter_args(%scan3A_52 = %scan3A_21) -> (i32)  : i32 {
      %mul3A_53 = arith.constant 16 : i32
      %mul3A_54 = arith.muli %scan3A_51, %mul3A_53 : i32
      %get3A_55 = arith.index_cast %mul3A_54 : i32 to index
      %get3A_56 = tpu.vector_load %arg10[%get3A_55] {strides = array<i32>} : memref<1024xf32, #tpu.memory_space<vmem>>, vector<16xf32>,
      %sub3A = vector.broadcast %squeeze3A_5 : f32 to vector<16xf32>
      %sub3A_57 = arith.subf %get3A_56, %sub3A : vector<16xf32>
      %mul3A_58 = vector.broadcast %squeeze3A_7 : f32 to vector<16xf32>
      %mul3A_59 = arith.mulf %sub3A_57, %mul3A_58 : vector<16xf32>
      %jit3A = arith.constant 0.000000e+00 : f32
      %jit3A_60 = arith.constant 8.191000e+03 : f32
      %max3A = vector.broadcast %jit3A : f32 to vector<16xf32>
      %max3A_61 = arith.maximumf %max3A, %mul3A_59 : vector<16xf32>
      %min3A = vector.broadcast %jit3A_60 : f32 to vector<16xf32>
      %min3A_62 = arith.minimumf %min3A, %max3A_61 : vector<16xf32>
      %convert_element_type3A_63 = arith.fptosi %min3A_62 : vector<16xf32> to vector<16xi32>
      %mul3A_64 = arith.constant 16 : i32
      %mul3A_65 = arith.muli %scan3A_51, %mul3A_64 : i32
      %swap3A = arith.index_cast %mul3A_65 : i32 to index
      %swap3A_66 = tpu.vector_load %arg13[%swap3A] {strides = array<i32>} : memref<1024xi32, #tpu.memory_space<vmem>>, vector<16xi32>,
      tpu.vector_store %arg13[%swap3A], %convert_element_type3A_63 {strides = array<i32>} : memref<1024xi32, #tpu.memory_space<vmem>>, vector<16xi32>,
      %scan3A_67 = arith.constant 0 : i32
      scf.yield %scan3A_67 : i32
    }
    %scan3A_27 = arith.constant 64 : i32
    %scan3A_28 = arith.constant 0 : i32
    %scan3A_29 = arith.constant 0 : i32
    %scan3A_30 = arith.constant 513 : i32
    %scan3A_31 = arith.addi %scan3A_29, %scan3A_30 : i32
    %scan3A_32 = arith.constant 1 : i32
    %scan3A_33 = scf.for %scan3A_51 = %scan3A_29 to %scan3A_31 step %scan3A_32 iter_args(%scan3A_52 = %scan3A_28) -> (i32)  : i32 {
      %mul3A_53 = arith.constant 16 : i32
      %mul3A_54 = arith.muli %scan3A_51, %mul3A_53 : i32
      %add3A_55 = vector.broadcast %mul3A_54 : i32 to vector<16xi32>
      %add3A_56 = arith.addi %iota3A, %add3A_55 : vector<16xi32>
      %broadcast_in_dim3A_57 = arith.constant 0 : i32
      %broadcast_in_dim3A_58 = vector.broadcast %broadcast_in_dim3A_57 : i32 to vector<16xi32>
      %add3A_59 = arith.constant 511 : i32
      %add3A_60 = vector.broadcast %add3A_59 : i32 to vector<16xi32>
      %add3A_61 = arith.addi %broadcast_in_dim3A_58, %add3A_60 : vector<16xi32>
      %gather3A = tpu.vector_load_idx %arg13[%add3A_61] : memref<1024xi32, #tpu.memory_space<vmem>>[vector<16xi32>], vector<16xi32>,
      %lt3A = arith.cmpi slt, %gather3A, %add3A_56 : vector<16xi32>
      %convert_element_type3A_62 = arith.extui %lt3A : vector<16xi1> to vector<16xi32>
      %mul3A_63 = arith.constant 512 : i32
      %mul3A_64 = vector.broadcast %mul3A_63 : i32 to vector<16xi32>
      %mul3A_65 = arith.muli %mul3A_64, %convert_element_type3A_62 : vector<16xi32>
      %add3A_66 = arith.addi %broadcast_in_dim3A_58, %mul3A_65 : vector<16xi32>
      %add3A_67 = arith.constant 255 : i32
      %add3A_68 = vector.broadcast %add3A_67 : i32 to vector<16xi32>
      %add3A_69 = arith.addi %add3A_66, %add3A_68 : vector<16xi32>
      %gather3A_70 = tpu.vector_load_idx %arg13[%add3A_69] : memref<1024xi32, #tpu.memory_space<vmem>>[vector<16xi32>], vector<16xi32>,
      %lt3A_71 = arith.cmpi slt, %gather3A_70, %add3A_56 : vector<16xi32>
      %convert_element_type3A_72 = arith.extui %lt3A_71 : vector<16xi1> to vector<16xi32>
      %mul3A_73 = arith.constant 256 : i32
      %mul3A_74 = vector.broadcast %mul3A_73 : i32 to vector<16xi32>
      %mul3A_75 = arith.muli %mul3A_74, %convert_element_type3A_72 : vector<16xi32>
      %add3A_76 = arith.addi %add3A_66, %mul3A_75 : vector<16xi32>
      %add3A_77 = arith.constant 127 : i32
      %add3A_78 = vector.broadcast %add3A_77 : i32 to vector<16xi32>
      %add3A_79 = arith.addi %add3A_76, %add3A_78 : vector<16xi32>
      %gather3A_80 = tpu.vector_load_idx %arg13[%add3A_79] : memref<1024xi32, #tpu.memory_space<vmem>>[vector<16xi32>], vector<16xi32>,
      %lt3A_81 = arith.cmpi slt, %gather3A_80, %add3A_56 : vector<16xi32>
      %convert_element_type3A_82 = arith.extui %lt3A_81 : vector<16xi1> to vector<16xi32>
      %mul3A_83 = arith.constant 128 : i32
      %mul3A_84 = vector.broadcast %mul3A_83 : i32 to vector<16xi32>
      %mul3A_85 = arith.muli %mul3A_84, %convert_element_type3A_82 : vector<16xi32>
      %add3A_86 = arith.addi %add3A_76, %mul3A_85 : vector<16xi32>
      %add3A_87 = arith.constant 63 : i32
      %add3A_88 = vector.broadcast %add3A_87 : i32 to vector<16xi32>
      %add3A_89 = arith.addi %add3A_86, %add3A_88 : vector<16xi32>
      %gather3A_90 = tpu.vector_load_idx %arg13[%add3A_89] : memref<1024xi32, #tpu.memory_space<vmem>>[vector<16xi32>], vector<16xi32>,
      %lt3A_91 = arith.cmpi slt, %gather3A_90, %add3A_56 : vector<16xi32>
      %convert_element_type3A_92 = arith.extui %lt3A_91 : vector<16xi1> to vector<16xi32>
      %mul3A_93 = arith.constant 64 : i32
      %mul3A_94 = vector.broadcast %mul3A_93 : i32 to vector<16xi32>
      %mul3A_95 = arith.muli %mul3A_94, %convert_element_type3A_92 : vector<16xi32>
      %add3A_96 = arith.addi %add3A_86, %mul3A_95 : vector<16xi32>
      %add3A_97 = arith.constant 31 : i32
      %add3A_98 = vector.broadcast %add3A_97 : i32 to vector<16xi32>
      %add3A_99 = arith.addi %add3A_96, %add3A_98 : vector<16xi32>
      %gather3A_100 = tpu.vector_load_idx %arg13[%add3A_99] : memref<1024xi32, #tpu.memory_space<vmem>>[vector<16xi32>], vector<16xi32>,
      %lt3A_101 = arith.cmpi slt, %gather3A_100, %add3A_56 : vector<16xi32>
      %convert_element_type3A_102 = arith.extui %lt3A_101 : vector<16xi1> to vector<16xi32>
      %mul3A_103 = arith.constant 32 : i32
      %mul3A_104 = vector.broadcast %mul3A_103 : i32 to vector<16xi32>
      %mul3A_105 = arith.muli %mul3A_104, %convert_element_type3A_102 : vector<16xi32>
      %add3A_106 = arith.addi %add3A_96, %mul3A_105 : vector<16xi32>
      %add3A_107 = arith.constant 15 : i32
      %add3A_108 = vector.broadcast %add3A_107 : i32 to vector<16xi32>
      %add3A_109 = arith.addi %add3A_106, %add3A_108 : vector<16xi32>
      %gather3A_110 = tpu.vector_load_idx %arg13[%add3A_109] : memref<1024xi32, #tpu.memory_space<vmem>>[vector<16xi32>], vector<16xi32>,
      %lt3A_111 = arith.cmpi slt, %gather3A_110, %add3A_56 : vector<16xi32>
      %convert_element_type3A_112 = arith.extui %lt3A_111 : vector<16xi1> to vector<16xi32>
      %mul3A_113 = arith.constant 16 : i32
      %mul3A_114 = vector.broadcast %mul3A_113 : i32 to vector<16xi32>
      %mul3A_115 = arith.muli %mul3A_114, %convert_element_type3A_112 : vector<16xi32>
      %add3A_116 = arith.addi %add3A_106, %mul3A_115 : vector<16xi32>
      %add3A_117 = arith.constant 7 : i32
      %add3A_118 = vector.broadcast %add3A_117 : i32 to vector<16xi32>
      %add3A_119 = arith.addi %add3A_116, %add3A_118 : vector<16xi32>
      %gather3A_120 = tpu.vector_load_idx %arg13[%add3A_119] : memref<1024xi32, #tpu.memory_space<vmem>>[vector<16xi32>], vector<16xi32>,
      %lt3A_121 = arith.cmpi slt, %gather3A_120, %add3A_56 : vector<16xi32>
      %convert_element_type3A_122 = arith.extui %lt3A_121 : vector<16xi1> to vector<16xi32>
      %mul3A_123 = arith.constant 8 : i32
      %mul3A_124 = vector.broadcast %mul3A_123 : i32 to vector<16xi32>
      %mul3A_125 = arith.muli %mul3A_124, %convert_element_type3A_122 : vector<16xi32>
      %add3A_126 = arith.addi %add3A_116, %mul3A_125 : vector<16xi32>
      %add3A_127 = arith.constant 3 : i32
      %add3A_128 = vector.broadcast %add3A_127 : i32 to vector<16xi32>
      %add3A_129 = arith.addi %add3A_126, %add3A_128 : vector<16xi32>
      %gather3A_130 = tpu.vector_load_idx %arg13[%add3A_129] : memref<1024xi32, #tpu.memory_space<vmem>>[vector<16xi32>], vector<16xi32>,
      %lt3A_131 = arith.cmpi slt, %gather3A_130, %add3A_56 : vector<16xi32>
      %convert_element_type3A_132 = arith.extui %lt3A_131 : vector<16xi1> to vector<16xi32>
      %mul3A_133 = arith.constant 4 : i32
      %mul3A_134 = vector.broadcast %mul3A_133 : i32 to vector<16xi32>
      %mul3A_135 = arith.muli %mul3A_134, %convert_element_type3A_132 : vector<16xi32>
      %add3A_136 = arith.addi %add3A_126, %mul3A_135 : vector<16xi32>
      %add3A_137 = arith.constant 1 : i32
      %add3A_138 = vector.broadcast %add3A_137 : i32 to vector<16xi32>
      %add3A_139 = arith.addi %add3A_136, %add3A_138 : vector<16xi32>
      %gather3A_140 = tpu.vector_load_idx %arg13[%add3A_139] : memref<1024xi32, #tpu.memory_space<vmem>>[vector<16xi32>], vector<16xi32>,
      %lt3A_141 = arith.cmpi slt, %gather3A_140, %add3A_56 : vector<16xi32>
      %convert_element_type3A_142 = arith.extui %lt3A_141 : vector<16xi1> to vector<16xi32>
      %mul3A_143 = arith.constant 2 : i32
      %mul3A_144 = vector.broadcast %mul3A_143 : i32 to vector<16xi32>
      %mul3A_145 = arith.muli %mul3A_144, %convert_element_type3A_142 : vector<16xi32>
      %add3A_146 = arith.addi %add3A_136, %mul3A_145 : vector<16xi32>
      %add3A_147 = arith.constant 0 : i32
      %add3A_148 = vector.broadcast %add3A_147 : i32 to vector<16xi32>
      %add3A_149 = arith.addi %add3A_146, %add3A_148 : vector<16xi32>
      %gather3A_150 = tpu.vector_load_idx %arg13[%add3A_149] : memref<1024xi32, #tpu.memory_space<vmem>>[vector<16xi32>], vector<16xi32>,
      %lt3A_151 = arith.cmpi slt, %gather3A_150, %add3A_56 : vector<16xi32>
      %convert_element_type3A_152 = arith.extui %lt3A_151 : vector<16xi1> to vector<16xi32>
      %mul3A_153 = arith.constant 1 : i32
      %mul3A_154 = vector.broadcast %mul3A_153 : i32 to vector<16xi32>
      %mul3A_155 = arith.muli %mul3A_154, %convert_element_type3A_152 : vector<16xi32>
      %add3A_156 = arith.addi %add3A_146, %mul3A_155 : vector<16xi32>
      %mul3A_157 = arith.constant 16 : i32
      %mul3A_158 = arith.muli %scan3A_51, %mul3A_157 : i32
      %swap3A = arith.index_cast %mul3A_158 : i32 to index
      %swap3A_159 = tpu.vector_load %arg14[%swap3A] {strides = array<i32>} : memref<8208xi32, #tpu.memory_space<vmem>>, vector<16xi32>,
      tpu.vector_store %arg14[%swap3A], %add3A_156 {strides = array<i32>} : memref<8208xi32, #tpu.memory_space<vmem>>, vector<16xi32>,
      %scan3A_160 = arith.constant 0 : i32
      scf.yield %scan3A_160 : i32
    }
    %scan3A_34 = arith.constant 513 : i32
    %broadcast_in_dim3A = arith.constant 0 : i32
    %broadcast_in_dim3A_35 = vector.broadcast %broadcast_in_dim3A : i32 to vector<16xi32>
    %scan3A_36 = arith.constant 0 : i32
    %scan3A_37 = arith.constant 512 : i32
    %scan3A_38 = arith.addi %scan3A_36, %scan3A_37 : i32
    %scan3A_39 = arith.constant 1 : i32
    %scan3A_40 = scf.for %scan3A_51 = %scan3A_36 to %scan3A_38 step %scan3A_39 iter_args(%scan3A_52 = %broadcast_in_dim3A_35) -> (vector<16xi32>)  : i32 {
      %mul3A_53 = arith.constant 16 : i32
      %mul3A_54 = arith.muli %scan3A_51, %mul3A_53 : i32
      %get3A_55 = arith.index_cast %mul3A_54 : i32 to index
      %get3A_56 = tpu.vector_load %arg14[%get3A_55] {strides = array<i32>} : memref<8208xi32, #tpu.memory_space<vmem>>, vector<16xi32>,
      %mul3A_57 = arith.constant 16 : i32
      %mul3A_58 = arith.muli %scan3A_51, %mul3A_57 : i32
      %add3A_59 = vector.broadcast %mul3A_58 : i32 to vector<16xi32>
      %add3A_60 = arith.addi %iota3A, %add3A_59 : vector<16xi32>
      %add3A_61 = arith.constant 1 : i32
      %add3A_62 = vector.broadcast %add3A_61 : i32 to vector<16xi32>
      %add3A_63 = arith.addi %add3A_60, %add3A_62 : vector<16xi32>
      %gather3A = tpu.vector_load_idx %arg14[%add3A_63] : memref<8208xi32, #tpu.memory_space<vmem>>[vector<16xi32>], vector<16xi32>,
      %sub3A = arith.subi %gather3A, %get3A_56 : vector<16xi32>
      %mul3A_64 = arith.constant 16 : i32
      %mul3A_65 = vector.broadcast %mul3A_64 : i32 to vector<16xi32>
      %mul3A_66 = arith.muli %get3A_56, %mul3A_65 : vector<16xi32>
      %min3A = arith.constant 15 : i32
      %min3A_67 = vector.broadcast %min3A : i32 to vector<16xi32>
      %min3A_68 = arith.minsi %sub3A, %min3A_67 : vector<16xi32>
      %add3A_69 = arith.addi %mul3A_66, %min3A_68 : vector<16xi32>
      %mul3A_70 = arith.constant 16 : i32
      %mul3A_71 = arith.muli %scan3A_51, %mul3A_70 : i32
      %swap3A = arith.index_cast %mul3A_71 : i32 to index
      %swap3A_72 = tpu.vector_load %arg14[%swap3A] {strides = array<i32>} : memref<8208xi32, #tpu.memory_space<vmem>>, vector<16xi32>,
      tpu.vector_store %arg14[%swap3A], %add3A_69 {strides = array<i32>} : memref<8208xi32, #tpu.memory_space<vmem>>, vector<16xi32>,
      %max3A = arith.maxsi %scan3A_52, %sub3A : vector<16xi32>
      scf.yield %max3A : vector<16xi32>
    }
    %scan3A_41 = arith.constant 512 : i32
    %reduce_max3A = arith.constant true
    %reduce_max3A_42 = vector.broadcast %reduce_max3A : i1 to vector<16xi1>
    %reduce_max3A_43 = arith.constant -2147483648 : i32
    %reduce_max3A_44 = vector.broadcast %reduce_max3A_43 : i32 to vector<16xi32>
    %reduce_max3A_45 = arith.xori %scan3A_40, %reduce_max3A_44 : vector<16xi32>
    %reduce_max3A_46 = tpu.scan <max>, %reduce_max3A_45 masked %reduce_max3A_42 : vector<16xi32>, vector<16xi1> -> vector<16xi32>
    %reduce_max3A_47 = arith.xori %reduce_max3A_46, %reduce_max3A_44 : vector<16xi32>
    %reduce_max3A_48 = vector.extract %reduce_max3A_47[15] : i32 from vector<16xi32>
    %le3A = arith.constant 7 : i32
    %le3A_49 = arith.cmpi sle, %reduce_max3A_48, %le3A : i32
    %convert_element_type3A = arith.extui %le3A_49 : i1 to i32
    %cond3A = arith.constant 0 : i32
    %cond3A_50 = arith.cmpi ne, %convert_element_type3A, %cond3A : i32
    scf.if %cond3A_50 {
      %scan3A_51 = arith.constant 0 : i32
      %scan3A_52 = arith.constant 0 : i32
      %scan3A_53 = arith.constant 32 : i32
      %scan3A_54 = arith.addi %scan3A_52, %scan3A_53 : i32
      %scan3A_55 = arith.constant 1 : i32
      %scan3A_56 = scf.for %scan3A_58 = %scan3A_52 to %scan3A_54 step %scan3A_55 iter_args(%scan3A_59 = %scan3A_51) -> (i32)  : i32 {
        %mul3A_60 = arith.constant 524288 : i32
        %mul3A_61 = arith.muli %add3A, %mul3A_60 : i32
        %mul3A_62 = arith.constant 16384 : i32
        %mul3A_63 = arith.muli %scan3A_58, %mul3A_62 : i32
        %add3A_64 = arith.addi %mul3A_61, %mul3A_63 : i32
        "tpu.region"() ({
          %run_scoped3A = tpu.sem_alloc : memref<!tpu.dma_semaphore, #tpu.memory_space<semaphore_mem>>
          %dma_start3A = tpu.memref_slice %arg2[%add3A_64] : memref<16777216xf32, #tpu.memory_space<hbm>> -> memref<16384xf32, #tpu.memory_space<hbm>>
          %dma_start3A_68 = tpu.memref_slice %arg2[%add3A_64] : memref<16777216xf32, #tpu.memory_space<hbm>> -> memref<16384xf32, #tpu.memory_space<hbm>>
          tpu.enqueue_dma source(%dma_start3A_68 : memref<16384xf32, #tpu.memory_space<hbm>>) target(%arg15 : memref<16384xf32, #tpu.memory_space<vmem>>) target_semaphore(%run_scoped3A : memref<!tpu.dma_semaphore, #tpu.memory_space<semaphore_mem>>)
          %dma_wait3A = tpu.memref_slice %arg2[%add3A_64] : memref<16777216xf32, #tpu.memory_space<hbm>> -> memref<16384xf32, #tpu.memory_space<hbm>>
          %dma_wait3A_69 = tpu.memref_slice %arg2[%add3A_64] : memref<16777216xf32, #tpu.memory_space<hbm>> -> memref<16384xf32, #tpu.memory_space<hbm>>
          tpu.wait_dma2 semaphore(%run_scoped3A : memref<!tpu.dma_semaphore, #tpu.memory_space<semaphore_mem>>) src(%dma_wait3A_69 : memref<16384xf32, #tpu.memory_space<hbm>>) dst(%arg15 : memref<16384xf32, #tpu.memory_space<vmem>>)
          tpu.yield
        }) : () -> ()
        %parallel_loop3A = arith.constant 0 : i32
        %parallel_loop3A_65 = arith.constant 1024 : i32
        %parallel_loop3A_66 = arith.constant 1 : i32
        scf.for %parallel_loop3A_68 = %parallel_loop3A to %parallel_loop3A_65 step %parallel_loop3A_66  : i32 {
          %parallel_loop3A_69 = arith.constant 16 : i32
          %parallel_loop3A_70 = arith.muli %parallel_loop3A_68, %parallel_loop3A_69 : i32
          %parallel_loop3A_71 = arith.index_cast %parallel_loop3A_70 : i32 to index
          %parallel_loop3A_72 = tpu.vector_load %arg15[%parallel_loop3A_71] {strides = array<i32>} : memref<16384xf32, #tpu.memory_space<vmem>>, vector<16xf32>,
          %parallel_loop3A_73 = vector.broadcast %squeeze3A_5 : f32 to vector<16xf32>
          %parallel_loop3A_74 = arith.subf %parallel_loop3A_72, %parallel_loop3A_73 : vector<16xf32>
          %parallel_loop3A_75 = vector.broadcast %squeeze3A_7 : f32 to vector<16xf32>
          %parallel_loop3A_76 = arith.mulf %parallel_loop3A_74, %parallel_loop3A_75 : vector<16xf32>
          %parallel_loop3A_77 = arith.constant 0.000000e+00 : f32
          %parallel_loop3A_78 = arith.constant 8.191000e+03 : f32
          %parallel_loop3A_79 = vector.broadcast %parallel_loop3A_77 : f32 to vector<16xf32>
          %parallel_loop3A_80 = arith.maximumf %parallel_loop3A_79, %parallel_loop3A_76 : vector<16xf32>
          %parallel_loop3A_81 = vector.broadcast %parallel_loop3A_78 : f32 to vector<16xf32>
          %parallel_loop3A_82 = arith.minimumf %parallel_loop3A_81, %parallel_loop3A_80 : vector<16xf32>
          %parallel_loop3A_83 = arith.fptosi %parallel_loop3A_82 : vector<16xf32> to vector<16xi32>
          %parallel_loop3A_84 = tpu.vector_load_idx %arg14[%parallel_loop3A_83] : memref<8208xi32, #tpu.memory_space<vmem>>[vector<16xi32>], vector<16xi32>,
          %parallel_loop3A_85 = arith.constant 4 : i32
          %parallel_loop3A_86 = vector.broadcast %parallel_loop3A_85 : i32 to vector<16xi32>
          %parallel_loop3A_87 = arith.shrui %parallel_loop3A_84, %parallel_loop3A_86 : vector<16xi32>
          %parallel_loop3A_88 = arith.constant 15 : i32
          %parallel_loop3A_89 = vector.broadcast %parallel_loop3A_88 : i32 to vector<16xi32>
          %parallel_loop3A_90 = arith.andi %parallel_loop3A_84, %parallel_loop3A_89 : vector<16xi32>
          %parallel_loop3A_91 = arith.constant 0 : i32
          %parallel_loop3A_92 = vector.broadcast %parallel_loop3A_91 : i32 to vector<16xi32>
          %parallel_loop3A_93 = arith.addi %parallel_loop3A_87, %parallel_loop3A_92 : vector<16xi32>
          %parallel_loop3A_94 = arith.constant 3 : i32
          %parallel_loop3A_95 = vector.broadcast %parallel_loop3A_94 : i32 to vector<16xi32>
          %parallel_loop3A_96 = arith.addi %parallel_loop3A_93, %parallel_loop3A_95 : vector<16xi32>
          %parallel_loop3A_97 = arith.constant 1023 : i32
          %parallel_loop3A_98 = vector.broadcast %parallel_loop3A_97 : i32 to vector<16xi32>
          %parallel_loop3A_99 = arith.minsi %parallel_loop3A_96, %parallel_loop3A_98 : vector<16xi32>
          %parallel_loop3A_100 = tpu.vector_load_idx %arg10[%parallel_loop3A_99] : memref<1024xf32, #tpu.memory_space<vmem>>[vector<16xi32>], vector<16xf32>,
          %parallel_loop3A_101 = arith.constant 4 : i32
          %parallel_loop3A_102 = vector.broadcast %parallel_loop3A_101 : i32 to vector<16xi32>
          %parallel_loop3A_103 = arith.addi %parallel_loop3A_92, %parallel_loop3A_102 : vector<16xi32>
          %parallel_loop3A_104 = arith.cmpi sle, %parallel_loop3A_103, %parallel_loop3A_90 : vector<16xi32>
          %parallel_loop3A_105 = arith.cmpf ole, %parallel_loop3A_100, %parallel_loop3A_72 : vector<16xf32>
          %parallel_loop3A_106 = arith.andi %parallel_loop3A_104, %parallel_loop3A_105 : vector<16xi1>
          %parallel_loop3A_107 = arith.extui %parallel_loop3A_106 : vector<16xi1> to vector<16xi32>
          %parallel_loop3A_108 = arith.constant 4 : i32
          %parallel_loop3A_109 = vector.broadcast %parallel_loop3A_108 : i32 to vector<16xi32>
          %parallel_loop3A_110 = arith.muli %parallel_loop3A_109, %parallel_loop3A_107 : vector<16xi32>
          %parallel_loop3A_111 = arith.addi %parallel_loop3A_92, %parallel_loop3A_110 : vector<16xi32>
          %parallel_loop3A_112 = arith.addi %parallel_loop3A_87, %parallel_loop3A_111 : vector<16xi32>
          %parallel_loop3A_113 = arith.constant 1 : i32
          %parallel_loop3A_114 = vector.broadcast %parallel_loop3A_113 : i32 to vector<16xi32>
          %parallel_loop3A_115 = arith.addi %parallel_loop3A_112, %parallel_loop3A_114 : vector<16xi32>
          %parallel_loop3A_116 = arith.constant 1023 : i32
          %parallel_loop3A_117 = vector.broadcast %parallel_loop3A_116 : i32 to vector<16xi32>
          %parallel_loop3A_118 = arith.minsi %parallel_loop3A_115, %parallel_loop3A_117 : vector<16xi32>
          %parallel_loop3A_119 = tpu.vector_load_idx %arg10[%parallel_loop3A_118] : memref<1024xf32, #tpu.memory_space<vmem>>[vector<16xi32>], vector<16xf32>,
          %parallel_loop3A_120 = arith.constant 2 : i32
          %parallel_loop3A_121 = vector.broadcast %parallel_loop3A_120 : i32 to vector<16xi32>
          %parallel_loop3A_122 = arith.addi %parallel_loop3A_111, %parallel_loop3A_121 : vector<16xi32>
          %parallel_loop3A_123 = arith.cmpi sle, %parallel_loop3A_122, %parallel_loop3A_90 : vector<16xi32>
          %parallel_loop3A_124 = arith.cmpf ole, %parallel_loop3A_119, %parallel_loop3A_72 : vector<16xf32>
          %parallel_loop3A_125 = arith.andi %parallel_loop3A_123, %parallel_loop3A_124 : vector<16xi1>
          %parallel_loop3A_126 = arith.extui %parallel_loop3A_125 : vector<16xi1> to vector<16xi32>
          %parallel_loop3A_127 = arith.constant 2 : i32
          %parallel_loop3A_128 = vector.broadcast %parallel_loop3A_127 : i32 to vector<16xi32>
          %parallel_loop3A_129 = arith.muli %parallel_loop3A_128, %parallel_loop3A_126 : vector<16xi32>
          %parallel_loop3A_130 = arith.addi %parallel_loop3A_111, %parallel_loop3A_129 : vector<16xi32>
          %parallel_loop3A_131 = arith.addi %parallel_loop3A_87, %parallel_loop3A_130 : vector<16xi32>
          %parallel_loop3A_132 = arith.constant 0 : i32
          %parallel_loop3A_133 = vector.broadcast %parallel_loop3A_132 : i32 to vector<16xi32>
          %parallel_loop3A_134 = arith.addi %parallel_loop3A_131, %parallel_loop3A_133 : vector<16xi32>
          %parallel_loop3A_135 = arith.constant 1023 : i32
          %parallel_loop3A_136 = vector.broadcast %parallel_loop3A_135 : i32 to vector<16xi32>
          %parallel_loop3A_137 = arith.minsi %parallel_loop3A_134, %parallel_loop3A_136 : vector<16xi32>
          %parallel_loop3A_138 = tpu.vector_load_idx %arg10[%parallel_loop3A_137] : memref<1024xf32, #tpu.memory_space<vmem>>[vector<16xi32>], vector<16xf32>,
          %parallel_loop3A_139 = arith.constant 1 : i32
          %parallel_loop3A_140 = vector.broadcast %parallel_loop3A_139 : i32 to vector<16xi32>
          %parallel_loop3A_141 = arith.addi %parallel_loop3A_130, %parallel_loop3A_140 : vector<16xi32>
          %parallel_loop3A_142 = arith.cmpi sle, %parallel_loop3A_141, %parallel_loop3A_90 : vector<16xi32>
          %parallel_loop3A_143 = arith.cmpf ole, %parallel_loop3A_138, %parallel_loop3A_72 : vector<16xf32>
          %parallel_loop3A_144 = arith.andi %parallel_loop3A_142, %parallel_loop3A_143 : vector<16xi1>
          %parallel_loop3A_145 = arith.extui %parallel_loop3A_144 : vector<16xi1> to vector<16xi32>
          %parallel_loop3A_146 = arith.constant 1 : i32
          %parallel_loop3A_147 = vector.broadcast %parallel_loop3A_146 : i32 to vector<16xi32>
          %parallel_loop3A_148 = arith.muli %parallel_loop3A_147, %parallel_loop3A_145 : vector<16xi32>
          %parallel_loop3A_149 = arith.addi %parallel_loop3A_130, %parallel_loop3A_148 : vector<16xi32>
          %parallel_loop3A_150 = arith.addi %parallel_loop3A_87, %parallel_loop3A_149 : vector<16xi32>
          %parallel_loop3A_151 = tpu.vector_load_idx %arg9[%parallel_loop3A_150] : memref<1024xf32, #tpu.memory_space<vmem>>[vector<16xi32>], vector<16xf32>,
          %parallel_loop3A_152 = arith.index_cast %parallel_loop3A_70 : i32 to index
          %parallel_loop3A_153 = tpu.vector_load %arg16[%parallel_loop3A_152] {strides = array<i32>} : memref<16384xf32, #tpu.memory_space<vmem>>, vector<16xf32>,
          tpu.vector_store %arg16[%parallel_loop3A_152], %parallel_loop3A_151 {strides = array<i32>} : memref<16384xf32, #tpu.memory_space<vmem>>, vector<16xf32>,
        } {sc.loop_unroll_factor = 8 : i64, sc.parallel_access}
        "tpu.region"() ({
          %run_scoped3A = tpu.sem_alloc : memref<!tpu.dma_semaphore, #tpu.memory_space<semaphore_mem>>
          %dma_start3A = tpu.memref_slice %arg6[%add3A_64] : memref<16777216xf32, #tpu.memory_space<hbm>> -> memref<16384xf32, #tpu.memory_space<hbm>>
          %dma_start3A_68 = tpu.memref_slice %arg6[%add3A_64] : memref<16777216xf32, #tpu.memory_space<hbm>> -> memref<16384xf32, #tpu.memory_space<hbm>>
          tpu.enqueue_dma source(%arg16 : memref<16384xf32, #tpu.memory_space<vmem>>) target(%dma_start3A_68 : memref<16384xf32, #tpu.memory_space<hbm>>) target_semaphore(%run_scoped3A : memref<!tpu.dma_semaphore, #tpu.memory_space<semaphore_mem>>)
          %dma_wait3A = tpu.memref_slice %arg6[%add3A_64] : memref<16777216xf32, #tpu.memory_space<hbm>> -> memref<16384xf32, #tpu.memory_space<hbm>>
          %dma_wait3A_69 = tpu.memref_slice %arg6[%add3A_64] : memref<16777216xf32, #tpu.memory_space<hbm>> -> memref<16384xf32, #tpu.memory_space<hbm>>
          tpu.wait_dma2 semaphore(%run_scoped3A : memref<!tpu.dma_semaphore, #tpu.memory_space<semaphore_mem>>) src(%arg16 : memref<16384xf32, #tpu.memory_space<vmem>>) dst(%dma_wait3A_69 : memref<16384xf32, #tpu.memory_space<hbm>>)
          tpu.yield
        }) : () -> ()
        %scan3A_67 = arith.constant 0 : i32
        scf.yield %scan3A_67 : i32
      }
      %scan3A_57 = arith.constant 32 : i32
    } else {
      %scan3A_51 = arith.constant 0 : i32
      %scan3A_52 = arith.constant 0 : i32
      %scan3A_53 = arith.constant 32 : i32
      %scan3A_54 = arith.addi %scan3A_52, %scan3A_53 : i32
      %scan3A_55 = arith.constant 1 : i32
      %scan3A_56 = scf.for %scan3A_58 = %scan3A_52 to %scan3A_54 step %scan3A_55 iter_args(%scan3A_59 = %scan3A_51) -> (i32)  : i32 {
        %mul3A_60 = arith.constant 524288 : i32
        %mul3A_61 = arith.muli %add3A, %mul3A_60 : i32
        %mul3A_62 = arith.constant 16384 : i32
        %mul3A_63 = arith.muli %scan3A_58, %mul3A_62 : i32
        %add3A_64 = arith.addi %mul3A_61, %mul3A_63 : i32
        "tpu.region"() ({
          %run_scoped3A = tpu.sem_alloc : memref<!tpu.dma_semaphore, #tpu.memory_space<semaphore_mem>>
          %dma_start3A = tpu.memref_slice %arg2[%add3A_64] : memref<16777216xf32, #tpu.memory_space<hbm>> -> memref<16384xf32, #tpu.memory_space<hbm>>
          %dma_start3A_68 = tpu.memref_slice %arg2[%add3A_64] : memref<16777216xf32, #tpu.memory_space<hbm>> -> memref<16384xf32, #tpu.memory_space<hbm>>
          tpu.enqueue_dma source(%dma_start3A_68 : memref<16384xf32, #tpu.memory_space<hbm>>) target(%arg15 : memref<16384xf32, #tpu.memory_space<vmem>>) target_semaphore(%run_scoped3A : memref<!tpu.dma_semaphore, #tpu.memory_space<semaphore_mem>>)
          %dma_wait3A = tpu.memref_slice %arg2[%add3A_64] : memref<16777216xf32, #tpu.memory_space<hbm>> -> memref<16384xf32, #tpu.memory_space<hbm>>
          %dma_wait3A_69 = tpu.memref_slice %arg2[%add3A_64] : memref<16777216xf32, #tpu.memory_space<hbm>> -> memref<16384xf32, #tpu.memory_space<hbm>>
          tpu.wait_dma2 semaphore(%run_scoped3A : memref<!tpu.dma_semaphore, #tpu.memory_space<semaphore_mem>>) src(%dma_wait3A_69 : memref<16384xf32, #tpu.memory_space<hbm>>) dst(%arg15 : memref<16384xf32, #tpu.memory_space<vmem>>)
          tpu.yield
        }) : () -> ()
        %parallel_loop3A = arith.constant 0 : i32
        %parallel_loop3A_65 = arith.constant 1024 : i32
        %parallel_loop3A_66 = arith.constant 1 : i32
        scf.for %parallel_loop3A_68 = %parallel_loop3A to %parallel_loop3A_65 step %parallel_loop3A_66  : i32 {
          %parallel_loop3A_69 = arith.constant 16 : i32
          %parallel_loop3A_70 = arith.muli %parallel_loop3A_68, %parallel_loop3A_69 : i32
          %parallel_loop3A_71 = arith.index_cast %parallel_loop3A_70 : i32 to index
          %parallel_loop3A_72 = tpu.vector_load %arg15[%parallel_loop3A_71] {strides = array<i32>} : memref<16384xf32, #tpu.memory_space<vmem>>, vector<16xf32>,
          %parallel_loop3A_73 = arith.constant 0 : i32
          %parallel_loop3A_74 = vector.broadcast %parallel_loop3A_73 : i32 to vector<16xi32>
          %parallel_loop3A_75 = arith.constant 511 : i32
          %parallel_loop3A_76 = vector.broadcast %parallel_loop3A_75 : i32 to vector<16xi32>
          %parallel_loop3A_77 = arith.addi %parallel_loop3A_74, %parallel_loop3A_76 : vector<16xi32>
          %parallel_loop3A_78 = tpu.vector_load_idx %arg8[%parallel_loop3A_77] : memref<1024xf32, #tpu.memory_space<vmem>>[vector<16xi32>], vector<16xf32>,
          %parallel_loop3A_79 = arith.cmpf olt, %parallel_loop3A_78, %parallel_loop3A_72 : vector<16xf32>
          %parallel_loop3A_80 = arith.extui %parallel_loop3A_79 : vector<16xi1> to vector<16xi32>
          %parallel_loop3A_81 = arith.constant 512 : i32
          %parallel_loop3A_82 = vector.broadcast %parallel_loop3A_81 : i32 to vector<16xi32>
          %parallel_loop3A_83 = arith.muli %parallel_loop3A_82, %parallel_loop3A_80 : vector<16xi32>
          %parallel_loop3A_84 = arith.addi %parallel_loop3A_74, %parallel_loop3A_83 : vector<16xi32>
          %parallel_loop3A_85 = arith.constant 255 : i32
          %parallel_loop3A_86 = vector.broadcast %parallel_loop3A_85 : i32 to vector<16xi32>
          %parallel_loop3A_87 = arith.addi %parallel_loop3A_84, %parallel_loop3A_86 : vector<16xi32>
          %parallel_loop3A_88 = tpu.vector_load_idx %arg8[%parallel_loop3A_87] : memref<1024xf32, #tpu.memory_space<vmem>>[vector<16xi32>], vector<16xf32>,
          %parallel_loop3A_89 = arith.cmpf olt, %parallel_loop3A_88, %parallel_loop3A_72 : vector<16xf32>
          %parallel_loop3A_90 = arith.extui %parallel_loop3A_89 : vector<16xi1> to vector<16xi32>
          %parallel_loop3A_91 = arith.constant 256 : i32
          %parallel_loop3A_92 = vector.broadcast %parallel_loop3A_91 : i32 to vector<16xi32>
          %parallel_loop3A_93 = arith.muli %parallel_loop3A_92, %parallel_loop3A_90 : vector<16xi32>
          %parallel_loop3A_94 = arith.addi %parallel_loop3A_84, %parallel_loop3A_93 : vector<16xi32>
          %parallel_loop3A_95 = arith.constant 127 : i32
          %parallel_loop3A_96 = vector.broadcast %parallel_loop3A_95 : i32 to vector<16xi32>
          %parallel_loop3A_97 = arith.addi %parallel_loop3A_94, %parallel_loop3A_96 : vector<16xi32>
          %parallel_loop3A_98 = tpu.vector_load_idx %arg8[%parallel_loop3A_97] : memref<1024xf32, #tpu.memory_space<vmem>>[vector<16xi32>], vector<16xf32>,
          %parallel_loop3A_99 = arith.cmpf olt, %parallel_loop3A_98, %parallel_loop3A_72 : vector<16xf32>
          %parallel_loop3A_100 = arith.extui %parallel_loop3A_99 : vector<16xi1> to vector<16xi32>
          %parallel_loop3A_101 = arith.constant 128 : i32
          %parallel_loop3A_102 = vector.broadcast %parallel_loop3A_101 : i32 to vector<16xi32>
          %parallel_loop3A_103 = arith.muli %parallel_loop3A_102, %parallel_loop3A_100 : vector<16xi32>
          %parallel_loop3A_104 = arith.addi %parallel_loop3A_94, %parallel_loop3A_103 : vector<16xi32>
          %parallel_loop3A_105 = arith.constant 63 : i32
          %parallel_loop3A_106 = vector.broadcast %parallel_loop3A_105 : i32 to vector<16xi32>
          %parallel_loop3A_107 = arith.addi %parallel_loop3A_104, %parallel_loop3A_106 : vector<16xi32>
          %parallel_loop3A_108 = tpu.vector_load_idx %arg8[%parallel_loop3A_107] : memref<1024xf32, #tpu.memory_space<vmem>>[vector<16xi32>], vector<16xf32>,
          %parallel_loop3A_109 = arith.cmpf olt, %parallel_loop3A_108, %parallel_loop3A_72 : vector<16xf32>
          %parallel_loop3A_110 = arith.extui %parallel_loop3A_109 : vector<16xi1> to vector<16xi32>
          %parallel_loop3A_111 = arith.constant 64 : i32
          %parallel_loop3A_112 = vector.broadcast %parallel_loop3A_111 : i32 to vector<16xi32>
          %parallel_loop3A_113 = arith.muli %parallel_loop3A_112, %parallel_loop3A_110 : vector<16xi32>
          %parallel_loop3A_114 = arith.addi %parallel_loop3A_104, %parallel_loop3A_113 : vector<16xi32>
          %parallel_loop3A_115 = arith.constant 31 : i32
          %parallel_loop3A_116 = vector.broadcast %parallel_loop3A_115 : i32 to vector<16xi32>
          %parallel_loop3A_117 = arith.addi %parallel_loop3A_114, %parallel_loop3A_116 : vector<16xi32>
          %parallel_loop3A_118 = tpu.vector_load_idx %arg8[%parallel_loop3A_117] : memref<1024xf32, #tpu.memory_space<vmem>>[vector<16xi32>], vector<16xf32>,
          %parallel_loop3A_119 = arith.cmpf olt, %parallel_loop3A_118, %parallel_loop3A_72 : vector<16xf32>
          %parallel_loop3A_120 = arith.extui %parallel_loop3A_119 : vector<16xi1> to vector<16xi32>
          %parallel_loop3A_121 = arith.constant 32 : i32
          %parallel_loop3A_122 = vector.broadcast %parallel_loop3A_121 : i32 to vector<16xi32>
          %parallel_loop3A_123 = arith.muli %parallel_loop3A_122, %parallel_loop3A_120 : vector<16xi32>
          %parallel_loop3A_124 = arith.addi %parallel_loop3A_114, %parallel_loop3A_123 : vector<16xi32>
          %parallel_loop3A_125 = arith.constant 15 : i32
          %parallel_loop3A_126 = vector.broadcast %parallel_loop3A_125 : i32 to vector<16xi32>
          %parallel_loop3A_127 = arith.addi %parallel_loop3A_124, %parallel_loop3A_126 : vector<16xi32>
          %parallel_loop3A_128 = tpu.vector_load_idx %arg8[%parallel_loop3A_127] : memref<1024xf32, #tpu.memory_space<vmem>>[vector<16xi32>], vector<16xf32>,
          %parallel_loop3A_129 = arith.cmpf olt, %parallel_loop3A_128, %parallel_loop3A_72 : vector<16xf32>
          %parallel_loop3A_130 = arith.extui %parallel_loop3A_129 : vector<16xi1> to vector<16xi32>
          %parallel_loop3A_131 = arith.constant 16 : i32
          %parallel_loop3A_132 = vector.broadcast %parallel_loop3A_131 : i32 to vector<16xi32>
          %parallel_loop3A_133 = arith.muli %parallel_loop3A_132, %parallel_loop3A_130 : vector<16xi32>
          %parallel_loop3A_134 = arith.addi %parallel_loop3A_124, %parallel_loop3A_133 : vector<16xi32>
          %parallel_loop3A_135 = arith.constant 7 : i32
          %parallel_loop3A_136 = vector.broadcast %parallel_loop3A_135 : i32 to vector<16xi32>
          %parallel_loop3A_137 = arith.addi %parallel_loop3A_134, %parallel_loop3A_136 : vector<16xi32>
          %parallel_loop3A_138 = tpu.vector_load_idx %arg8[%parallel_loop3A_137] : memref<1024xf32, #tpu.memory_space<vmem>>[vector<16xi32>], vector<16xf32>,
          %parallel_loop3A_139 = arith.cmpf olt, %parallel_loop3A_138, %parallel_loop3A_72 : vector<16xf32>
          %parallel_loop3A_140 = arith.extui %parallel_loop3A_139 : vector<16xi1> to vector<16xi32>
          %parallel_loop3A_141 = arith.constant 8 : i32
          %parallel_loop3A_142 = vector.broadcast %parallel_loop3A_141 : i32 to vector<16xi32>
          %parallel_loop3A_143 = arith.muli %parallel_loop3A_142, %parallel_loop3A_140 : vector<16xi32>
          %parallel_loop3A_144 = arith.addi %parallel_loop3A_134, %parallel_loop3A_143 : vector<16xi32>
          %parallel_loop3A_145 = arith.constant 3 : i32
          %parallel_loop3A_146 = vector.broadcast %parallel_loop3A_145 : i32 to vector<16xi32>
          %parallel_loop3A_147 = arith.addi %parallel_loop3A_144, %parallel_loop3A_146 : vector<16xi32>
          %parallel_loop3A_148 = tpu.vector_load_idx %arg8[%parallel_loop3A_147] : memref<1024xf32, #tpu.memory_space<vmem>>[vector<16xi32>], vector<16xf32>,
          %parallel_loop3A_149 = arith.cmpf olt, %parallel_loop3A_148, %parallel_loop3A_72 : vector<16xf32>
          %parallel_loop3A_150 = arith.extui %parallel_loop3A_149 : vector<16xi1> to vector<16xi32>
          %parallel_loop3A_151 = arith.constant 4 : i32
          %parallel_loop3A_152 = vector.broadcast %parallel_loop3A_151 : i32 to vector<16xi32>
          %parallel_loop3A_153 = arith.muli %parallel_loop3A_152, %parallel_loop3A_150 : vector<16xi32>
          %parallel_loop3A_154 = arith.addi %parallel_loop3A_144, %parallel_loop3A_153 : vector<16xi32>
          %parallel_loop3A_155 = arith.constant 1 : i32
          %parallel_loop3A_156 = vector.broadcast %parallel_loop3A_155 : i32 to vector<16xi32>
          %parallel_loop3A_157 = arith.addi %parallel_loop3A_154, %parallel_loop3A_156 : vector<16xi32>
          %parallel_loop3A_158 = tpu.vector_load_idx %arg8[%parallel_loop3A_157] : memref<1024xf32, #tpu.memory_space<vmem>>[vector<16xi32>], vector<16xf32>,
          %parallel_loop3A_159 = arith.cmpf olt, %parallel_loop3A_158, %parallel_loop3A_72 : vector<16xf32>
          %parallel_loop3A_160 = arith.extui %parallel_loop3A_159 : vector<16xi1> to vector<16xi32>
          %parallel_loop3A_161 = arith.constant 2 : i32
          %parallel_loop3A_162 = vector.broadcast %parallel_loop3A_161 : i32 to vector<16xi32>
          %parallel_loop3A_163 = arith.muli %parallel_loop3A_162, %parallel_loop3A_160 : vector<16xi32>
          %parallel_loop3A_164 = arith.addi %parallel_loop3A_154, %parallel_loop3A_163 : vector<16xi32>
          %parallel_loop3A_165 = arith.constant 0 : i32
          %parallel_loop3A_166 = vector.broadcast %parallel_loop3A_165 : i32 to vector<16xi32>
          %parallel_loop3A_167 = arith.addi %parallel_loop3A_164, %parallel_loop3A_166 : vector<16xi32>
          %parallel_loop3A_168 = tpu.vector_load_idx %arg8[%parallel_loop3A_167] : memref<1024xf32, #tpu.memory_space<vmem>>[vector<16xi32>], vector<16xf32>,
          %parallel_loop3A_169 = arith.cmpf olt, %parallel_loop3A_168, %parallel_loop3A_72 : vector<16xf32>
          %parallel_loop3A_170 = arith.extui %parallel_loop3A_169 : vector<16xi1> to vector<16xi32>
          %parallel_loop3A_171 = arith.constant 1 : i32
          %parallel_loop3A_172 = vector.broadcast %parallel_loop3A_171 : i32 to vector<16xi32>
          %parallel_loop3A_173 = arith.muli %parallel_loop3A_172, %parallel_loop3A_170 : vector<16xi32>
          %parallel_loop3A_174 = arith.addi %parallel_loop3A_164, %parallel_loop3A_173 : vector<16xi32>
          %parallel_loop3A_175 = arith.constant 1 : i32
          %parallel_loop3A_176 = vector.broadcast %parallel_loop3A_175 : i32 to vector<16xi32>
          %parallel_loop3A_177 = arith.maxsi %parallel_loop3A_174, %parallel_loop3A_176 : vector<16xi32>
          %parallel_loop3A_178 = arith.constant 1 : i32
          %parallel_loop3A_179 = vector.broadcast %parallel_loop3A_178 : i32 to vector<16xi32>
          %parallel_loop3A_180 = arith.subi %parallel_loop3A_177, %parallel_loop3A_179 : vector<16xi32>
          %parallel_loop3A_181 = tpu.vector_load_idx %arg8[%parallel_loop3A_180] : memref<1024xf32, #tpu.memory_space<vmem>>[vector<16xi32>], vector<16xf32>,
          %parallel_loop3A_182 = tpu.vector_load_idx %arg8[%parallel_loop3A_177] : memref<1024xf32, #tpu.memory_space<vmem>>[vector<16xi32>], vector<16xf32>,
          %parallel_loop3A_183 = arith.subf %parallel_loop3A_72, %parallel_loop3A_181 : vector<16xf32>
          %parallel_loop3A_184 = math.absf %parallel_loop3A_183 : vector<16xf32>
          %parallel_loop3A_185 = arith.subf %parallel_loop3A_72, %parallel_loop3A_182 : vector<16xf32>
          %parallel_loop3A_186 = math.absf %parallel_loop3A_185 : vector<16xf32>
          %parallel_loop3A_187 = arith.cmpf olt, %parallel_loop3A_184, %parallel_loop3A_186 : vector<16xf32>
          %parallel_loop3A_188 = arith.extui %parallel_loop3A_187 : vector<16xi1> to vector<16xi32>
          %parallel_loop3A_189 = arith.subi %parallel_loop3A_177, %parallel_loop3A_188 : vector<16xi32>
          %parallel_loop3A_190 = tpu.vector_load_idx %arg9[%parallel_loop3A_189] : memref<1024xf32, #tpu.memory_space<vmem>>[vector<16xi32>], vector<16xf32>,
          %parallel_loop3A_191 = arith.index_cast %parallel_loop3A_70 : i32 to index
          %parallel_loop3A_192 = tpu.vector_load %arg16[%parallel_loop3A_191] {strides = array<i32>} : memref<16384xf32, #tpu.memory_space<vmem>>, vector<16xf32>,
          tpu.vector_store %arg16[%parallel_loop3A_191], %parallel_loop3A_190 {strides = array<i32>} : memref<16384xf32, #tpu.memory_space<vmem>>, vector<16xf32>,
        } {sc.loop_unroll_factor = 8 : i64, sc.parallel_access}
        "tpu.region"() ({
          %run_scoped3A = tpu.sem_alloc : memref<!tpu.dma_semaphore, #tpu.memory_space<semaphore_mem>>
          %dma_start3A = tpu.memref_slice %arg6[%add3A_64] : memref<16777216xf32, #tpu.memory_space<hbm>> -> memref<16384xf32, #tpu.memory_space<hbm>>
          %dma_start3A_68 = tpu.memref_slice %arg6[%add3A_64] : memref<16777216xf32, #tpu.memory_space<hbm>> -> memref<16384xf32, #tpu.memory_space<hbm>>
          tpu.enqueue_dma source(%arg16 : memref<16384xf32, #tpu.memory_space<vmem>>) target(%dma_start3A_68 : memref<16384xf32, #tpu.memory_space<hbm>>) target_semaphore(%run_scoped3A : memref<!tpu.dma_semaphore, #tpu.memory_space<semaphore_mem>>)
          %dma_wait3A = tpu.memref_slice %arg6[%add3A_64] : memref<16777216xf32, #tpu.memory_space<hbm>> -> memref<16384xf32, #tpu.memory_space<hbm>>
          %dma_wait3A_69 = tpu.memref_slice %arg6[%add3A_64] : memref<16777216xf32, #tpu.memory_space<hbm>> -> memref<16384xf32, #tpu.memory_space<hbm>>
          tpu.wait_dma2 semaphore(%run_scoped3A : memref<!tpu.dma_semaphore, #tpu.memory_space<semaphore_mem>>) src(%arg16 : memref<16384xf32, #tpu.memory_space<vmem>>) dst(%dma_wait3A_69 : memref<16384xf32, #tpu.memory_space<hbm>>)
          tpu.yield
        }) : () -> ()
        %scan3A_67 = arith.constant 0 : i32
        scf.yield %scan3A_67 : i32
      }
      %scan3A_57 = arith.constant 32 : i32
    }
    return
  }
}

</mosaic_0001>

<sc_bundles>
// kernel: _run.3.cloned.1.call-start
scs
__scs_entry_jumppad:
0x0: {  	(pc) =	sbr.rel $0x88, $3  }
0x1: {  	(tag) =	ssettag $0x0;
	lr =	simm.s32 $0x1  }
0x2: {  	[smem:$0x3F9C] =	sst lr;
	_ =	strace $0xD0000000  }
0x3: {  	_ = 	snop  }
0x4: {  	_ = 	snop  }
0x5: {  	_ = 	snop  }
0x6: {  	_ = 	snop  }
0x7: {  	_ = 	snop  }
__scs_overlays_trampoline_lowered:
0x8: {  	[smem:$0x3FAB] =	sst s0  }
0x9: {  	[smem:$0x3FAC] =	sst s1  }
0xa: {  	[smem:$0x3FAD] =	sst s2  }
0xb: {  	[smem:$0x3FAE] =	sst s3  }
0xc: {  	[smem:$0x3FAF] =	sst s4  }
0xd: {  	[smem:$0x3FB0] =	sst s5  }
0xe: {  	[smem:$0x3FB1] =	sst s6  }
0xf: {  	[smem:$0x3FB2] =	sst s7  }
0x10: {  	[smem:$0x3FB3] =	sst s8  }
0x11: {  	[smem:$0x3FB4] =	sst s9;
	s0 =	simm.s32 @!p0 $0x0  }
0x12: {  	s1 =	sld [smem:$0x3F9A];
	s0 =	simm.s32 @p0 $0x1  }
0x13: {  	[smem:$0x3FB5] =	sst s0;
	s0 =	simm.s32 @!p1 $0x0  }
0x14: {  	s2 =	sld [smem:$0x3F99];
	s0 =	simm.s32 @p1 $0x1  }
0x15: {  	[smem:$0x3FB6] =	sst s0;
	s0 =	simm.s32 @!p2 $0x0  }
0x16: {  	s3 =	sld [smem:$0x3FDB];
	s0 =	simm.s32 @p2 $0x1  }
0x17: {  	s4 =	simm.s32 $0x1BF5;
	[smem:$0x3FB8] =	sst s0  }
0x18: {  	s0 =	sld [smem:$0x3F9B];
	_ =	swait.ge [sflag:s4], $0x0  }
0x19: {  	s7 =	sld [smem:$0x3F9C]  }
0x1a: {  	s8 =	sadd.s32 $0xFFFFE003, lr  }
0x1b: {  	s9 =	sadd.s32 $0xFFFFFEF7, lr;
	s5 =	simm.s32 $0xFFFFFFFF;
	p2 =	slt.u32 s8, $0xFFFFF086  }
0x1c: {  	p1 =	slt.u32 s9, $0xF7A;
	s5 =	simm.s32 @!p2 $0x0  }
0x1d: {  	s5 =	simm.s32 @p1 $0x1;
	p0 =	seq.s32 s7, s2  }
0x1e: {  	s7 =	smul.u32 @!p0 $0xF7A, s2;
	p2 =	seq.s32 @!p0 s5, $0x0  }
0x1f: {  	s9 =	smul.u32 $0xF7A, s1;
	s8 =	simm.s32 @!p0 $0x1BF5;
	p2 =	por !p2, p0  }
0x20: {  	[sflag:s8] =	ssyncset.s32 @!p0 $0xFFFFF086;
	s6 =	sadd.s32 @!p0 s3, s7;
	s7 =	simm.s32 @!p0 $0x108  }
0x21: {  	s3 =	sadd.s32 s3, s9;
	s6 =	sadd.s32 @!p0 $0x88, s6;
	s7 =	simm.s32 @p2 $0x1082  }
0x22: {  	[simem:s7], [sflag:s8] =	dma.local @!p0 [hbm:s6], $0xF7A  }
0x23: {  	s9 =	sor.u32 $0xD0000000, s2;
	s6 =	simm.s32 $0x108;
	_ =	swait.ge @!p0 [sflag:s8], $0x0  }
0x24: {  	s3 =	sadd.s32 $0x88, s3;
	s6 =	simm.s32 @!p1 $0x1082;
	[sflag:s4] =	ssyncset.s32 $0xFFFFF086  }
0x25: {  	[simem:s6], [sflag:s4] =	dma.local [hbm:s3], $0xF7A  }
0x26: {  	[smem:$0x3F9C] =	sst s1;
	(tag) =	ssettag s2;
	_ =	strace s9  }
0x27: {  	s1 =	sld [smem:$0x3FAC]  }
0x28: {  	s2 =	sld [smem:$0x3FAD]  }
0x29: {  	s4 =	sld [smem:$0x3FAF]  }
0x2a: {  	p0 =	seq.s32 s5, $0x0;
	s5 =	sld [smem:$0x3FB0]  }
0x2b: {  	s6 =	sld [smem:$0x3FB1]  }
0x2c: {  	s7 =	sld [smem:$0x3FB2]  }
0x2d: {  	s3 =	simm.s32 $0x108;
	s8 =	sld [smem:$0x3FB3]  }
0x2e: {  	s3 =	simm.s32 @!p0 $0x1082;
	s9 =	sld [smem:$0x3FB4]  }
0x2f: {  	lr =	sadd.s32 s0, s3;
	s0 =	sld [smem:$0x3FAB]  }
0x30: {  	s3 =	sld [smem:$0x3FAE]  }
0x31: {  	[smem:$0x3FB7] =	sst s10  }
0x32: {  	s10 =	sld [smem:$0x3FB5];
	_ =	sdelay $0x3  }
0x33: {  	p0 =	seq.s32 s10, $0x1;
	s10 =	sld [smem:$0x3FB7];
	_ =	sdelay $0x3  }
0x34: {  	[smem:$0x3FB7] =	sst s10  }
0x35: {  	s10 =	sld [smem:$0x3FB6];
	_ =	sdelay $0x3  }
0x36: {  	p1 =	seq.s32 s10, $0x1;
	s10 =	sld [smem:$0x3FB7];
	_ =	sdelay $0x3  }
0x37: {  	[smem:$0x3FB7] =	sst s10  }
0x38: {  	s10 =	sld [smem:$0x3FB8]  }
0x39: {  	_ = 	snop;
	(pc) =	sbr.ind lr, $3  }
0x3a: {  	_ = 	snop  }
0x3b: {  	_ = 	snop  }
0x3c: {  	p2 =	seq.s32 s10, $0x1;
	s10 =	sld [smem:$0x3FB7]  }
0x3d: {  	_ =	shalt  }
0x3e: {  	_ =	shalt  }
0x3f: {  	_ =	shalt  }
0x40: {  	_ =	shalt  }
0x41: {  	_ =	shalt  }
0x42: {  	_ =	shalt  }
0x43: {  	_ =	shalt  }
0x44: {  	_ =	shalt  }
0x45: {  	_ =	shalt  }
0x46: {  	_ =	shalt  }
0x47: {  	_ =	shalt  }
0x48: {  	_ =	shalt  }
0x49: {  	_ =	shalt  }
0x4a: {  	_ =	shalt  }
0x4b: {  	_ =	shalt  }
0x4c: {  	_ =	shalt  }
0x4d: {  	_ =	shalt  }
0x4e: {  	_ =	shalt  }
0x4f: {  	_ =	shalt  }
0x50: {  	_ =	shalt  }
0x51: {  	_ =	shalt  }
0x52: {  	_ =	shalt  }
0x53: {  	_ =	shalt  }
0x54: {  	_ =	shalt  }
0x55: {  	_ =	shalt  }
0x56: {  	_ =	shalt  }
0x57: {  	_ =	shalt  }
0x58: {  	_ =	shalt  }
0x59: {  	_ =	shalt  }
0x5a: {  	_ =	shalt  }
0x5b: {  	_ =	shalt  }
0x5c: {  	_ =	shalt  }
0x5d: {  	_ =	shalt  }
0x5e: {  	_ =	shalt  }
0x5f: {  	_ =	shalt  }
0x60: {  	_ =	shalt  }
0x61: {  	_ =	shalt  }
0x62: {  	_ =	shalt  }
0x63: {  	_ =	shalt  }
0x64: {  	_ =	shalt  }
0x65: {  	_ =	shalt  }
0x66: {  	_ =	shalt  }
0x67: {  	_ =	shalt  }
0x68: {  	_ =	shalt  }
0x69: {  	_ =	shalt  }
0x6a: {  	_ =	shalt  }
0x6b: {  	_ =	shalt  }
0x6c: {  	_ =	shalt  }
0x6d: {  	_ =	shalt  }
0x6e: {  	_ =	shalt  }
0x6f: {  	_ =	shalt  }
0x70: {  	_ =	shalt  }
0x71: {  	_ =	shalt  }
0x72: {  	_ =	shalt  }
0x73: {  	_ =	shalt  }
0x74: {  	_ =	shalt  }
0x75: {  	_ =	shalt  }
0x76: {  	_ =	shalt  }
0x77: {  	_ =	shalt  }
0x78: {  	_ =	shalt  }
0x79: {  	_ =	shalt  }
0x7a: {  	_ =	shalt  }
0x7b: {  	_ =	shalt  }
0x7c: {  	_ =	shalt  }
0x7d: {  	_ =	shalt  }
0x7e: {  	_ =	shalt  }
0x7f: {  	_ =	shalt  }
0x80: {  	_ =	shalt  }
0x81: {  	_ =	shalt  }
0x82: {  	_ =	shalt  }
0x83: {  	_ =	shalt  }
0x84: {  	_ =	shalt  }
0x85: {  	_ =	shalt  }
0x86: {  	_ =	shalt  }
0x87: {  	_ =	shalt  }
.Lfunc_end0:
.L_simem_size_0:
called_computation.1_lowered:
.L_overlay_start_0:
0x88: {  	s2 =	sld [smem:$0x3FD9]  }
0x89: {  	s3 =	sld [smem:$0x3FFE];
	_ =	sdelay $0x1  }
0x8a: {  	s1 =	srdreg.scid  }
0x8b: {  	s0 =	sand.u32 $0x1, s1  }
0x8c: {  	s17 =	sshll.u32 s0, $0xA;
	s2 =	sadd.s32 s3, s2  }
0x8d: {  	s2 =	sadd.s32 s2, s17  }
0x8e: {  	[smem:$0x3FC3] =	sst s2  }
0x8f: {  	_ = 	snop  }
0x90: {  	s2 =	sld [smem:$0x3FD0];
	(tm) =	ssettm $0x1  }
0x91: {  	s18 =	sld [smem:$0x3FFB];
	_ =	sdelay $0x3  }
0x92: {  	_ =	strace s18  }
0x93: {  	s3 =	sld [smem:$0x3FFC];
	_ =	sdelay $0x3  }
0x94: {  	_ =	strace s3  }
0x95: {  	s3 =	sld [smem:$0x3FFD];
	_ =	sdelay $0x3  }
0x96: {  	_ =	strace s3  }
0x97: {  	_ =	strace $0x8FFFFFFF  }
0x98: {  	s19 =	sld [smem:$0x3FDB];
	_ =	sdelay $0x1  }
0x99: {  	s4 =	simm.s32 $_scs_section_size  }
0x9a: {  	s5 =	simm.s32 $_size__tile_overlayer_lowered;
	s6 =	simm.s32 $_tile_overlayer_lowered  }
0x9b: {  	s22 =	simm.s32 $0x1BFF;
	s21 =	sshll.u32 s6, $0x1;
	s3 =	sadd.s32 s4, s19  }
0x9c: {  	s7 =	simm.s32 $0x0;
	s20 =	sshll.u32 s5, $0x1;
	s5 =	sadd.s32 s21, s3  }
0x9d: {  	[timem:s7], [sflag:s22] =	dma.local [hbm:s5], s20  }
0x9e: {  	_ =	swait.ge [sflag:s22], s20  }
0x9f: {  	s4 =	ssub.s32 $0x0, s20;
	[sflag:s22] =	ssyncset.done $0x0  }
0xa0: {  	[sflag:s22] =	ssyncadd.s32 s4;
	_ =	sdelay $0x1  }
0xa1: {  	s23 =	simm.s32 $0x1B8B  }
0xa2: {  	_ =	swait.ge [sflag:s23], $0x1  }
0xa3: {  	[sflag:s23] =	ssyncset.done $0x0  }
0xa4: {  	s25 =	simm.s32 $0x1B8E;
	s24 =	sld [smem:$0x3FFE];
	[sflag:s23] =	ssyncadd.s32 $0xFFFFFFFF  }
0xa5: {  	s26 =	simm.s32 $execute0_lowered;
	[smem:$0x3FD2] =	sst s25  }
0xa6: {  	s5 =	sshll.u32 s26, $0x1;
	_ =	strace $0x80000049;
	[dreg:$0x1] =	wrdreg $0xFFFFFFFF  }
0xa7: {  	s28 =	simm.s32 $_size_execute0_lowered;
	s3 =	sadd.s32 s3, s5;
	[dreg:$0x0] =	wrdreg $0x0  }
0xa8: {  	s5 =	sshll.u32 s28, $0x1;
	[dreg:$0x2] =	wrdreg s3  }
0xa9: {  	[dreg:$0x3] =	wrdreg s5  }
0xaa: {  	[dreg:$0x4] =	wrdreg $0xC0  }
0xab: {  	_ =	task [dreg:s7], $0x5FFFF  }
0xac: {  	[dreg:$0x1] =	wrdreg $0xFFFFFFFF  }
0xad: {  	[dreg:$0x0] =	wrdreg $0x60  }
0xae: {  	[dreg:$0x2] =	wrdreg s2  }
0xaf: {  	[dreg:$0x3] =	wrdreg s24  }
0xb0: {  	[dreg:$0x4] =	wrdreg $0x9  }
0xb1: {  	_ =	task.clear_ibuf [dreg:s7], $0x5FFFF;
	_ =	strace $0x90000049  }
0xb2: {  	s29 =	simm.s32 $0x9;
	_ =	strace $0x8000004B  }
0xb3: {  	_ =	swait.ge [sflag:s29], $0x1  }
0xb4: {  	[sflag:s29] =	ssyncadd.s32 $0xFFFFFFFF  }
0xb5: {  	_ =	strace $0x9000004B  }
0xb6: {  	_ =	sfence  }
0xb7: {  	s30 =	sld [smem:$0x0];
	_ =	sdelay $0x2  }
0xb8: {  	s31 =	sshll.u32 s1, $0xD;
	s1 =	sshrl.u32 s1, $0x2  }
0xb9: {  	s3 =	sand.u32 $0x4000, s31;
	s1 =	sadd.s32 s1, s30  }
0xba: {  	s0 =	sor.u32 s3, s0;
	s1 =	sshll.u32 s1, $0x11  }
0xbb: {  	s0 =	sor.u32 s1, s0  }
0xbc: {  	s0 =	sadd.s32 $0x8F2B, s0  }
0xbd: {  	[sflag:s0] =	ssyncadd.remote.s32 $0x1  }
0xbe: {  	_ =	sfence.sel $0xFFFF  }
0xbf: {  	[dreg:$0x0] =	wrdreg $0xFFFFFFFF;
	(pc) =	sbr.abs _section_cstart, $3  }
0xc0: {  	[dreg:$0x1] =	wrdreg $0xFFFFFFFF  }
0xc1: {  	_ =	task.clear_ibuf [dreg:s7], $0x2FFFF;
	_ =	strace $0x9FFFFFFF  }
0xc2: {  	(tm) =	ssettm $0x7FFFFFFF  }
0xc3: {  	_ =	shalt  }
tec
execute0_lowered:
.L_overlay_start_1:
0x0: {  	(tag) =	ssettag $0x1  }
0x1: {  	s1 =	rddreg [dreg:$0x0]  }
0x2: {  	s7 =	rddreg [dreg:$0x1]  }
0x3: {  	s0 =	rddreg [dreg:$0x2];
	s2 =	simm.s32 $0x0;
	v0 =	vlaneseq.u32  }
0x4: {  	[smem:$0x7FF] =	sst s2;
	v1 =	vmul.u32 $0x9, v0;
	v10 =	vadd.s32 $0x1, v0  }
0x5: {  	s3 =	srdreg.scid;
	s12 =	simm.s32 $0x3080;
	_ =	strace $0x8000004A;
	[tilespmem:$0x1FFF0] =	vst v10  }
0x6: {  	s13 =	simm.s32 $0x2400;
	s14 =	simm.s32 $0x3100;
	s15 =	simm.s32 $0x3500;
	v3 =	vadd.s32 $0x2, v1;
	[tilespmem:$0x1FF70] =	vst v1  }
0x7: {  	s16 =	simm.s32 $0x5580;
	s17 =	simm.s32 $0x2C00;
	s18 =	simm.s32 $0x2800;
	v4 =	vadd.s32 $0x3, v1;
	[tilespmem:$0x1FF80] =	vst v3  }
0x8: {  	s19 =	simm.s32 $0x9580;
	s20 =	simm.s32 $0x0;
	s4 =	sadd.s32 $0x1600, s7;
	v5 =	vadd.s32 $0x4, v1;
	[tilespmem:$0x1FF90] =	vst v4  }
.Ltmp0:
0x9: {  	v63 =	vimm.s32 $0x1FF;
	s5 =	sadd.s32 $0x1200, s7;
	s8 =	sand.u32 $0x1, s3;
	v6 =	vadd.s32 $0x5, v1;
	[tilespmem:$0x1FFA0] =	vst v5;
	(pc) =	sbr.rel .LBB2_1-.Ltmp0, $4  }
0xa: {  	s6 =	sadd.s32 $0x1400, s7;
	s3 =	stileid.u32;
	s9 =	ssub.s32 $0x2, s8;
	v7 =	vadd.s32 $0x6, v1;
	[tilespmem:$0x1FFB0] =	vst v6  }
0xb: {  	s11 =	sshll.u32 s3, $0x11;
	s8 =	sshll.u32 s8, $0x10;
	s10 =	sshrl.u32 s9, $0x1;
	v8 =	vadd.s32 $0x7, v1;
	[tilespmem:$0x1FFC0] =	vst v7  }
0xc: {  	s7 =	sadd.s32 $0x1C00, s7;
	s8 =	sor.u32 s8, s11;
	v9 =	vadd.s32 $0x8, v1;
	s9 =	ssub.s32 s9, s10;
	[tilespmem:$0x1FFD0] =	vst v8  }
0xd: {  	v2 =	vimm.s32 $0x0;
	v11 =	vimm.s32 $0x80000000;
	s11 =	simm.s32 $0x3000;
	s10 =	simm.s32 $0x1;
	[tilespmem:$0x1FFE0] =	vst v9;
	s9 =	smax.u32 s9, $0x1  }
.LBB2_20:
0xe: {  	v1 =	vld [tilespmem:$0x1FF70]  }
0xf: {  	v3 =	vld [tilespmem:$0x1FF80]  }
0x10: {  	s20 =	sadd.s32 $0x1, s20;
	v4 =	vld [tilespmem:$0x1FF90]  }
0x11: {  	v5 =	vld [tilespmem:$0x1FFA0];
	p0 =	sne.s32 s20, s9  }
.Ltmp1:
0x12: {  	v6 =	vld [tilespmem:$0x1FFB0];
	(pc) =	sbr.rel @!p0 .LBB2_21-.Ltmp1, $4  }
0x13: {  	v7 =	vld [tilespmem:$0x1FFC0]  }
0x14: {  	v8 =	vld [tilespmem:$0x1FFD0]  }
0x15: {  	v9 =	vld [tilespmem:$0x1FFE0]  }
0x16: {  	v0 =	vlaneseq.u32;
	v10 =	vld [tilespmem:$0x1FFF0]  }
.LBB2_1:
0x17: {  	[tilespmem:s2], [sflag:$0x1] =	stream.linear.gather [hbm4b:s4+s2], $0x2400, $0x38;
	[tilespmem:$0xD580] =	vst v63  }
0x18: {  	_ =	swait.ge [sflag:s10], $0x2400  }
0x19: {  	v13 =	vmov s2;
	[sflag:s10] =	ssyncset.done $0x0  }
0x1a: {  	v13 =	vmul.u32 $0x9, v13;
	[sflag:s10] =	ssyncadd.s32 $0xFFFFDC00  }
0x1b: {  	[tilespmem:s11], [sflag:$0x1] =	stream.linear.gather [hbm4b:s5+s2], $0x80, $0x38;
	[tilespmem:$0xD580] =	vst v63  }
0x1c: {  	v18 =	vbroadcast v13, $0x0;
	_ =	swait.ge [sflag:s10], $0x80  }
0x1d: {  	[sflag:s10] =	ssyncset.done $0x0  }
0x1e: {  	v13 =	vadd.s32 v1, v18;
	[sflag:s10] =	ssyncadd.s32 $0xFFFFFF80  }
0x1f: {  	[tilespmem:s12], [sflag:$0x1] =	stream.linear.gather [hbm4b:s6+s2], $0x80, $0x38;
	[tilespmem:$0xD580] =	vst v63  }
0x20: {  	_ =	swait.ge [sflag:s10], $0x80  }
0x21: {  	[sflag:s10] =	ssyncset.done $0x0  }
0x22: {  	[sflag:s10] =	ssyncadd.s32 $0xFFFFFF80  }
0x23: {  	v13 =	vld.idx.msk [tilespmem:v13+s2+$0x0], $0xffff  }
0x24: {  	v15 =	vadd.s32 v3, v18;
	v28 =	vld [tilespmem:$0x3080]  }
0x25: {  	v14 =	vld [tilespmem:$0x3000]  }
0x26: {  	v16 =	vadd.s32 v4, v18  }
0x27: {  	v21 =	vadd.s32 v5, v18  }
0x28: {  	v22 =	vadd.s32 v6, v18;
	[tilespmem:s13+$0x0] =	vst v13  }
0x29: {  	v27 =	vadd.s32 v7, v18;
	v25 =	vbroadcast v28, $0x1;
	v26 =	vld.idx.msk [tilespmem:v15+s2+$0x0], $0xffff  }
0x2a: {  	s21 =	simm.s32 $0x10;
	v19 =	vbroadcast v14, $0x1;
	v24 =	vbroadcast v28, $0x2  }
0x2b: {  	v46 =	vmov s21;
	v17 =	vbroadcast v14, $0x2;
	v20 =	vbroadcast v28, $0x3;
	v29 =	vld.idx.msk [tilespmem:v16+s2+$0x0], $0xffff  }
0x2c: {  	v23 =	vbroadcast v28, $0x4;
	v16 =	vbroadcast v14, $0x3;
	v31 =	vld.idx.msk [tilespmem:v21+s2+$0x0], $0xffff;
	v30 =	vsub.f32 v13, v25  }
0x2d: {  	v32 =	vadd.s32 v8, v18;
	v15 =	vbroadcast v14, $0x4;
	v21 =	vbroadcast v28, $0x5;
	v33 =	vld.idx.msk [tilespmem:v22+s2+$0x0], $0xffff  }
0x2e: {  	v22 =	vbroadcast v28, $0x6;
	v34 =	vld.idx.msk [tilespmem:v27+s2+$0x0], $0xffff;
	vm0 =	vge.f32 v30, $0.0e+00;
	v26 =	vsub.f32 v26, v24  }
0x2f: {  	v13 =	vbroadcast v14, $0x5;
	v30 =	vadd.s32 v9, v18;
	v18 =	vsel vm0, $0x3F800000, v2  }
0x30: {  	v27 =	vmul.f32 v18, v19;
	vm14 =	vge.f32 v26, $0.0e+00;
	v26 =	vsub.f32 v29, v20  }
0x31: {  	v18 =	vbroadcast v14, $0x6;
	v31 =	vsub.f32 v31, v23;
	v29 =	vsel vm14, $0x3F800000, v2  }
0x32: {  	v32 =	vld.idx.msk [tilespmem:v32+s2+$0x0], $0xffff;
	v35 =	vadd.f32 $0.0e+00, v27;
	v29 =	vmul.f32 v29, v17;
	vm15 =	vge.f32 v26, $0.0e+00  }
0x33: {  	v33 =	vsub.f32 v33, v21;
	v34 =	vsub.f32 v34, v22;
	v26 =	vsel vm15, $0x3F800000, v2  }
0x34: {  	vm4 =	vge.f32 v31, $0.0e+00;
	v29 =	vadd.f32 v29, v35;
	v45 =	vmul.f32 v26, v16  }
0x35: {  	v27 =	vbroadcast v28, $0x7;
	vm5 =	vge.f32 v33, $0.0e+00;
	v30 =	vld.idx.msk [tilespmem:v30+s2+$0x0], $0xffff;
	v31 =	vsel vm4, $0x3F800000, v2  }
0x36: {  	v28 =	vbroadcast v28, $0x8;
	v31 =	vmul.f32 v31, v15;
	v29 =	vadd.f32 v45, v29  }
0x37: {  	vm6 =	vge.f32 v34, $0.0e+00;
	v33 =	vsel vm5, $0x3F800000, v2;
	v32 =	vsub.f32 v32, v27  }
0x38: {  	v34 =	vsel vm6, $0x3F800000, v2;
	v29 =	vadd.f32 v31, v29;
	v31 =	vmul.f32 v33, v13  }
0x39: {  	v34 =	vmul.f32 v34, v18;
	v26 =	vbroadcast v14, $0x7;
	vm7 =	vge.f32 v32, $0.0e+00  }
0x3a: {  	v48 =	vsel vm7, $0x3F800000, v2;
	v30 =	vsub.f32 v30, v28;
	v31 =	vadd.f32 v31, v29  }
0x3b: {  	v47 =	vmul.u32 $0x9, v46;
	v33 =	vmul.f32 v48, v26  }
0x3c: {  	vm8 =	vge.f32 v30, $0.0e+00;
	v29 =	vbroadcast v14, $0x8;
	v31 =	vadd.f32 v34, v31  }
0x3d: {  	v30 =	vsel vm8, $0x3F800000, v2  }
0x3e: {  	v32 =	vbroadcast v47, $0x0;
	v49 =	vmul.f32 v30, v29;
	v31 =	vadd.f32 v33, v31;
	_ =	sdelay $0x1  }
0x3f: {  	v50 =	vadd.s32 v1, v32;
	v30 =	vbroadcast v14, $0x0;
	v31 =	vadd.f32 v49, v31;
	_ =	sdelay $0x1  }
0x40: {  	v31 =	vsub.f32 v31, v30;
	_ =	sdelay $0x1  }
0x41: {  	[tilespmem:s18+$0x0] =	vst v31  }
0x42: {  	v31 =	vld.idx.msk [tilespmem:v50+s2+$0x0], $0xffff  }
0x43: {  	v51 =	vadd.s32 v3, v32;
	_ =	sdelay $0x1  }
0x44: {  	v52 =	vadd.s32 v4, v32  }
0x45: {  	s22 =	simm.s32 $0x2410;
	v53 =	vadd.s32 v5, v32  }
0x46: {  	[tilespmem:s22+$0x0] =	vst v31  }
0x47: {  	v36 =	vadd.s32 v6, v32;
	v33 =	vld.idx.msk [tilespmem:v51+s2+$0x0], $0xffff;
	_ =	sdelay $0x1  }
0x48: {  	v37 =	vadd.s32 v7, v32;
	v34 =	vld.idx.msk [tilespmem:v52+s2+$0x0], $0xffff  }
0x49: {  	v31 =	vsub.f32 v31, v25;
	v35 =	vld.idx.msk [tilespmem:v53+s2+$0x0], $0xffff  }
0x4a: {  	v38 =	vadd.s32 v8, v32  }
0x4b: {  	v36 =	vld.idx.msk [tilespmem:v36+s2+$0x0], $0xffff;
	vm9 =	vge.f32 v31, $0.0e+00;
	v31 =	vsub.f32 v33, v24  }
0x4c: {  	v32 =	vadd.s32 v9, v32;
	v54 =	vsel vm9, $0x3F800000, v2  }
0x4d: {  	v37 =	vld.idx.msk [tilespmem:v37+s2+$0x0], $0xffff;
	v33 =	vmul.f32 v54, v19;
	vm10 =	vge.f32 v31, $0.0e+00;
	v31 =	vsub.f32 v34, v20  }
0x4e: {  	v35 =	vsub.f32 v35, v23;
	v55 =	vsel vm10, $0x3F800000, v2  }
0x4f: {  	v38 =	vld.idx.msk [tilespmem:v38+s2+$0x0], $0xffff;
	v33 =	vadd.f32 $0.0e+00, v33;
	v34 =	vmul.f32 v55, v17;
	vm11 =	vge.f32 v31, $0.0e+00  }
0x50: {  	v36 =	vsub.f32 v36, v21;
	v31 =	vsel vm11, $0x3F800000, v2  }
0x51: {  	vm12 =	vge.f32 v35, $0.0e+00;
	v33 =	vadd.f32 v34, v33;
	v31 =	vmul.f32 v31, v16  }
0x52: {  	v32 =	vld.idx.msk [tilespmem:v32+s2+$0x0], $0xffff;
	v57 =	vsub.f32 v37, v22;
	v56 =	vsel vm12, $0x3F800000, v2  }
0x53: {  	vm13 =	vge.f32 v36, $0.0e+00;
	v58 =	vmul.f32 v56, v15;
	v31 =	vadd.f32 v31, v33  }
0x54: {  	v60 =	vsub.f32 v38, v27;
	v59 =	vsel vm13, $0x3F800000, v2  }
0x55: {  	s31 =	simm.s32 $0x20;
	vm14 =	vge.f32 v57, $0.0e+00;
	v34 =	vmul.f32 v59, v13;
	v33 =	vadd.f32 v58, v31  }
0x56: {  	v61 =	vmov s31;
	vm15 =	vge.f32 v60, $0.0e+00;
	v62 =	vsel vm14, $0x3F800000, v2  }
0x57: {  	v31 =	vsub.f32 v32, v28;
	v33 =	vadd.f32 v34, v33;
	v34 =	vmul.f32 v62, v18  }
0x58: {  	s24 =	simm.s32 $0x30;
	s23 =	simm.s32 $0x2800;
	v35 =	vsel vm15, $0x3F800000, v2;
	v32 =	vmul.u32 $0x9, v61  }
.LBB2_2:
0x59: {  	p0 =	seq.s32 s24, $0x3F0;
	v33 =	vadd.f32 v34, v33;
	v34 =	vmul.f32 v35, v26;
	vm0 =	vge.f32 v31, $0.0e+00  }
0x5a: {  	v31 =	vsel vm0, $0x3F800000, v2  }
0x5b: {  	v32 =	vbroadcast v32, $0x0;
	v33 =	vadd.f32 v34, v33;
	v31 =	vmul.f32 v31, v29;
	_ =	sdelay $0x1  }
0x5c: {  	v34 =	vadd.s32 v1, v32;
	v31 =	vadd.f32 v31, v33;
	_ =	sdelay $0x1  }
0x5d: {  	v31 =	vsub.f32 v31, v30  }
0x5e: {  	s23 =	sadd.s32 $0x10, s23  }
0x5f: {  	s21 =	simm.s32 $0x0;
	[tilespmem:s23+$0x0] =	vst v31  }
0x60: {  	v31 =	vld.idx.msk [tilespmem:v34+s21+$0x0], $0xffff;
	_ =	sdelay $0x1  }
0x61: {  	v33 =	vadd.s32 v3, v32  }
0x62: {  	v34 =	vadd.s32 v4, v32  }
0x63: {  	v35 =	vadd.s32 v5, v32  }
0x64: {  	s22 =	sadd.s32 $0x10, s22;
	v36 =	vadd.s32 v6, v32  }
0x65: {  	v37 =	vadd.s32 v7, v32;
	[tilespmem:s22+$0x0] =	vst v31;
	v31 =	vsub.f32 v31, v25  }
0x66: {  	v38 =	vadd.s32 v8, v32;
	v33 =	vld.idx.msk [tilespmem:v33+s21+$0x0], $0xffff  }
0x67: {  	v32 =	vadd.s32 v9, v32;
	v34 =	vld.idx.msk [tilespmem:v34+s21+$0x0], $0xffff  }
0x68: {  	v35 =	vld.idx.msk [tilespmem:v35+s21+$0x0], $0xffff  }
0x69: {  	v36 =	vld.idx.msk [tilespmem:v36+s21+$0x0], $0xffff  }
0x6a: {  	v37 =	vld.idx.msk [tilespmem:v37+s21+$0x0], $0xffff  }
0x6b: {  	v38 =	vld.idx.msk [tilespmem:v38+s21+$0x0], $0xffff  }
0x6c: {  	vm0 =	vge.f32 v31, $0.0e+00;
	v31 =	vsub.f32 v33, v24;
	v32 =	vld.idx.msk [tilespmem:v32+s21+$0x0], $0xffff  }
0x6d: {  	v33 =	vsel vm0, $0x3F800000, v2  }
0x6e: {  	v33 =	vmul.f32 v33, v19;
	vm0 =	vge.f32 v31, $0.0e+00;
	v31 =	vsub.f32 v34, v20  }
0x6f: {  	v35 =	vsub.f32 v35, v23;
	v34 =	vsel vm0, $0x3F800000, v2  }
0x70: {  	v33 =	vadd.f32 $0.0e+00, v33;
	v34 =	vmul.f32 v34, v17;
	vm0 =	vge.f32 v31, $0.0e+00  }
0x71: {  	v36 =	vsub.f32 v36, v21;
	v31 =	vsel vm0, $0x3F800000, v2  }
0x72: {  	vm0 =	vge.f32 v35, $0.0e+00;
	v33 =	vadd.f32 v34, v33;
	v31 =	vmul.f32 v31, v16  }
0x73: {  	v35 =	vsub.f32 v37, v22;
	v34 =	vsel vm0, $0x3F800000, v2  }
0x74: {  	vm0 =	vge.f32 v36, $0.0e+00;
	v31 =	vadd.f32 v31, v33;
	v33 =	vmul.f32 v34, v15  }
.Ltmp2:
0x75: {  	v36 =	vsub.f32 v38, v27;
	v34 =	vsel vm0, $0x3F800000, v2;
	(pc) =	sbr.rel @!p0 .LBB2_2-.Ltmp2, $4  }
0x76: {  	vm0 =	vge.f32 v35, $0.0e+00;
	v34 =	vmul.f32 v34, v13;
	v33 =	vadd.f32 v33, v31  }
0x77: {  	v35 =	vmov s24;
	v37 =	vsel vm0, $0x3F800000, v2;
	v31 =	vsub.f32 v32, v28  }
0x78: {  	vm0 =	vge.f32 v36, $0.0e+00;
	v33 =	vadd.f32 v34, v33;
	v34 =	vmul.f32 v37, v18  }
0x79: {  	s24 =	sadd.s32 $0x10, s24;
	v32 =	vmul.u32 $0x9, v35;
	v35 =	vsel vm0, $0x3F800000, v2  }
0x7a: {  	v33 =	vadd.f32 v34, v33;
	v43 =	vmul.f32 v35, v26;
	vm0 =	vge.f32 v31, $0.0e+00  }
0x7b: {  	v31 =	vsel vm0, $0x3F800000, v2  }
0x7c: {  	v32 =	vbroadcast v32, $0x0;
	v33 =	vadd.f32 v43, v33;
	v31 =	vmul.f32 v31, v29;
	_ =	sdelay $0x1  }
0x7d: {  	v44 =	vadd.s32 v1, v32;
	v31 =	vadd.f32 v31, v33;
	_ =	sdelay $0x1  }
0x7e: {  	v31 =	vsub.f32 v31, v30  }
0x7f: {  	s23 =	sadd.s32 $0x10, s23  }
0x80: {  	[tilespmem:s23+$0x0] =	vst v31  }
0x81: {  	v31 =	vld.idx.msk [tilespmem:v44+s21+$0x0], $0xffff  }
0x82: {  	v45 =	vadd.s32 v3, v32;
	_ =	sdelay $0x1  }
0x83: {  	v46 =	vadd.s32 v4, v32  }
0x84: {  	s22 =	sadd.s32 $0x10, s22;
	v47 =	vadd.s32 v5, v32  }
0x85: {  	[tilespmem:s22+$0x0] =	vst v31  }
0x86: {  	v36 =	vadd.s32 v6, v32;
	v33 =	vld.idx.msk [tilespmem:v45+s21+$0x0], $0xffff;
	_ =	sdelay $0x1  }
0x87: {  	v37 =	vadd.s32 v7, v32;
	v34 =	vld.idx.msk [tilespmem:v46+s21+$0x0], $0xffff  }
0x88: {  	v25 =	vsub.f32 v31, v25;
	v48 =	vld.idx.msk [tilespmem:v47+s21+$0x0], $0xffff  }
0x89: {  	v49 =	vadd.s32 v8, v32  }
0x8a: {  	v36 =	vld.idx.msk [tilespmem:v36+s21+$0x0], $0xffff;
	vm8 =	vge.f32 v25, $0.0e+00;
	v24 =	vsub.f32 v33, v24  }
0x8b: {  	v50 =	vadd.s32 v9, v32;
	v51 =	vsel vm8, $0x3F800000, v2  }
0x8c: {  	v52 =	vld.idx.msk [tilespmem:v37+s21+$0x0], $0xffff;
	v19 =	vmul.f32 v51, v19;
	v20 =	vsub.f32 v34, v20;
	vm9 =	vge.f32 v24, $0.0e+00  }
0x8d: {  	v23 =	vsub.f32 v48, v23;
	v24 =	vsel vm9, $0x3F800000, v2  }
0x8e: {  	v53 =	vld.idx.msk [tilespmem:v49+s21+$0x0], $0xffff;
	v19 =	vadd.f32 $0.0e+00, v19;
	vm10 =	vge.f32 v20, $0.0e+00;
	v17 =	vmul.f32 v24, v17  }
0x8f: {  	v21 =	vsub.f32 v36, v21;
	v20 =	vsel vm10, $0x3F800000, v2  }
0x90: {  	v54 =	vld.idx.msk [tilespmem:v50+s21+$0x0], $0xffff;
	vm11 =	vge.f32 v23, $0.0e+00;
	v16 =	vmul.f32 v20, v16;
	v17 =	vadd.f32 v17, v19  }
0x91: {  	v56 =	vsub.f32 v52, v22;
	v55 =	vsel vm11, $0x3F800000, v2  }
0x92: {  	vm12 =	vge.f32 v21, $0.0e+00;
	v15 =	vmul.f32 v55, v15;
	v16 =	vadd.f32 v16, v17  }
0x93: {  	v58 =	vsub.f32 v53, v27;
	v57 =	vsel vm12, $0x3F800000, v2  }
0x94: {  	vm13 =	vge.f32 v56, $0.0e+00;
	v13 =	vmul.f32 v57, v13;
	v15 =	vadd.f32 v15, v16  }
0x95: {  	v60 =	vsub.f32 v54, v28;
	v59 =	vsel vm13, $0x3F800000, v2  }
0x96: {  	vm14 =	vge.f32 v58, $0.0e+00;
	v13 =	vadd.f32 v13, v15;
	v15 =	vmul.f32 v59, v18  }
0x97: {  	v61 =	vsel vm14, $0x3F800000, v2  }
0x98: {  	vm15 =	vge.f32 v60, $0.0e+00;
	v13 =	vadd.f32 v15, v13;
	v15 =	vmul.f32 v61, v26  }
0x99: {  	v62 =	vsel vm15, $0x3F800000, v2  }
0x9a: {  	v13 =	vadd.f32 v15, v13;
	v15 =	vmul.f32 v62, v29;
	_ =	sdelay $0x1  }
0x9b: {  	v13 =	vadd.f32 v15, v13;
	_ =	sdelay $0x1  }
0x9c: {  	v13 =	vsub.f32 v13, v30  }
0x9d: {  	s31 =	sadd.s32 $0x10, s23  }
0x9e: {  	[tilespmem:s31+$0x0] =	vst v13  }
.LBB2_4:
0x9f: {  	s22 =	sshll.u32 s21, $0x4  }
0xa0: {  	v13 =	vor.u32 s22, v0;
	v15 =	vadd.s32 s22, v10  }
0xa1: {  	v16 =	vmin.u32 v15, $0x3FF;
	_ =	sdelay $0x3  }
0xa2: {  	v15 =	vld.idx.msk [tilespmem:v13+s13+$0x0], $0xffff  }
0xa3: {  	v16 =	vld.idx.msk [tilespmem:v16+s13+$0x0], $0xffff;
	_ =	sdelay $0x4  }
0xa4: {  	vm0 =	vlt.s32 v15, $0x0;
	v19 =	vand.u32 $0x7FFFFFFF, v16  }
0xa5: {  	v17 =	vand.u32 $0x7FFFFFFF, v15;
	v18 =	vxor.u32 $0xFFFFFFFF, v15;
	v19 =	vxor.u32 $0x80000000, v19  }
0xa6: {  	v17 =	vxor.u32 $0x80000000, v17;
	vm1 =	vlt.s32 v16, $0x0;
	v20 =	vxor.u32 $0xFFFFFFFF, v16  }
0xa7: {  	v17 =	vsel vm0, v18, v17;
	v18 =	vsel vm1, v20, v19  }
0xa8: {  	s23 =	simm.s32 $0x1F;
	v21 =	vmov v17;
	v20 =	vsub.s32 v18, v17;
	v19 =	vmov v18  }
.LBB2_5:
0xa9: {  	p0 =	sne.s32 s23, $0x1;
	v22 =	vshrl.u32 v20, $0x1  }
0xaa: {  	v22 =	vadd.s32 v21, v22  }
0xab: {  	vm0 =	vgt.s32 v22, $0xFFFFFFFF  }
0xac: {  	v23 =	vsel vm0, $0xFFFFFFFF, v11  }
0xad: {  	v23 =	vxor.u32 v22, v23  }
0xae: {  	v24 =	vsub.f32 v23, v15;
	v23 =	vsub.f32 v23, v16;
	_ =	sdelay $0x1  }
0xaf: {  	v24 =	vand.u32 $0x7FFFFFFF, v24;
	v23 =	vand.u32 $0x7FFFFFFF, v23  }
.Ltmp3:
0xb0: {  	vm0 =	vlt.f32 v24, v23;
	(pc) =	sbr.rel @p0 .LBB2_5-.Ltmp3, $4  }
0xb1: {  	vm1 =	vgt.u32 v20, $0x1;
	vm2 =	vmneg vm0  }
0xb2: {  	vm0 =	vmand vm1, vm0;
	vm2 =	vmand vm1, vm2  }
0xb3: {  	v21 =	vsel vm0, v22, v21;
	v19 =	vsel vm2, v22, v19  }
0xb4: {  	s23 =	sadd.s32 $0xFFFFFFFF, s23;
	v20 =	vsub.s32 v19, v21  }
0xb5: {  	v22 =	vshrl.u32 v20, $0x1  }
0xb6: {  	v21 =	vadd.s32 v21, v22  }
0xb7: {  	vm0 =	vgt.s32 v21, $0xFFFFFFFF  }
0xb8: {  	v60 =	vsel vm0, $0xFFFFFFFF, v11  }
0xb9: {  	v22 =	vxor.u32 v21, v60  }
0xba: {  	v15 =	vsub.f32 v22, v15;
	v16 =	vsub.f32 v22, v16;
	_ =	sdelay $0x1  }
0xbb: {  	v15 =	vand.u32 $0x7FFFFFFF, v15;
	v16 =	vand.u32 $0x7FFFFFFF, v16  }
0xbc: {  	vm13 =	vlt.f32 v15, v16  }
0xbd: {  	vm1 =	vgt.u32 v20, $0x1;
	vm0 =	vmneg vm13  }
0xbe: {  	vm0 =	vmand vm1, vm0  }
0xbf: {  	vm14 =	veq.s32 v17, v18;
	v61 =	vadd.s32 $0x1, v18;
	s21 =	sadd.s32 $0x1, s21;
	v15 =	vsel vm0, v21, v19  }
0xc0: {  	p0 =	seq.s32 s21, $0x40;
	v15 =	vsel vm14, v61, v15  }
.Ltmp4:
0xc1: {  	vm0 =	vgt.s32 v15, $0xFFFFFFFF;
	(pc) =	sbr.rel @!p0 .LBB2_4-.Ltmp4, $4  }
0xc2: {  	v62 =	vsel vm0, $0xFFFFFFFF, v11  }
0xc3: {  	vm15 =	vgt.u32 v13, $0x3FE;
	v15 =	vxor.u32 v15, v62  }
0xc4: {  	v13 =	vsel vm15, $0x7F800000, v15  }
0xc5: {  	[tilespmem:s22+$0x2C00] =	vst v13  }
0xc6: {  	s22 =	simm.s32 $0x0  }
0xc7: {  	v15 =	vld [tilespmem:s22+$0x2C00];
	_ =	sdelay $0x2  }
0xc8: {  	v13 =	vbroadcast v14, $0x9;
	_ =	sdelay $0x1  }
0xc9: {  	v14 =	vbroadcast v14, $0xA;
	v15 =	vsub.f32 v15, v13;
	_ =	sdelay $0x1  }
0xca: {  	v15 =	vmul.f32 v15, v14  }
0xcb: {  	s23 =	simm.s32 $0x10  }
0xcc: {  	v16 =	vmax.f32 v15, $0.0e+00;
	v15 =	vld [tilespmem:s23+$0x2C00];
	_ =	sdelay $0x3  }
0xcd: {  	s21 =	simm.s32 $0x0;
	s24 =	simm.s32 $0x80;
	v16 =	vmin.f32 v16, $8.191000000e+03  }
.LBB2_8:
0xce: {  	s25 =	sshra.s32 s24, $0x2;
	p0 =	sne.s32 s24, $0xFC0;
	s24 =	sadd.s32 $0x40, s24;
	v17 =	vsub.f32 v15, v13;
	v16 =	vtrunc.f32 v16  }
.Ltmp5:
0xcf: {  	v15 =	vld [tilespmem:s25+$0x2C00];
	v16 =	vcvt.f32.s32 v16;
	(pc) =	sbr.rel @p0 .LBB2_8-.Ltmp5, $4  }
0xd0: {  	v17 =	vmul.f32 v17, v14  }
0xd1: {  	[tilespmem:s22+$0x3100] =	vst v16;
	s22 =	smov.u32 s23;
	s23 =	smov.u32 s25  }
0xd2: {  	v16 =	vmax.f32 v17, $0.0e+00  }
0xd3: {  	v16 =	vmin.f32 v16, $8.191000000e+03  }
0xd4: {  	v15 =	vsub.f32 v15, v13;
	_ =	sdelay $0x1  }
0xd5: {  	v15 =	vmul.f32 v15, v14;
	_ =	sdelay $0x1  }
0xd6: {  	v15 =	vmax.f32 v15, $0.0e+00  }
0xd7: {  	v16 =	vtrunc.f32 v16;
	v15 =	vmin.f32 v15, $8.191000000e+03  }
0xd8: {  	v16 =	vcvt.f32.s32 v16;
	v15 =	vtrunc.f32 v15  }
0xd9: {  	v15 =	vcvt.f32.s32 v15  }
0xda: {  	[tilespmem:s22+$0x3100] =	vst v16  }
0xdb: {  	s22 =	simm.s32 $0x3500;
	[tilespmem:s23+$0x3100] =	vst v15;
	s23 =	simm.s32 $0x3500  }
.LBB2_10:
0xdc: {  	v15 =	vld.idx.msk [tilespmem:v63+s14+$0x0], $0xffff;
	_ =	sdelay $0x3  }
0xdd: {  	v16 =	vor.u32 s21, v0  }
0xde: {  	vm0 =	vlt.s32 v15, v16;
	v15 =	vimm.s32 $0x0  }
0xdf: {  	v17 =	vsel vm0, $0x200, v15  }
0xe0: {  	v18 =	vor.u32 $0xFF, v17;
	_ =	sdelay $0x4  }
0xe1: {  	v18 =	vld.idx.msk [tilespmem:v18+s14+$0x0], $0xffff;
	_ =	sdelay $0x4  }
0xe2: {  	vm7 =	vlt.s32 v18, v16  }
0xe3: {  	v18 =	vsel vm7, $0x100, v15  }
0xe4: {  	v17 =	vor.u32 v17, v18  }
0xe5: {  	v18 =	vor.u32 $0x7F, v17;
	_ =	sdelay $0x4  }
0xe6: {  	v18 =	vld.idx.msk [tilespmem:v18+s14+$0x0], $0xffff;
	_ =	sdelay $0x4  }
0xe7: {  	vm8 =	vlt.s32 v18, v16  }
0xe8: {  	v18 =	vsel vm8, $0x80, v15  }
0xe9: {  	v17 =	vor.u32 v18, v17  }
0xea: {  	v18 =	vor.u32 $0x3F, v17;
	_ =	sdelay $0x4  }
0xeb: {  	v18 =	vld.idx.msk [tilespmem:v18+s14+$0x0], $0xffff;
	_ =	sdelay $0x4  }
0xec: {  	vm9 =	vlt.s32 v18, v16  }
0xed: {  	v18 =	vsel vm9, $0x40, v15  }
0xee: {  	v19 =	vor.u32 v17, v18  }
0xef: {  	v19 =	vor.u32 $0x1F, v19;
	_ =	sdelay $0x4  }
0xf0: {  	v19 =	vld.idx.msk [tilespmem:v19+s14+$0x0], $0xffff;
	_ =	sdelay $0x4  }
0xf1: {  	vm10 =	vlt.s32 v19, v16  }
0xf2: {  	v19 =	vsel vm10, $0x20, v15  }
0xf3: {  	v18 =	vor.u32 v18, v19  }
0xf4: {  	v19 =	vor.u32 v17, v18  }
0xf5: {  	v19 =	vor.u32 $0xF, v19;
	_ =	sdelay $0x4  }
0xf6: {  	v19 =	vld.idx.msk [tilespmem:v19+s14+$0x0], $0xffff;
	_ =	sdelay $0x4  }
0xf7: {  	vm11 =	vlt.s32 v19, v16  }
0xf8: {  	v19 =	vsel vm11, $0x10, v15  }
0xf9: {  	v19 =	vor.u32 v19, v17  }
0xfa: {  	v18 =	vor.u32 v18, v19  }
0xfb: {  	v19 =	vand.u32 $0x70, v18  }
0xfc: {  	v19 =	vor.u32 v19, v17  }
0xfd: {  	v19 =	vor.u32 $0x7, v19;
	_ =	sdelay $0x4  }
0xfe: {  	v19 =	vld.idx.msk [tilespmem:v19+s14+$0x0], $0xffff;
	_ =	sdelay $0x4  }
0xff: {  	vm12 =	vlt.s32 v19, v16  }
0x100: {  	v19 =	vsel vm12, $0x8, v15  }
0x101: {  	v18 =	vor.u32 v19, v18  }
0x102: {  	v19 =	vand.u32 $0x7C, v18  }
0x103: {  	v17 =	vor.u32 v19, v17  }
0x104: {  	v17 =	vor.u32 $0x3, v17;
	_ =	sdelay $0x4  }
0x105: {  	v17 =	vld.idx.msk [tilespmem:v17+s14+$0x0], $0xffff;
	_ =	sdelay $0x4  }
0x106: {  	vm13 =	vlt.s32 v17, v16  }
0x107: {  	v17 =	vsel vm13, $0x4, v15  }
0x108: {  	v17 =	vor.u32 v17, v18  }
0x109: {  	v18 =	vadd.s32 $0x1, v17;
	_ =	sdelay $0x4  }
0x10a: {  	v18 =	vld.idx.msk [tilespmem:v18+s14+$0x0], $0xffff;
	_ =	sdelay $0x4  }
0x10b: {  	vm14 =	vlt.s32 v18, v16  }
0x10c: {  	v18 =	vsel vm14, $0x2, v15  }
0x10d: {  	v17 =	vadd.s32 v18, v17;
	_ =	sdelay $0x4  }
0x10e: {  	v18 =	vld.idx.msk [tilespmem:v17+s14+$0x0], $0xffff;
	_ =	sdelay $0x2  }
0x10f: {  	p0 =	sne.s32 s21, $0x2000  }
.Ltmp6:
0x110: {  	_ = 	snop;
	(pc) =	sbr.rel @p0 .LBB2_10-.Ltmp6, $4  }
0x111: {  	vm15 =	vlt.s32 v18, v16  }
0x112: {  	v16 =	vsel vm15, $0x1, v2  }
0x113: {  	v16 =	vadd.s32 v16, v17  }
0x114: {  	s21 =	sadd.s32 $0x10, s21;
	[tilespmem:s23+$0x0] =	vst v16;
	s23 =	sadd.s32 $0x10, s23  }
0x115: {  	s21 =	simm.s32 $0x0  }
0x116: {  	v16 =	vadd.s32 s21, v10;
	_ =	sdelay $0x3  }
0x117: {  	v17 =	vld [tilespmem:s22+$0x0]  }
0x118: {  	v18 =	vld.idx.msk [tilespmem:v16+s15+$0x0], $0xffff;
	_ =	sdelay $0x3  }
0x119: {  	s31 =	simm.s32 $0x10  }
0x11a: {  	s21 =	simm.s32 $0x20;
	v16 =	vadd.s32 s31, v10;
	v18 =	vsub.s32 v18, v17  }
.LBB2_12:
0x11b: {  	p0 =	sne.s32 s21, $0x1FF0;
	vm0 =	vlt.s32 v18, $0xF;
	vm1 =	vgt.s32 v15, v18  }
0x11c: {  	v17 =	vshll.u32 v17, $0x4;
	v19 =	vnsel vm0, $0xF, v18;
	v15 =	vsel vm1, v15, v18  }
0x11d: {  	v17 =	vadd.s32 v17, v19  }
0x11e: {  	[tilespmem:s22+$0x0] =	vst v17  }
0x11f: {  	s22 =	sadd.s32 $0x10, s22;
	v18 =	vld.idx.msk [tilespmem:v16+s15+$0x0], $0xffff  }
0x120: {  	v17 =	vld [tilespmem:s22+$0x0]  }
.Ltmp7:
0x121: {  	(pc) =	sbr.rel @p0 .LBB2_12-.Ltmp7, $2  }
0x122: {  	_ =	sdelay $0x2  }
0x123: {  	v16 =	vadd.s32 s21, v10;
	s21 =	sadd.s32 $0x10, s21;
	v18 =	vsub.s32 v18, v17  }
0x124: {  	vm0 =	vlt.s32 v18, $0xF  }
0x125: {  	v17 =	vshll.u32 v17, $0x4;
	v19 =	vnsel vm0, $0xF, v18  }
0x126: {  	v17 =	vadd.s32 v17, v19  }
0x127: {  	[tilespmem:s22+$0x0] =	vst v17  }
0x128: {  	s21 =	sadd.s32 $0x10, s22;
	v16 =	vld.idx.msk [tilespmem:v16+s15+$0x0], $0xffff  }
0x129: {  	v17 =	vld [tilespmem:s21+$0x0];
	_ =	sdelay $0x3  }
0x12a: {  	vm14 =	vgt.s32 v15, v18  }
0x12b: {  	v15 =	vsel vm14, v15, v18;
	v16 =	vsub.s32 v16, v17  }
0x12c: {  	vm0 =	vgt.s32 v15, v16  }
0x12d: {  	v15 =	vsel vm0, v15, v16  }
0x12e: {  	v15 =	vxor.u32 $0x80000000, v15  }
0x12f: {  	(xrf0) =	vmax.scan.msk.u32 $0xffff, v15;
	_ =	sdelay $0x5  }
0x130: {  	v15, _, _ =	vpop (xrf0)  }
0x131: {  	(v2sf) =	vpush v15, $0xF;
	_ =	sdelay $0xe  }
0x132: {  	s31 =	spop (v2sf)  }
0x133: {  	p0 =	sgt.u32 s31, $0x80000007  }
.Ltmp8:
0x134: {  	_ = 	snop;
	(pc) =	sbr.rel @p0 .LBB2_17-.Ltmp8, $4  }
0x135: {  	vm15 =	vlt.s32 v16, $0xF  }
0x136: {  	v16 =	vnsel vm15, $0xF, v16;
	v15 =	vshll.u32 v17, $0x4  }
0x137: {  	v15 =	vadd.s32 v15, v16  }
0x138: {  	[tilespmem:s21+$0x0] =	vst v15;
	s21 =	simm.s32 $0x0  }
.LBB2_14:
0x139: {  	s22 =	sshll.u32 s21, $0xB  }
0x13a: {  	s22 =	sadd.s32 s8, s22  }
0x13b: {  	s23 =	sadd.s32 s1, s22  }
0x13c: {  	[tilespmem:s16], [sflag:$0x1] =	stream.linear.gather [hbm4b:s23+s2], $0x4000, $0x38;
	[tilespmem:$0xD580] =	vst v63  }
0x13d: {  	_ =	swait.ge [sflag:s10], $0x4000  }
0x13e: {  	[sflag:s10] =	ssyncset.done $0x0  }
0x13f: {  	s30 =	simm.s32 $0x55C0;
	[sflag:s10] =	ssyncadd.s32 $0xFFFFC000  }
0x140: {  	v15 =	vld [tilespmem:s30+$0x30]  }
0x141: {  	v28 =	vld [tilespmem:s30+$0xFFFFFFD0]  }
0x142: {  	v26 =	vld [tilespmem:s30+$0xFFFFFFE0]  }
0x143: {  	v27 =	vld [tilespmem:s30+$0xFFFFFFF0]  }
0x144: {  	v25 =	vld [tilespmem:s30+$0xFFFFFFC0]  }
0x145: {  	v41 =	vld [tilespmem:s30+$0x0];
	v16 =	vsub.f32 v15, v13  }
0x146: {  	v42 =	vld [tilespmem:s30+$0x10]  }
0x147: {  	v39 =	vld [tilespmem:s30+$0x20];
	v16 =	vmul.f32 v16, v14  }
0x148: {  	v17 =	vsub.f32 v28, v13;
	v18 =	vsub.f32 v26, v13  }
0x149: {  	v19 =	vsub.f32 v25, v13;
	v20 =	vsub.f32 v27, v13;
	v16 =	vmax.f32 v16, $0.0e+00  }
0x14a: {  	v21 =	vsub.f32 v41, v13;
	v17 =	vmul.f32 v17, v14;
	v16 =	vmin.f32 v16, $8.191000000e+03  }
0x14b: {  	v22 =	vsub.f32 v42, v13;
	v18 =	vmul.f32 v18, v14;
	v16 =	vtrunc.f32 v16  }
0x14c: {  	v23 =	vsub.f32 v39, v13;
	v19 =	vmul.f32 v19, v14;
	v16 =	vcvt.f32.s32 v16  }
0x14d: {  	v20 =	vmul.f32 v20, v14;
	v21 =	vmul.f32 v21, v14  }
0x14e: {  	v22 =	vmul.f32 v22, v14;
	v23 =	vmul.f32 v23, v14  }
0x14f: {  	v17 =	vmax.f32 v17, $0.0e+00;
	v19 =	vmax.f32 v19, $0.0e+00;
	v18 =	vmax.f32 v18, $0.0e+00  }
0x150: {  	v20 =	vmax.f32 v20, $0.0e+00;
	v21 =	vmax.f32 v21, $0.0e+00;
	v19 =	vmin.f32 v19, $8.191000000e+03  }
0x151: {  	v22 =	vmax.f32 v22, $0.0e+00;
	v17 =	vmin.f32 v17, $8.191000000e+03;
	v19 =	vtrunc.f32 v19  }
0x152: {  	v18 =	vmin.f32 v18, $8.191000000e+03;
	v17 =	vtrunc.f32 v17;
	v19 =	vcvt.f32.s32 v19;
	v16 =	vld.idx.msk [tilespmem:v16+s15+$0x0], $0xffff  }
0x153: {  	v20 =	vmin.f32 v20, $8.191000000e+03;
	v18 =	vtrunc.f32 v18;
	v17 =	vcvt.f32.s32 v17  }
0x154: {  	v21 =	vmin.f32 v21, $8.191000000e+03;
	v20 =	vtrunc.f32 v20;
	v18 =	vcvt.f32.s32 v18  }
0x155: {  	v22 =	vmin.f32 v22, $8.191000000e+03;
	v21 =	vtrunc.f32 v21;
	v20 =	vcvt.f32.s32 v20  }
0x156: {  	v23 =	vmax.f32 v23, $0.0e+00;
	v22 =	vtrunc.f32 v22;
	v21 =	vcvt.f32.s32 v21  }
0x157: {  	v23 =	vmin.f32 v23, $8.191000000e+03;
	v22 =	vcvt.f32.s32 v22;
	v34 =	vshrl.u32 v16, $0x4  }
0x158: {  	v29 =	vld.idx.msk [tilespmem:v19+s15+$0x0], $0xffff;
	v19 =	vtrunc.f32 v23;
	v24 =	vmin.u32 v34, $0x3FC  }
0x159: {  	v17 =	vld.idx.msk [tilespmem:v17+s15+$0x0], $0xffff;
	v23 =	vcvt.f32.s32 v19;
	v24 =	vadd.s32 $0x3, v24  }
0x15a: {  	v18 =	vld.idx.msk [tilespmem:v18+s15+$0x0], $0xffff  }
0x15b: {  	v35 =	vld.idx.msk [tilespmem:v20+s15+$0x0], $0xffff  }
0x15c: {  	v36 =	vld.idx.msk [tilespmem:v21+s15+$0x0], $0xffff  }
0x15d: {  	v22 =	vld.idx.msk [tilespmem:v22+s15+$0x0], $0xffff  }
0x15e: {  	v19 =	vshrl.u32 v29, $0x4;
	v24 =	vld.idx.msk [tilespmem:v24+s17+$0x0], $0xffff  }
0x15f: {  	v30 =	vand.u32 $0xF, v29;
	v20 =	vshrl.u32 v17, $0x4;
	v21 =	vmin.u32 v19, $0x3FC;
	v37 =	vld.idx.msk [tilespmem:v23+s15+$0x0], $0xffff  }
0x160: {  	v29 =	vand.u32 $0xF, v17;
	v17 =	vadd.s32 $0x3, v21;
	v23 =	vshrl.u32 v35, $0x4  }
0x161: {  	v16 =	vand.u32 $0xF, v16;
	v40 =	vmin.u32 v23, $0x3FC  }
0x162: {  	v33 =	vshrl.u32 v22, $0x4;
	v31 =	vmin.u32 v20, $0x3FC;
	v40 =	vadd.s32 $0x3, v40  }
0x163: {  	vm0 =	vgt.u32 v16, $0x3;
	v45 =	vmin.u32 v33, $0x3FC;
	vm1 =	vle.f32 v24, v15  }
0x164: {  	v21 =	vshrl.u32 v18, $0x4;
	v32 =	vshrl.u32 v37, $0x4;
	vm0 =	vmand vm0, vm1  }
0x165: {  	v43 =	vadd.s32 $0x3, v31;
	v17 =	vld.idx.msk [tilespmem:v17+s17+$0x0], $0xffff;
	v47 =	vmin.u32 v32, $0x3FC;
	v46 =	vsel vm0, $0x4, v2  }
0x166: {  	v38 =	vmin.u32 v21, $0x3FC;
	v47 =	vadd.s32 $0x3, v47;
	v44 =	vadd.s32 v34, v46  }
0x167: {  	v50 =	vadd.s32 $0x3, v45;
	v38 =	vadd.s32 $0x3, v38;
	v61 =	vld.idx.msk [tilespmem:v40+s17+$0x0], $0xffff;
	v44 =	vmin.u32 v44, $0x3FE  }
0x168: {  	v35 =	vand.u32 $0xF, v35;
	v24 =	vshrl.u32 v36, $0x4;
	v48 =	vadd.s32 $0x1, v44  }
0x169: {  	v45 =	vand.u32 $0xF, v36;
	vm4 =	vgt.u32 v35, $0x3;
	v31 =	vmin.u32 v24, $0x3FC  }
0x16a: {  	vm2 =	vle.f32 v17, v25;
	v49 =	vadd.s32 $0x3, v31;
	v31 =	vand.u32 $0xF, v18;
	v18 =	vld.idx.msk [tilespmem:v43+s17+$0x0], $0xffff  }
0x16b: {  	vm1 =	vgt.u32 v29, $0x3;
	vm0 =	vgt.u32 v30, $0x3;
	v43 =	vand.u32 $0xF, v37;
	v47 =	vld.idx.msk [tilespmem:v47+s17+$0x0], $0xffff  }
0x16c: {  	v17 =	vld.idx.msk [tilespmem:v38+s17+$0x0], $0xffff;
	vm7 =	vle.f32 v61, v27;
	vm3 =	vgt.u32 v31, $0x3;
	vm0 =	vmand vm0, vm2  }
0x16d: {  	vm2 =	vgt.u32 v45, $0x3;
	v37 =	vsel vm0, $0x4, v2;
	v44 =	vand.u32 $0xF, v22;
	v22 =	vld.idx.msk [tilespmem:v48+s17+$0x0], $0xffff  }
0x16e: {  	vm6 =	vgt.u32 v43, $0x3;
	v62 =	vadd.s32 v19, v37;
	v63 =	vor.u32 $0x2, v37  }
0x16f: {  	vm5 =	vgt.u32 v44, $0x3;
	v38 =	vmin.u32 v62, $0x3FE;
	vm0 =	vle.f32 v18, v28;
	v18 =	vld.idx.msk [tilespmem:v49+s17+$0x0], $0xffff  }
0x170: {  	vm14 =	vle.f32 v47, v39;
	v38 =	vadd.s32 $0x1, v38;
	vm0 =	vmand vm1, vm0  }
0x171: {  	v49 =	vsel vm0, $0x4, v2;
	vm0 =	vle.f32 v17, v26;
	v17 =	vor.u32 $0x2, v46  }
0x172: {  	vm0 =	vmand vm3, vm0;
	vm1 =	vle.u32 v17, v16;
	vm3 =	vle.f32 v22, v15  }
0x173: {  	v17 =	vadd.s32 v20, v49;
	v7 =	vor.u32 $0x2, v49;
	vm1 =	vmand vm3, vm1  }
0x174: {  	v17 =	vmin.u32 v17, $0x3FE;
	vm13 =	vle.f32 v18, v41;
	v18 =	vsel vm1, $0x2, v2  }
0x175: {  	v4 =	vld.idx.msk [tilespmem:v50+s17+$0x0], $0xffff;
	v17 =	vadd.s32 $0x1, v17;
	vm2 =	vmand vm2, vm13;
	v18 =	vor.u32 v46, v18  }
0x176: {  	v40 =	vsel vm2, $0x4, v2;
	v22 =	vsel vm0, $0x4, v2;
	v46 =	vadd.s32 v34, v18  }
0x177: {  	vm0 =	vle.u32 v63, v30;
	v52 =	vadd.s32 v24, v40;
	v5 =	vmin.u32 v46, $0x3FF  }
0x178: {  	v59 =	vor.u32 $0x2, v40;
	vm3 =	vmand vm4, vm7;
	v6 =	vadd.s32 v21, v22  }
0x179: {  	v52 =	vmin.u32 v52, $0x3FE;
	v57 =	vor.u32 $0x2, v22;
	vm13 =	vle.u32 v59, v45  }
0x17a: {  	vm1 =	vle.f32 v4, v42;
	v50 =	vmin.u32 v6, $0x3FE;
	v34 =	vsel vm3, $0x4, v2  }
0x17b: {  	v52 =	vadd.s32 $0x1, v52;
	vm2 =	vle.u32 v57, v31;
	v51 =	vadd.s32 v23, v34  }
0x17c: {  	s31 =	simm.s32 $0x5640;
	vm1 =	vmand vm5, vm1;
	v50 =	vadd.s32 $0x1, v50;
	v51 =	vmin.u32 v51, $0x3FE;
	v36 =	vld.idx.msk [tilespmem:v5+s17+$0x0], $0xffff  }
0x17d: {  	vm3 =	vmand vm6, vm14;
	v47 =	vsel vm1, $0x4, v2;
	v55 =	vadd.s32 $0x1, v51;
	v51 =	vld [tilespmem:s31+$0x30]  }
0x17e: {  	v38 =	vld.idx.msk [tilespmem:v38+s17+$0x0], $0xffff;
	vm1 =	vle.u32 v7, v29;
	v48 =	vsel vm3, $0x4, v2;
	v53 =	vadd.s32 v33, v47  }
0x17f: {  	v58 =	vor.u32 $0x2, v34;
	v60 =	vor.u32 $0x2, v47;
	vm3 =	vlt.u32 v18, v16  }
0x180: {  	v17 =	vld.idx.msk [tilespmem:v17+s17+$0x0], $0xffff;
	v54 =	vadd.s32 v32, v48;
	v53 =	vmin.u32 v53, $0x3FE;
	v61 =	vor.u32 $0x2, v48  }
0x181: {  	vm12 =	vle.u32 v58, v35;
	v53 =	vadd.s32 $0x1, v53;
	vm15 =	vle.f32 v36, v15;
	v15 =	vld.idx.msk [tilespmem:v50+s17+$0x0], $0xffff  }
0x182: {  	v54 =	vmin.u32 v54, $0x3FE;
	v16 =	vsub.f32 v51, v13;
	vm3 =	vmand vm15, vm3  }
0x183: {  	v56 =	vadd.s32 $0x1, v54;
	v18 =	vld.idx.msk [tilespmem:v55+s17+$0x0], $0xffff;
	v54 =	vsel vm3, $0x1, v2;
	vm3 =	vle.f32 v38, v25  }
0x184: {  	vm14 =	vle.u32 v60, v44;
	v16 =	vmul.f32 v16, v14;
	vm0 =	vmand vm3, vm0  }
0x185: {  	v60 =	vld.idx.msk [tilespmem:v52+s17+$0x0], $0xffff;
	vm3 =	vle.u32 v61, v43;
	v62 =	vsel vm0, $0x2, v2;
	vm0 =	vle.f32 v17, v28  }
0x186: {  	v61 =	vld.idx.msk [tilespmem:v53+s17+$0x0], $0xffff;
	vm0 =	vmand vm0, vm1;
	vm1 =	vle.f32 v15, v26;
	v15 =	vmax.f32 v16, $0.0e+00  }
0x187: {  	v37 =	vor.u32 v37, v62;
	v63 =	vsel vm0, $0x2, v2;
	vm0 =	vmand vm1, vm2  }
0x188: {  	v17 =	vld.idx.msk [tilespmem:v56+s17+$0x0], $0xffff;
	v15 =	vmin.f32 v15, $8.191000000e+03;
	vm1 =	vle.f32 v18, v27;
	v58 =	vadd.s32 v19, v37  }
0x189: {  	v18 =	vsel vm0, $0x2, v2;
	v15 =	vtrunc.f32 v15;
	vm0 =	vmand vm1, vm12  }
0x18a: {  	v16 =	vld [tilespmem:s31+$0xFFFFFFD0];
	vm1 =	vle.f32 v60, v41;
	v55 =	vor.u32 v49, v63;
	v36 =	vcvt.f32.s32 v15  }
0x18b: {  	v19 =	vld [tilespmem:s31+$0x10];
	v4 =	vsel vm0, $0x2, v2;
	vm0 =	vmand vm1, vm13;
	vm1 =	vle.f32 v61, v42  }
0x18c: {  	v57 =	vor.u32 v22, v18;
	v22 =	vld [tilespmem:s31+$0xFFFFFFC0];
	v52 =	vadd.s32 v20, v55;
	vm15 =	vlt.u32 v55, v29  }
0x18d: {  	v15 =	vld [tilespmem:s31+$0xFFFFFFF0];
	v5 =	vsel vm0, $0x2, v2;
	vm0 =	vmand vm1, vm14;
	vm1 =	vle.f32 v17, v39  }
0x18e: {  	v18 =	vld [tilespmem:s31+$0x0];
	v60 =	vor.u32 v34, v4;
	v49 =	vadd.s32 v21, v57;
	v0 =	vmin.u32 v52, $0x3FF  }
0x18f: {  	v17 =	vld [tilespmem:s31+$0xFFFFFFE0];
	v6 =	vsel vm0, $0x2, v2;
	vm0 =	vmand vm1, vm3;
	v56 =	vor.u32 v40, v5  }
0x190: {  	v21 =	vadd.s32 v23, v60;
	v61 =	vsub.f32 v16, v13;
	v5 =	vmin.u32 v58, $0x3FF  }
0x191: {  	v1 =	vmin.u32 v49, $0x3FF;
	v7 =	vsel vm0, $0x2, v2;
	v4 =	vsub.f32 v22, v13;
	v34 =	vld.idx.msk [tilespmem:v36+s15+$0x0], $0xffff  }
0x192: {  	vm3 =	vlt.u32 v37, v30;
	v53 =	vor.u32 v47, v6;
	v59 =	vor.u32 v48, v7  }
0x193: {  	v7 =	vsub.f32 v19, v13;
	v63 =	vsub.f32 v15, v13;
	v40 =	vmul.f32 v4, v14  }
0x194: {  	v23 =	vadd.s32 v33, v53;
	v6 =	vsub.f32 v18, v13;
	v62 =	vsub.f32 v17, v13  }
0x195: {  	v20 =	vld [tilespmem:s31+$0x20];
	v36 =	vmul.f32 v61, v14;
	v61 =	vmul.f32 v7, v14;
	v40 =	vmax.f32 v40, $0.0e+00  }
0x196: {  	v33 =	vmul.f32 v62, v14;
	v40 =	vmin.f32 v40, $8.191000000e+03;
	v50 =	vshrl.u32 v34, $0x4  }
0x197: {  	v38 =	vmul.f32 v63, v14;
	v40 =	vtrunc.f32 v40;
	v62 =	vmin.u32 v50, $0x3FC  }
0x198: {  	v33 =	vmax.f32 v33, $0.0e+00;
	v40 =	vcvt.f32.s32 v40;
	v62 =	vadd.s32 $0x3, v62  }
0x199: {  	v48 =	vmul.f32 v6, v14;
	v36 =	vmax.f32 v36, $0.0e+00;
	v33 =	vmin.f32 v33, $8.191000000e+03  }
0x19a: {  	v63 =	vsub.f32 v20, v13;
	v36 =	vmin.f32 v36, $8.191000000e+03;
	v33 =	vtrunc.f32 v33  }
0x19b: {  	v3 =	vmin.u32 v21, $0x3FF;
	v47 =	vld.idx.msk [tilespmem:v5+s17+$0x0], $0xffff;
	v36 =	vtrunc.f32 v36;
	v4 =	vcvt.f32.s32 v33  }
0x19c: {  	v0 =	vld.idx.msk [tilespmem:v0+s17+$0x0], $0xffff;
	v61 =	vmax.f32 v61, $0.0e+00;
	v63 =	vmul.f32 v63, v14;
	v36 =	vcvt.f32.s32 v36  }
0x19d: {  	v38 =	vmax.f32 v38, $0.0e+00;
	v48 =	vmax.f32 v48, $0.0e+00;
	v61 =	vmin.f32 v61, $8.191000000e+03;
	v62 =	vld.idx.msk [tilespmem:v62+s17+$0x0], $0xffff  }
0x19e: {  	v38 =	vmin.f32 v38, $8.191000000e+03;
	v48 =	vmin.f32 v48, $8.191000000e+03;
	v63 =	vmax.f32 v63, $0.0e+00;
	v5 =	vld.idx.msk [tilespmem:v40+s15+$0x0], $0xffff  }
0x19f: {  	v38 =	vtrunc.f32 v38;
	v48 =	vtrunc.f32 v48;
	v6 =	vand.u32 $0xF, v34  }
0x1a0: {  	v1 =	vld.idx.msk [tilespmem:v1+s17+$0x0], $0xffff;
	v63 =	vmin.f32 v63, $8.191000000e+03;
	v38 =	vcvt.f32.s32 v38;
	vm2 =	vle.f32 v47, v25  }
0x1a1: {  	vm0 =	vgt.u32 v6, $0x3;
	v63 =	vtrunc.f32 v63;
	vm2 =	vmand vm2, vm3;
	v4 =	vld.idx.msk [tilespmem:v4+s15+$0x0], $0xffff  }
0x1a2: {  	vm3 =	vle.f32 v0, v28;
	v7 =	vld.idx.msk [tilespmem:v36+s15+$0x0], $0xffff;
	v36 =	vcvt.f32.s32 v48;
	vm1 =	vle.f32 v62, v51  }
0x1a3: {  	v62 =	vtrunc.f32 v61;
	v61 =	vcvt.f32.s32 v63;
	v33 =	vshrl.u32 v5, $0x4  }
0x1a4: {  	vm0 =	vmand vm0, vm1;
	v40 =	vcvt.f32.s32 v62;
	v30 =	vmin.u32 v33, $0x3FC  }
0x1a5: {  	v48 =	vsel vm0, $0x4, v2;
	v30 =	vadd.s32 $0x3, v30;
	vm0 =	vlt.u32 v60, v35  }
0x1a6: {  	v60 =	vsel vm2, $0x1, v2;
	vm2 =	vmand vm3, vm15;
	v35 =	vshrl.u32 v4, $0x4  }
0x1a7: {  	v3 =	vld.idx.msk [tilespmem:v3+s17+$0x0], $0xffff;
	vm3 =	vle.f32 v1, v26;
	v25 =	vadd.s32 v50, v48;
	v1 =	vmin.u32 v35, $0x3FC  }
0x1a8: {  	v34 =	vshrl.u32 v7, $0x4;
	v29 =	vld.idx.msk [tilespmem:v36+s15+$0x0], $0xffff;
	v25 =	vmin.u32 v25, $0x3FE;
	v1 =	vadd.s32 $0x3, v1  }
0x1a9: {  	v63 =	vmin.u32 v34, $0x3FC;
	v47 =	vadd.s32 $0x1, v25;
	v25 =	vadd.s32 v32, v59;
	v32 =	vld.idx.msk [tilespmem:v38+s15+$0x0], $0xffff  }
0x1aa: {  	v38 =	vadd.s32 $0x3, v63;
	v0 =	vld.idx.msk [tilespmem:v61+s15+$0x0], $0xffff  }
0x1ab: {  	v24 =	vadd.s32 v24, v56;
	vm1 =	vlt.u32 v57, v31;
	v31 =	vld.idx.msk [tilespmem:v40+s15+$0x0], $0xffff  }
0x1ac: {  	v55 =	vmin.u32 v24, $0x3FF;
	vm4 =	vle.f32 v3, v27;
	v62 =	vmin.u32 v23, $0x3FF;
	v3 =	vld.idx.msk [tilespmem:v30+s17+$0x0], $0xffff  }
0x1ad: {  	vm1 =	vmand vm3, vm1;
	vm0 =	vmand vm4, vm0;
	v37 =	vshrl.u32 v29, $0x4;
	v1 =	vld.idx.msk [tilespmem:v1+s17+$0x0], $0xffff  }
0x1ae: {  	v29 =	vand.u32 $0xF, v29;
	v57 =	vmin.u32 v25, $0x3FF;
	v30 =	vmin.u32 v37, $0x3FC;
	v28 =	vld.idx.msk [tilespmem:v47+s17+$0x0], $0xffff  }
0x1af: {  	v30 =	vadd.s32 $0x3, v30;
	v36 =	vshrl.u32 v32, $0x4;
	v26 =	vld.idx.msk [tilespmem:v38+s17+$0x0], $0xffff;
	v47 =	vor.u32 $0x2, v48  }
0x1b0: {  	v27 =	vmin.u32 v36, $0x3FC;
	vm12 =	vle.u32 v47, v6;
	v38 =	vshrl.u32 v31, $0x4  }
0x1b1: {  	v40 =	vshrl.u32 v0, $0x4;
	v27 =	vadd.s32 $0x3, v27;
	v61 =	vmin.u32 v38, $0x3FC  }
0x1b2: {  	vm14 =	vle.f32 v3, v22;
	v31 =	vand.u32 $0xF, v31;
	v47 =	vadd.s32 $0x3, v61  }
0x1b3: {  	v61 =	vsel vm2, $0x1, v2;
	vm3 =	vle.f32 v1, v17;
	vm13 =	vle.f32 v28, v51  }
0x1b4: {  	vm15 =	vle.f32 v26, v16;
	v28 =	vmin.u32 v40, $0x3FC;
	v26 =	vand.u32 $0xF, v5  }
0x1b5: {  	v61 =	vadd.s32 v61, v52;
	vm5 =	vmand vm13, vm12;
	v5 =	vadd.s32 $0x3, v28  }
0x1b6: {  	v28 =	vand.u32 $0xF, v4;
	v4 =	vld.idx.msk [tilespmem:v30+s17+$0x0], $0xffff;
	v30 =	vand.u32 $0xF, v32;
	v3 =	vsel vm5, $0x2, v2  }
0x1b7: {  	vm2 =	vgt.u32 v26, $0x3;
	v32 =	vand.u32 $0xF, v0;
	v3 =	vor.u32 v48, v3  }
0x1b8: {  	vm2 =	vmand vm2, vm14;
	v48 =	vld.idx.msk [tilespmem:v27+s17+$0x0], $0xffff;
	v27 =	vand.u32 $0xF, v7;
	v7 =	vadd.s32 v50, v3  }
0x1b9: {  	v63 =	vld.idx.msk [tilespmem:v47+s17+$0x0], $0xffff;
	vm12 =	vgt.u32 v27, $0x3;
	v47 =	vsel vm2, $0x4, v2;
	vm2 =	vgt.u32 v28, $0x3  }
0x1ba: {  	v1 =	vmin.u32 v7, $0x3FF;
	vm4 =	vmand vm12, vm15;
	vm15 =	vgt.u32 v30, $0x3  }
0x1bb: {  	vm2 =	vmand vm2, vm3;
	vm12 =	vgt.u32 v31, $0x3;
	vm14 =	vle.f32 v4, v18  }
0x1bc: {  	v0 =	vld.idx.msk [tilespmem:v5+s17+$0x0], $0xffff;
	v50 =	vsel vm2, $0x4, v2;
	vm2 =	vgt.u32 v29, $0x3;
	v5 =	vadd.s32 v60, v58  }
0x1bd: {  	vm2 =	vmand vm2, vm14;
	vm13 =	vle.f32 v48, v15;
	v48 =	vsel vm4, $0x4, v2  }
0x1be: {  	v4 =	vld.idx.msk [tilespmem:v55+s17+$0x0], $0xffff;
	vm3 =	vle.f32 v63, v19;
	vm4 =	vmand vm15, vm13;
	vm13 =	vgt.u32 v32, $0x3  }
0x1bf: {  	v63 =	vld.idx.msk [tilespmem:v62+s17+$0x0], $0xffff;
	vm15 =	vlt.u32 v56, v45;
	v45 =	vadd.s32 v34, v48;
	v62 =	vor.u32 $0x2, v48  }
0x1c0: {  	vm3 =	vmand vm12, vm3;
	v55 =	vsel vm4, $0x4, v2;
	vm12 =	vlt.u32 v53, v44  }
0x1c1: {  	v44 =	vadd.s32 v33, v47;
	vm14 =	vle.f32 v0, v20;
	v0 =	vld.idx.msk [tilespmem:v57+s17+$0x0], $0xffff;
	v57 =	vsel vm2, $0x4, v2  }
0x1c2: {  	v1 =	vld.idx.msk [tilespmem:v1+s17+$0x0], $0xffff;
	v56 =	vsel vm3, $0x4, v2;
	vm2 =	vlt.u32 v3, v6;
	v3 =	vsel vm1, $0x1, v2  }
0x1c3: {  	v6 =	vmin.u32 v45, $0x3FE;
	vm5 =	vmand vm13, vm14;
	vm13 =	vle.f32 v4, v41  }
0x1c4: {  	v4 =	vmin.u32 v44, $0x3FE;
	v6 =	vadd.s32 $0x1, v6;
	v58 =	vadd.s32 v37, v57  }
0x1c5: {  	v53 =	vsel vm5, $0x4, v2;
	v4 =	vadd.s32 $0x1, v4;
	vm14 =	vle.f32 v63, v42  }
0x1c6: {  	v60 =	vadd.s32 v40, v53;
	v42 =	vmin.u32 v58, $0x3FE;
	v63 =	vor.u32 $0x2, v50  }
0x1c7: {  	v58 =	vor.u32 $0x2, v57;
	vm3 =	vle.f32 v1, v51;
	v51 =	vadd.s32 v35, v50  }
0x1c8: {  	v45 =	vmin.u32 v60, $0x3FE;
	v42 =	vadd.s32 $0x1, v42;
	vm1 =	vle.f32 v0, v39  }
0x1c9: {  	v0 =	vadd.s32 v54, v46;
	v54 =	vadd.s32 v36, v55;
	v41 =	vmin.u32 v51, $0x3FE  }
0x1ca: {  	v60 =	vor.u32 $0x2, v56;
	v39 =	vmin.u32 v54, $0x3FE;
	v41 =	vadd.s32 $0x1, v41  }
0x1cb: {  	vm2 =	vmand vm3, vm2;
	vm3 =	vmand vm13, vm15;
	v39 =	vadd.s32 $0x1, v39  }
0x1cc: {  	vm15 =	vlt.u32 v59, v43;
	v46 =	vor.u32 $0x2, v47;
	v59 =	vadd.s32 v38, v56;
	v4 =	vld.idx.msk [tilespmem:v4+s17+$0x0], $0xffff  }
0x1cd: {  	v43 =	vsel vm0, $0x1, v2;
	vm10 =	vle.u32 v60, v31;
	v44 =	vmin.u32 v59, $0x3FE;
	v6 =	vld.idx.msk [tilespmem:v6+s17+$0x0], $0xffff  }
0x1ce: {  	v5 =	vld.idx.msk [tilespmem:v5+s18+$0x0], $0xffff;
	v1 =	vsel vm2, $0x1, v2;
	vm2 =	vmand vm14, vm12;
	v51 =	vadd.s32 $0x1, v44  }
0x1cf: {  	vm1 =	vmand vm1, vm15;
	vm0 =	vle.u32 v46, v26;
	v59 =	vadd.s32 $0x1, v45;
	v41 =	vld.idx.msk [tilespmem:v41+s17+$0x0], $0xffff  }
0x1d0: {  	v54 =	vor.u32 $0x2, v55;
	v46 =	vsel vm3, $0x1, v2;
	vm3 =	vle.u32 v62, v27;
	v39 =	vld.idx.msk [tilespmem:v39+s17+$0x0], $0xffff  }
0x1d1: {  	v1 =	vadd.s32 v1, v7;
	v45 =	vsel vm1, $0x1, v2;
	v7 =	vld.idx.msk [tilespmem:v42+s17+$0x0], $0xffff;
	vm1 =	vle.f32 v4, v22  }
0x1d2: {  	v44 =	vsel vm2, $0x1, v2;
	v0 =	vld.idx.msk [tilespmem:v0+s18+$0x0], $0xffff;
	vm0 =	vmand vm1, vm0;
	vm1 =	vle.f32 v6, v16  }
0x1d3: {  	vm2 =	vle.u32 v63, v28;
	v4 =	vor.u32 $0x2, v53;
	v6 =	vld.idx.msk [tilespmem:v51+s17+$0x0], $0xffff;
	vm1 =	vmand vm1, vm3  }
0x1d4: {  	vm3 =	vle.u32 v54, v30;
	v54 =	vsel vm0, $0x2, v2;
	vm0 =	vle.f32 v41, v17  }
0x1d5: {  	v42 =	vsel vm1, $0x2, v2;
	vm0 =	vmand vm0, vm2;
	vm2 =	vle.f32 v39, v15  }
0x1d6: {  	s24 =	simm.s32 $0x95C0;
	v52 =	vld.idx.msk [tilespmem:v59+s17+$0x0], $0xffff;
	vm1 =	vle.u32 v58, v29;
	v58 =	vsel vm0, $0x2, v2;
	vm0 =	vmand vm2, vm3  }
0x1d7: {  	[tilespmem:s24+$0xFFFFFFC0] =	vst v5;
	v51 =	vadd.s32 v3, v49;
	v49 =	vld.idx.msk [tilespmem:v61+s18+$0x0], $0xffff;
	v59 =	vsel vm0, $0x2, v2;
	vm0 =	vle.f32 v7, v18  }
0x1d8: {  	s25 =	simm.s32 $0x8;
	s26 =	simm.s32 $0x56C0;
	s23 =	simm.s32 $0x95C0;
	vm9 =	vle.u32 v4, v32;
	[tilespmem:s24+$0x30] =	vst v0;
	v41 =	vld.idx.msk [tilespmem:v1+s18+$0x0], $0xffff;
	vm1 =	vmand vm0, vm1;
	vm0 =	vle.f32 v6, v19  }
.LBB2_15:
0x1d9: {  	v0 =	vsel vm1, $0x2, v2;
	vm0 =	vmand vm0, vm10;
	v1 =	vor.u32 v47, v54  }
0x1da: {  	v39 =	vld [tilespmem:s26+$0x30];
	v4 =	vor.u32 v48, v42;
	v5 =	vor.u32 v50, v58;
	v7 =	vor.u32 v55, v59  }
0x1db: {  	v47 =	vld [tilespmem:s26+$0xFFFFFFE0];
	v3 =	vsel vm0, $0x2, v2;
	v0 =	vor.u32 v57, v0;
	v33 =	vadd.s32 v33, v1  }
0x1dc: {  	v54 =	vld [tilespmem:s26+$0xFFFFFFF0];
	v42 =	vadd.s32 v35, v5;
	v55 =	vadd.s32 v36, v7;
	vm2 =	vlt.u32 v1, v26  }
0x1dd: {  	v48 =	vld [tilespmem:s26+$0x10];
	vm3 =	vlt.u32 v4, v27;
	vm5 =	vlt.u32 v5, v28;
	vm4 =	vlt.u32 v7, v30  }
0x1de: {  	s24 =	sadd.s32 $0x80, s24;
	v50 =	vld [tilespmem:s26+$0x0];
	v28 =	vadd.s32 v44, v23;
	v3 =	vor.u32 v56, v3;
	v57 =	vmin.u32 v33, $0x3FF  }
0x1df: {  	v36 =	vadd.s32 v38, v3;
	vm1 =	vle.f32 v52, v20;
	[tilespmem:s24+$0x30] =	vst v41;
	v41 =	vadd.s32 v34, v4  }
0x1e0: {  	v52 =	vld [tilespmem:s26+$0xFFFFFFD0];
	v34 =	vadd.s32 v37, v0;
	v9 =	vmin.u32 v36, $0x3FF;
	vm0 =	vmand vm1, vm9  }
0x1e1: {  	v37 =	vld [tilespmem:s26+$0xFFFFFFC0];
	v63 =	vsub.f32 v39, v13;
	v61 =	vsub.f32 v47, v13;
	v6 =	vsel vm0, $0x2, v2  }
0x1e2: {  	v51 =	vld.idx.msk [tilespmem:v51+s18+$0x0], $0xffff;
	v62 =	vsub.f32 v54, v13;
	v59 =	vsub.f32 v48, v13;
	v6 =	vor.u32 v53, v6  }
0x1e3: {  	v53 =	vmul.f32 v63, v14;
	v38 =	vmul.f32 v61, v14;
	v63 =	vsub.f32 v50, v13  }
0x1e4: {  	v56 =	vmul.f32 v62, v14;
	v59 =	vmul.f32 v59, v14;
	v62 =	vmin.u32 v42, $0x3FF  }
0x1e5: {  	v35 =	vadd.s32 v40, v6;
	v60 =	vsub.f32 v52, v13;
	v53 =	vmax.f32 v53, $0.0e+00  }
0x1e6: {  	[tilespmem:s23+$0xFFFFFFD0] =	vst v49;
	v49 =	vld [tilespmem:s26+$0x20];
	v58 =	vmul.f32 v63, v14;
	v61 =	vsub.f32 v37, v13;
	v38 =	vmax.f32 v38, $0.0e+00  }
0x1e7: {  	[tilespmem:s23+$0xFFFFFFE0] =	vst v51;
	v56 =	vmax.f32 v56, $0.0e+00;
	v51 =	vmax.f32 v59, $0.0e+00;
	v63 =	vmin.u32 v55, $0x3FF  }
0x1e8: {  	v57 =	vld.idx.msk [tilespmem:v57+s17+$0x0], $0xffff;
	v53 =	vmin.f32 v53, $8.191000000e+03;
	v38 =	vmin.f32 v38, $8.191000000e+03;
	v40 =	vmul.f32 v60, v14  }
0x1e9: {  	v56 =	vmin.f32 v56, $8.191000000e+03;
	v53 =	vtrunc.f32 v53;
	v61 =	vmul.f32 v61, v14  }
0x1ea: {  	v51 =	vmin.f32 v51, $8.191000000e+03;
	v38 =	vtrunc.f32 v38;
	v53 =	vcvt.f32.s32 v53  }
0x1eb: {  	v60 =	vsub.f32 v49, v13;
	v56 =	vtrunc.f32 v56;
	v51 =	vtrunc.f32 v51  }
0x1ec: {  	v58 =	vmax.f32 v58, $0.0e+00;
	v38 =	vcvt.f32.s32 v38;
	v56 =	vcvt.f32.s32 v56  }
0x1ed: {  	vm0 =	vle.f32 v57, v22;
	v40 =	vmax.f32 v40, $0.0e+00;
	v60 =	vmul.f32 v60, v14  }
0x1ee: {  	v10 =	vcvt.f32.s32 v51;
	vm6 =	vmand vm0, vm2;
	v40 =	vmin.f32 v40, $8.191000000e+03  }
0x1ef: {  	v1 =	vld.idx.msk [tilespmem:v63+s17+$0x0], $0xffff;
	v59 =	vmax.f32 v60, $0.0e+00;
	v60 =	vmax.f32 v61, $0.0e+00;
	v40 =	vtrunc.f32 v40  }
0x1f0: {  	vm2 =	vlt.u32 v3, v31;
	v60 =	vmin.f32 v60, $8.191000000e+03;
	v40 =	vcvt.f32.s32 v40;
	v53 =	vld.idx.msk [tilespmem:v53+s15+$0x0], $0xffff  }
0x1f1: {  	vm0 =	vlt.u32 v6, v32;
	v3 =	vimm.s32 $0x0;
	v60 =	vtrunc.f32 v60  }
0x1f2: {  	v57 =	vld.idx.msk [tilespmem:v62+s17+$0x0], $0xffff;
	v3 =	vsel vm0, $0xFFFFFFFF, v3;
	v61 =	vmin.u32 v41, $0x3FF;
	v60 =	vcvt.f32.s32 v60  }
0x1f3: {  	v8 =	vmin.u32 v34, $0x3FF;
	vm1 =	vlt.u32 v0, v29;
	v58 =	vmin.f32 v58, $8.191000000e+03;
	[tilespmem:$0x1FF60] =	vst v3;
	v3 =	vld.idx.msk [tilespmem:v38+s15+$0x0], $0xffff  }
0x1f4: {  	v62 =	vmin.u32 v35, $0x3FF;
	v58 =	vtrunc.f32 v58;
	v63 =	vadd.s32 v46, v24;
	v29 =	vld.idx.msk [tilespmem:v56+s15+$0x0], $0xffff  }
0x1f5: {  	v58 =	vcvt.f32.s32 v58;
	vm13 =	vle.f32 v1, v15;
	v1 =	vld.idx.msk [tilespmem:v10+s15+$0x0], $0xffff;
	v51 =	vshrl.u32 v53, $0x4  }
0x1f6: {  	v32 =	vadd.s32 v45, v25;
	v59 =	vmin.f32 v59, $8.191000000e+03;
	v0 =	vld.idx.msk [tilespmem:v40+s15+$0x0], $0xffff;
	v12 =	vmin.u32 v51, $0x3FC  }
0x1f7: {  	v59 =	vtrunc.f32 v59;
	vm12 =	vle.f32 v57, v17;
	v61 =	vld.idx.msk [tilespmem:v61+s17+$0x0], $0xffff;
	v12 =	vadd.s32 $0x3, v12  }
0x1f8: {  	v22 =	vmovc v37;
	v59 =	vcvt.f32.s32 v59;
	vm4 =	vmand vm13, vm4;
	v40 =	vsel vm6, $0x1, v2;
	v37 =	vld.idx.msk [tilespmem:v60+s15+$0x0], $0xffff  }
0x1f9: {  	v23 =	vmovc v36;
	v25 =	vmovc v35;
	v7 =	vld.idx.msk [tilespmem:v63+s18+$0x0], $0xffff;
	v5 =	vadd.s32 v40, v33;
	v35 =	vshrl.u32 v3, $0x4;
	v36 =	vshrl.u32 v29, $0x4  }
0x1fa: {  	v63 =	vld.idx.msk [tilespmem:v28+s18+$0x0], $0xffff;
	v28 =	vand.u32 $0xF, v3;
	v60 =	vadd.s32 v43, v21;
	v30 =	vmin.u32 v35, $0x3FC  }
0x1fb: {  	v24 =	vmovc v34;
	v31 =	vld.idx.msk [tilespmem:v58+s15+$0x0], $0xffff;
	v43 =	vand.u32 $0xF, v53;
	v58 =	vmin.u32 v36, $0x3FC;
	v34 =	vshrl.u32 v0, $0x4  }
0x1fc: {  	v38 =	vshrl.u32 v1, $0x4;
	vm13 =	vgt.u32 v28, $0x3;
	v10 =	vmin.u32 v34, $0x3FC;
	v12 =	vld.idx.msk [tilespmem:v12+s17+$0x0], $0xffff  }
0x1fd: {  	vm15 =	vle.f32 v61, v16;
	v33 =	vshrl.u32 v37, $0x4;
	v10 =	vadd.s32 $0x3, v10  }
0x1fe: {  	vm14 =	vgt.u32 v43, $0x3;
	v27 =	vand.u32 $0xF, v0;
	v0 =	vld.idx.msk [tilespmem:v59+s15+$0x0], $0xffff;
	v57 =	vmin.u32 v33, $0x3FC  }
0x1ff: {  	v44 =	vadd.s32 $0x3, v58;
	vm3 =	vmand vm15, vm3;
	v4 =	vadd.s32 $0x3, v57  }
0x200: {  	v45 =	vsel vm3, $0x1, v2;
	vm3 =	vmand vm12, vm5;
	vm7 =	vgt.u32 v27, $0x3  }
0x201: {  	v26 =	vand.u32 $0xF, v37;
	v37 =	vshrl.u32 v31, $0x4;
	v6 =	vld.idx.msk [tilespmem:v60+s18+$0x0], $0xffff;
	vm15 =	vle.f32 v12, v39  }
0x202: {  	v60 =	vmin.u32 v38, $0x3FC;
	v59 =	vmin.u32 v37, $0x3FC;
	v10 =	vld.idx.msk [tilespmem:v10+s17+$0x0], $0xffff;
	vm5 =	vmand vm14, vm15  }
0x203: {  	v16 =	vmovc v52;
	v3 =	vadd.s32 $0x3, v60;
	v40 =	vshrl.u32 v0, $0x4;
	v12 =	vld.idx.msk [tilespmem:v62+s17+$0x0], $0xffff;
	v52 =	vsel vm5, $0x4, v2  }
0x204: {  	v62 =	vadd.s32 $0x3, v30;
	v30 =	vmin.u32 v40, $0x3FC;
	v4 =	vld.idx.msk [tilespmem:v4+s17+$0x0], $0xffff;
	v61 =	vadd.s32 v51, v52  }
0x205: {  	v8 =	vld.idx.msk [tilespmem:v8+s17+$0x0], $0xffff;
	v46 =	vadd.s32 $0x3, v59;
	v60 =	vadd.s32 $0x3, v30;
	v53 =	vmin.u32 v61, $0x3FE  }
0x206: {  	v9 =	vld.idx.msk [tilespmem:v9+s17+$0x0], $0xffff;
	v30 =	vand.u32 $0xF, v29;
	v29 =	vand.u32 $0xF, v31;
	v53 =	vadd.s32 $0x1, v53  }
0x207: {  	v31 =	vand.u32 $0xF, v1;
	v1 =	vld.idx.msk [tilespmem:v32+s18+$0x0], $0xffff;
	v32 =	vand.u32 $0xF, v0;
	vm5 =	vgt.u32 v26, $0x3  }
0x208: {  	vm12 =	vgt.u32 v30, $0x3;
	vm11 =	vgt.u32 v29, $0x3;
	vm10 =	vgt.u32 v31, $0x3  }
0x209: {  	vm9 =	vgt.u32 v32, $0x3;
	vm14 =	vle.f32 v10, v16;
	v0 =	vld.idx.msk [tilespmem:v62+s17+$0x0], $0xffff;
	vm6 =	vle.f32 v4, v22  }
0x20a: {  	v17 =	vmovc v47;
	[tilespmem:s23+$0x0] =	vst v7;
	vm14 =	vmand vm7, vm14;
	vm8 =	vmand vm5, vm6;
	vm5 =	vle.f32 v8, v18  }
0x20b: {  	[tilespmem:s23+$0xFFFFFFF0] =	vst v6;
	vm6 =	vle.f32 v9, v19;
	v19 =	vmovc v48;
	v48 =	vsel vm14, $0x4, v2;
	v47 =	vsel vm8, $0x4, v2;
	v61 =	vld.idx.msk [tilespmem:v53+s17+$0x0], $0xffff  }
0x20c: {  	[tilespmem:s23+$0x10] =	vst v63;
	v62 =	vld.idx.msk [tilespmem:v44+s17+$0x0], $0xffff;
	vm8 =	vle.f32 v12, v20;
	v44 =	vadd.s32 v33, v47;
	v8 =	vor.u32 $0x2, v47  }
0x20d: {  	v63 =	vld.idx.msk [tilespmem:v46+s17+$0x0], $0xffff;
	[tilespmem:s23+$0x20] =	vst v1;
	v12 =	vor.u32 $0x2, v48;
	v1 =	vmin.u32 v44, $0x3FE;
	vm7 =	vle.u32 v8, v26  }
0x20e: {  	v8 =	vadd.s32 v34, v48;
	vm14 =	vle.f32 v0, v17;
	v0 =	vor.u32 $0x2, v52  }
0x20f: {  	v3 =	vld.idx.msk [tilespmem:v3+s17+$0x0], $0xffff;
	vm13 =	vmand vm13, vm14;
	vm14 =	vle.u32 v0, v43;
	v8 =	vmin.u32 v8, $0x3FE  }
0x210: {  	v15 =	vmovc v54;
	v18 =	vmovc v50;
	v46 =	vld.idx.msk [tilespmem:v60+s17+$0x0], $0xffff;
	v1 =	vadd.s32 $0x1, v1;
	v50 =	vsel vm13, $0x4, v2;
	vm15 =	vle.f32 v61, v39  }
0x211: {  	vm13 =	vle.f32 v62, v15;
	v8 =	vadd.s32 $0x1, v8;
	vm14 =	vmand vm15, vm14  }
0x212: {  	vm12 =	vmand vm12, vm13;
	vm13 =	vle.f32 v63, v18;
	v0 =	vsel vm14, $0x2, v2  }
0x213: {  	v59 =	vor.u32 $0x2, v50;
	vm11 =	vmand vm11, vm13;
	v0 =	vor.u32 v52, v0  }
0x214: {  	v21 =	vmovc v55;
	v20 =	vmovc v49;
	vm13 =	vle.f32 v3, v19;
	v55 =	vsel vm12, $0x4, v2;
	v3 =	vadd.s32 v51, v0  }
0x215: {  	vm10 =	vmand vm10, vm13;
	vm13 =	vle.f32 v46, v20;
	v49 =	vmin.u32 v3, $0x3FF  }
0x216: {  	v5 =	vld.idx.msk [tilespmem:v5+s18+$0x0], $0xffff;
	v57 =	vsel vm11, $0x4, v2;
	v54 =	vadd.s32 v36, v55;
	v60 =	vor.u32 $0x2, v55  }
0x217: {  	vm9 =	vmand vm9, vm13;
	v56 =	vsel vm10, $0x4, v2;
	v58 =	vadd.s32 v37, v57  }
0x218: {  	v6 =	vmin.u32 v54, $0x3FE;
	v61 =	vor.u32 $0x2, v57;
	vm13 =	vle.u32 v59, v28  }
0x219: {  	vm12 =	vle.u32 v60, v30;
	v53 =	vsel vm9, $0x4, v2;
	v9 =	vadd.s32 v38, v56  }
0x21a: {  	v7 =	vmin.u32 v58, $0x3FE;
	v6 =	vadd.s32 $0x1, v6;
	v52 =	vadd.s32 v35, v50;
	v4 =	vld.idx.msk [tilespmem:v49+s17+$0x0], $0xffff  }
0x21b: {  	[tilespmem:s24+$0xFFFFFFC0] =	vst v5;
	v62 =	vor.u32 $0x2, v56;
	vm14 =	vle.u32 v12, v27;
	v5 =	vmin.u32 v52, $0x3FE  }
0x21c: {  	vm11 =	vle.u32 v61, v29;
	v61 =	vsel vm3, $0x1, v2;
	v5 =	vadd.s32 $0x1, v5  }
0x21d: {  	v10 =	vadd.s32 v40, v53;
	v9 =	vmin.u32 v9, $0x3FE;
	vm10 =	vle.u32 v62, v31;
	v62 =	vld [tilespmem:$0x1FF60]  }
0x21e: {  	v7 =	vadd.s32 $0x1, v7;
	v63 =	vor.u32 $0x2, v53;
	v10 =	vmin.u32 v10, $0x3FE  }
0x21f: {  	v1 =	vld.idx.msk [tilespmem:v1+s17+$0x0], $0xffff;
	v9 =	vadd.s32 $0x1, v9;
	vm15 =	vlt.u32 v0, v43;
	vm0 =	vle.f32 v4, v39  }
0x220: {  	v8 =	vld.idx.msk [tilespmem:v8+s17+$0x0], $0xffff;
	vm9 =	vle.u32 v63, v32;
	v43 =	vsel vm4, $0x1, v2;
	vm0 =	vmand vm0, vm15  }
0x221: {  	v51 =	vadd.s32 v61, v42;
	v10 =	vadd.s32 $0x1, v10;
	v0 =	vld.idx.msk [tilespmem:v5+s17+$0x0], $0xffff;
	v59 =	vsel vm0, $0x1, v2  }
0x222: {  	v58 =	vld.idx.msk [tilespmem:v6+s17+$0x0], $0xffff;
	vm0 =	vmand vm5, vm1;
	vm1 =	vmand vm6, vm2;
	vm2 =	vnez.u8 v62  }
0x223: {  	s25 =	sadd.s32 $0x8, s25;
	v60 =	vld.idx.msk [tilespmem:v7+s17+$0x0], $0xffff;
	v3 =	vadd.s32 v59, v3;
	vm2 =	vmand vm8, vm2;
	v46 =	vsel vm0, $0x1, v2  }
0x224: {  	p0 =	slt.u32 s25, $0x3F8;
	v63 =	vld.idx.msk [tilespmem:v9+s17+$0x0], $0xffff;
	v44 =	vsel vm1, $0x1, v2;
	vm0 =	vle.f32 v1, v22;
	v1 =	vadd.s32 v45, v41  }
.Ltmp9:
0x225: {  	vm1 =	vle.f32 v8, v16;
	v45 =	vsel vm2, $0x1, v2;
	vm0 =	vmand vm0, vm7;
	(pc) =	sbr.rel @p0 .LBB2_15-.Ltmp9, $4  }
0x226: {  	v54 =	vsel vm0, $0x2, v2;
	vm0 =	vmand vm1, vm14;
	vm1 =	vle.f32 v0, v17  }
0x227: {  	v52 =	vld.idx.msk [tilespmem:v10+s17+$0x0], $0xffff;
	v42 =	vsel vm0, $0x2, v2;
	vm0 =	vmand vm1, vm13;
	vm1 =	vle.f32 v58, v15  }
0x228: {  	v58 =	vsel vm0, $0x2, v2;
	vm0 =	vmand vm1, vm12;
	vm1 =	vle.f32 v60, v18;
	v41 =	vld.idx.msk [tilespmem:v3+s18+$0x0], $0xffff  }
0x229: {  	s26 =	sadd.s32 $0x80, s26;
	s23 =	smov.u32 s24;
	v59 =	vsel vm0, $0x2, v2;
	vm1 =	vmand vm1, vm11;
	vm0 =	vle.f32 v63, v19;
	v49 =	vld.idx.msk [tilespmem:v1+s18+$0x0], $0xffff  }
0x22a: {  	v0 =	vor.u32 v47, v54  }
0x22b: {  	v3 =	vadd.s32 v33, v0  }
0x22c: {  	v1 =	vsel vm1, $0x2, v2;
	v4 =	vmin.u32 v3, $0x3FF  }
0x22d: {  	vm0 =	vmand vm0, vm10;
	v6 =	vor.u32 v48, v42;
	v7 =	vor.u32 v50, v58  }
0x22e: {  	v10 =	vor.u32 v55, v59;
	v5 =	vsel vm0, $0x2, v2;
	v9 =	vadd.s32 v34, v6  }
0x22f: {  	v12 =	vadd.s32 v35, v7;
	v1 =	vor.u32 v57, v1;
	v61 =	vmin.u32 v9, $0x3FF  }
0x230: {  	v62 =	vadd.s32 v36, v10;
	vm11 =	vle.f32 v52, v20;
	v35 =	vmin.u32 v12, $0x3FF  }
0x231: {  	v5 =	vor.u32 v56, v5;
	v63 =	vadd.s32 v37, v1;
	v48 =	vmin.u32 v62, $0x3FF;
	v4 =	vld.idx.msk [tilespmem:v4+s17+$0x0], $0xffff  }
0x232: {  	vm12 =	vmand vm11, vm9;
	v38 =	vadd.s32 v38, v5;
	v39 =	vmin.u32 v63, $0x3FF  }
0x233: {  	v8 =	vsel vm12, $0x2, v2;
	v50 =	vmin.u32 v38, $0x3FF  }
0x234: {  	v8 =	vor.u32 v53, v8;
	v33 =	vld.idx.msk [tilespmem:v61+s17+$0x0], $0xffff  }
0x235: {  	v55 =	vadd.s32 v43, v21;
	v40 =	vadd.s32 v40, v8;
	v35 =	vld.idx.msk [tilespmem:v35+s17+$0x0], $0xffff  }
0x236: {  	vm14 =	vlt.u32 v0, v26;
	v52 =	vmin.u32 v40, $0x3FF;
	v0 =	vld.idx.msk [tilespmem:v48+s17+$0x0], $0xffff;
	vm13 =	vle.f32 v4, v22  }
0x237: {  	vm2 =	vlt.u32 v6, v27;
	vm3 =	vlt.u32 v7, v28;
	v53 =	vld.idx.msk [tilespmem:v39+s17+$0x0], $0xffff;
	vm0 =	vmand vm13, vm14  }
0x238: {  	vm4 =	vlt.u32 v10, v30;
	vm15 =	vlt.u32 v1, v29;
	v54 =	vld.idx.msk [tilespmem:v50+s17+$0x0], $0xffff;
	v1 =	vsel vm0, $0x1, v2  }
0x239: {  	v10 =	vadd.s32 v45, v25;
	v56 =	vadd.s32 v46, v24;
	v1 =	vadd.s32 v1, v3  }
0x23a: {  	vm5 =	vlt.u32 v5, v31;
	vm9 =	vlt.u32 v8, v32;
	v8 =	vadd.s32 v44, v23  }
0x23b: {  	vm6 =	vle.f32 v33, v16;
	vm10 =	vle.f32 v35, v17;
	vm12 =	vle.f32 v0, v15;
	v3 =	vld.idx.msk [tilespmem:v52+s17+$0x0], $0xffff  }
0x23c: {  	vm2 =	vmand vm6, vm2;
	vm11 =	vmand vm10, vm3;
	vm3 =	vmand vm12, vm4  }
0x23d: {  	v0 =	vld.idx.msk [tilespmem:v51+s18+$0x0], $0xffff;
	vm13 =	vle.f32 v53, v18;
	v57 =	vsel vm2, $0x1, v2;
	vm14 =	vle.f32 v54, v19  }
0x23e: {  	vm1 =	vmand vm13, vm15;
	v60 =	vsel vm3, $0x1, v2;
	v58 =	vadd.s32 v57, v9;
	v1 =	vld.idx.msk [tilespmem:v1+s18+$0x0], $0xffff  }
0x23f: {  	s24 =	sadd.s32 $0x80, s24;
	v59 =	vld.idx.msk [tilespmem:v55+s18+$0x0], $0xffff;
	vm15 =	vmand vm14, vm5;
	v9 =	vsel vm1, $0x1, v2;
	v6 =	vadd.s32 v60, v62  }
0x240: {  	[tilespmem:s24+$0x30] =	vst v41;
	v7 =	vld.idx.msk [tilespmem:v56+s18+$0x0], $0xffff;
	v9 =	vadd.s32 v9, v63;
	vm7 =	vle.f32 v3, v20;
	v3 =	vsel vm11, $0x1, v2  }
0x241: {  	[tilespmem:s23+$0xFFFFFFD0] =	vst v49;
	v8 =	vld.idx.msk [tilespmem:v8+s18+$0x0], $0xffff;
	v3 =	vadd.s32 v3, v12;
	vm0 =	vmand vm7, vm9;
	v12 =	vsel vm15, $0x1, v2  }
0x242: {  	[tilespmem:s23+$0xFFFFFFE0] =	vst v0;
	v0 =	vld.idx.msk [tilespmem:v10+s18+$0x0], $0xffff;
	v10 =	vsel vm0, $0x1, v2;
	v12 =	vadd.s32 v12, v38  }
0x243: {  	v61 =	vadd.s32 v10, v40;
	[tilespmem:s24+$0xFFFFFFC0] =	vst v1;
	v1 =	vld.idx.msk [tilespmem:v58+s18+$0x0], $0xffff  }
0x244: {  	[tilespmem:s23+$0xFFFFFFF0] =	vst v59;
	v62 =	vld.idx.msk [tilespmem:v6+s18+$0x0], $0xffff  }
0x245: {  	[tilespmem:s23+$0x0] =	vst v7;
	v63 =	vld.idx.msk [tilespmem:v9+s18+$0x0], $0xffff  }
0x246: {  	[tilespmem:s23+$0x10] =	vst v8;
	v3 =	vld.idx.msk [tilespmem:v3+s18+$0x0], $0xffff  }
0x247: {  	[tilespmem:s23+$0x20] =	vst v0;
	v0 =	vld.idx.msk [tilespmem:v12+s18+$0x0], $0xffff  }
0x248: {  	[tilespmem:s24+$0xFFFFFFD0] =	vst v1;
	v1 =	vld.idx.msk [tilespmem:v61+s18+$0x0], $0xffff  }
0x249: {  	[tilespmem:s24+$0xFFFFFFF0] =	vst v62  }
0x24a: {  	[tilespmem:s24+$0x0] =	vst v63  }
0x24b: {  	[tilespmem:s24+$0xFFFFFFE0] =	vst v3  }
0x24c: {  	s21 =	sadd.s32 $0x1, s21;
	[tilespmem:s24+$0x10] =	vst v0  }
0x24d: {  	s22 =	sadd.s32 s7, s22;
	p0 =	seq.s32 s21, $0x20;
	[tilespmem:s24+$0x20] =	vst v1  }
0x24e: {  	[hbm4b:s22+s2] =	stream.linear.scatter [tilespmem:s19], [sflag:$0x1], $0x4000, $0x38;
	[tilespmem:$0xD580] =	vst v63  }
.Ltmp10:
0x24f: {  	_ = 	snop;
	(pc) =	sbr.rel @!p0 .LBB2_14-.Ltmp10, $4  }
.Ltmp11:
0x250: {  	v63 =	vimm.s32 $0x1FF;
	(pc) =	sbr.rel @p0 .LBB2_20-.Ltmp11, $4  }
0x251: {  	_ =	swait.ge [sflag:s10], $0x4000  }
0x252: {  	[sflag:s10] =	ssyncset.done $0x0  }
0x253: {  	[sflag:s10] =	ssyncadd.s32 $0xFFFFC000  }
0x254: {  	_ = 	snop  }
.LBB2_17:
0x255: {  	s22 =	sshll.u32 s21, $0xB  }
0x256: {  	s22 =	sadd.s32 s8, s22  }
0x257: {  	s23 =	sadd.s32 s1, s22  }
0x258: {  	[tilespmem:s16], [sflag:$0x1] =	stream.linear.gather [hbm4b:s23+s2], $0x4000, $0x38;
	[tilespmem:$0xD580] =	vst v63  }
0x259: {  	_ =	swait.ge [sflag:s10], $0x4000  }
0x25a: {  	[sflag:s10] =	ssyncset.done $0x0  }
0x25b: {  	[sflag:s10] =	ssyncadd.s32 $0xFFFFC000  }
0x25c: {  	s31 =	simm.s32 $0x55C0;
	v0 =	vld.idx.msk [tilespmem:v63+s13+$0x0], $0xffff  }
0x25d: {  	v21 =	vld [tilespmem:s31+$0x30];
	_ =	sdelay $0x4  }
0x25e: {  	vm0 =	vlt.f32 v0, v21  }
0x25f: {  	v1 =	vsel vm0, $0x200, v2  }
0x260: {  	v3 =	vor.u32 $0xFF, v1  }
0x261: {  	v32 =	vld [tilespmem:s31+$0xFFFFFFD0];
	_ =	sdelay $0x1  }
0x262: {  	v29 =	vld [tilespmem:s31+$0xFFFFFFE0]  }
0x263: {  	v27 =	vld [tilespmem:s31+$0xFFFFFFF0]  }
0x264: {  	v3 =	vld.idx.msk [tilespmem:v3+s13+$0x0], $0xffff  }
0x265: {  	vm0 =	vlt.f32 v0, v32  }
0x266: {  	v4 =	vsel vm0, $0x200, v2  }
0x267: {  	vm0 =	vlt.f32 v0, v29;
	v5 =	vor.u32 $0xFF, v4  }
0x268: {  	v33 =	vld [tilespmem:s31+$0xFFFFFFC0];
	v6 =	vsel vm0, $0x200, v2;
	vm0 =	vlt.f32 v0, v27  }
0x269: {  	v28 =	vld [tilespmem:s31+$0x0];
	v7 =	vor.u32 $0xFF, v6;
	v8 =	vsel vm0, $0x200, v2;
	vm0 =	vlt.f32 v3, v21  }
0x26a: {  	v31 =	vld [tilespmem:s31+$0x10];
	v3 =	vor.u32 $0xFF, v8;
	v9 =	vsel vm0, $0x100, v2  }
0x26b: {  	v30 =	vld [tilespmem:s31+$0x20];
	v1 =	vor.u32 v1, v9  }
0x26c: {  	v5 =	vld.idx.msk [tilespmem:v5+s13+$0x0], $0xffff;
	v9 =	vor.u32 $0x7F, v1  }
0x26d: {  	vm0 =	vlt.f32 v0, v33  }
0x26e: {  	vm1 =	vlt.f32 v0, v28;
	v7 =	vld.idx.msk [tilespmem:v7+s13+$0x0], $0xffff;
	v10 =	vsel vm0, $0x200, v2  }
0x26f: {  	v12 =	vsel vm1, $0x200, v2;
	v13 =	vor.u32 $0xFF, v10;
	v3 =	vld.idx.msk [tilespmem:v3+s13+$0x0], $0xffff  }
0x270: {  	v14 =	vor.u32 $0xFF, v12;
	vm0 =	vlt.f32 v0, v31  }
0x271: {  	vm1 =	vlt.f32 v0, v30;
	v0 =	vsel vm0, $0x200, v2;
	vm0 =	vlt.f32 v5, v32;
	v9 =	vld.idx.msk [tilespmem:v9+s13+$0x0], $0xffff  }
0x272: {  	v15 =	vsel vm1, $0x200, v2;
	v16 =	vor.u32 $0xFF, v0;
	v17 =	vsel vm0, $0x100, v2  }
0x273: {  	v57 =	vor.u32 $0xFF, v15;
	vm0 =	vlt.f32 v7, v29;
	v4 =	vor.u32 v4, v17  }
0x274: {  	v7 =	vsel vm0, $0x100, v2;
	vm0 =	vlt.f32 v3, v27;
	v3 =	vld.idx.msk [tilespmem:v13+s13+$0x0], $0xffff;
	v13 =	vor.u32 $0x7F, v4  }
0x275: {  	v14 =	vld.idx.msk [tilespmem:v14+s13+$0x0], $0xffff;
	v6 =	vor.u32 v6, v7  }
0x276: {  	v17 =	vor.u32 $0x7F, v6;
	v58 =	vsel vm0, $0x100, v2;
	vm0 =	vlt.f32 v9, v21  }
0x277: {  	v7 =	vor.u32 v8, v58;
	v9 =	vld.idx.msk [tilespmem:v16+s13+$0x0], $0xffff;
	v16 =	vsel vm0, $0x80, v2  }
0x278: {  	v5 =	vld.idx.msk [tilespmem:v57+s13+$0x0], $0xffff;
	v8 =	vor.u32 $0x7F, v7;
	v20 =	vor.u32 v16, v1  }
0x279: {  	vm0 =	vlt.f32 v3, v33;
	v3 =	vld.idx.msk [tilespmem:v13+s13+$0x0], $0xffff;
	v1 =	vor.u32 $0x3F, v20  }
0x27a: {  	vm1 =	vlt.f32 v14, v28;
	v13 =	vsel vm0, $0x100, v2  }
0x27b: {  	v14 =	vld.idx.msk [tilespmem:v17+s13+$0x0], $0xffff;
	v16 =	vsel vm1, $0x100, v2;
	v10 =	vor.u32 v10, v13  }
0x27c: {  	vm0 =	vlt.f32 v9, v31;
	v9 =	vor.u32 v12, v16;
	v59 =	vor.u32 $0x7F, v10  }
0x27d: {  	v8 =	vld.idx.msk [tilespmem:v8+s13+$0x0], $0xffff;
	v12 =	vsel vm0, $0x100, v2;
	vm0 =	vlt.f32 v5, v30;
	v13 =	vor.u32 $0x7F, v9  }
0x27e: {  	v0 =	vor.u32 v0, v12;
	v12 =	vsel vm0, $0x100, v2;
	vm0 =	vlt.f32 v3, v32;
	v1 =	vld.idx.msk [tilespmem:v1+s13+$0x0], $0xffff  }
0x27f: {  	v12 =	vor.u32 v15, v12;
	v15 =	vor.u32 $0x7F, v0;
	v16 =	vsel vm0, $0x80, v2  }
0x280: {  	vm0 =	vlt.f32 v14, v29;
	v3 =	vor.u32 $0x7F, v12;
	v17 =	vor.u32 v16, v4  }
0x281: {  	v60 =	vsel vm0, $0x80, v2;
	v5 =	vld.idx.msk [tilespmem:v59+s13+$0x0], $0xffff;
	v14 =	vor.u32 $0x3F, v17  }
0x282: {  	vm1 =	vlt.f32 v8, v27;
	v19 =	vor.u32 v60, v6;
	v61 =	vld.idx.msk [tilespmem:v13+s13+$0x0], $0xffff  }
0x283: {  	v8 =	vsel vm1, $0x80, v2;
	v4 =	vor.u32 $0x3F, v19;
	vm0 =	vlt.f32 v1, v21  }
0x284: {  	v18 =	vor.u32 v8, v7;
	v62 =	vld.idx.msk [tilespmem:v15+s13+$0x0], $0xffff;
	v8 =	vsel vm0, $0x40, v2  }
0x285: {  	v1 =	vor.u32 $0x3F, v18;
	v3 =	vld.idx.msk [tilespmem:v3+s13+$0x0], $0xffff;
	v13 =	vor.u32 v20, v8  }
0x286: {  	v22 =	vld.idx.msk [tilespmem:v14+s13+$0x0], $0xffff;
	vm0 =	vlt.f32 v5, v33;
	v15 =	vor.u32 $0x1F, v13  }
0x287: {  	v5 =	vsel vm0, $0x80, v2;
	vm0 =	vlt.f32 v61, v28  }
0x288: {  	v4 =	vld.idx.msk [tilespmem:v4+s13+$0x0], $0xffff;
	v34 =	vsel vm0, $0x80, v2  }
0x289: {  	v13 =	vor.u32 v5, v10;
	v14 =	vor.u32 v34, v9  }
0x28a: {  	v1 =	vld.idx.msk [tilespmem:v1+s13+$0x0], $0xffff;
	vm0 =	vlt.f32 v62, v31;
	v36 =	vor.u32 $0x3F, v13;
	vm1 =	vlt.f32 v3, v30  }
0x28b: {  	v3 =	vsel vm0, $0x80, v2;
	v35 =	vsel vm1, $0x80, v2;
	vm0 =	vlt.f32 v22, v32;
	v37 =	vld.idx.msk [tilespmem:v15+s13+$0x0], $0xffff  }
0x28c: {  	v15 =	vor.u32 v3, v0;
	v0 =	vor.u32 $0x3F, v14;
	v16 =	vor.u32 v35, v12  }
0x28d: {  	v9 =	vsel vm0, $0x40, v2;
	vm0 =	vlt.f32 v4, v29;
	v3 =	vor.u32 $0x3F, v15  }
0x28e: {  	v5 =	vor.u32 $0x3F, v16;
	v4 =	vsel vm0, $0x40, v2  }
0x28f: {  	vm1 =	vlt.f32 v1, v27;
	v1 =	vor.u32 v17, v9;
	v12 =	vor.u32 v19, v4  }
0x290: {  	v6 =	vld.idx.msk [tilespmem:v36+s13+$0x0], $0xffff;
	v10 =	vsel vm1, $0x40, v2;
	v1 =	vor.u32 $0x1F, v1;
	vm0 =	vlt.f32 v37, v21  }
0x291: {  	v12 =	vor.u32 $0x1F, v12;
	v38 =	vor.u32 v18, v10;
	v0 =	vld.idx.msk [tilespmem:v0+s13+$0x0], $0xffff;
	v22 =	vsel vm0, $0x20, v2  }
0x292: {  	v7 =	vor.u32 $0x1F, v38;
	v3 =	vld.idx.msk [tilespmem:v3+s13+$0x0], $0xffff;
	v8 =	vor.u32 v8, v22  }
0x293: {  	v5 =	vld.idx.msk [tilespmem:v5+s13+$0x0], $0xffff;
	v22 =	vor.u32 v20, v8  }
0x294: {  	v22 =	vor.u32 $0xF, v22  }
0x295: {  	vm0 =	vlt.f32 v6, v33;
	v1 =	vld.idx.msk [tilespmem:v1+s13+$0x0], $0xffff  }
0x296: {  	v12 =	vld.idx.msk [tilespmem:v12+s13+$0x0], $0xffff;
	v6 =	vsel vm0, $0x40, v2;
	vm1 =	vlt.f32 v0, v28  }
0x297: {  	v40 =	vor.u32 v13, v6;
	v0 =	vld.idx.msk [tilespmem:v7+s13+$0x0], $0xffff;
	v39 =	vsel vm1, $0x40, v2;
	vm0 =	vlt.f32 v3, v31  }
0x298: {  	v3 =	vsel vm0, $0x40, v2;
	vm0 =	vlt.f32 v5, v30;
	v23 =	vor.u32 v14, v39  }
0x299: {  	v5 =	vor.u32 $0x1F, v40;
	v24 =	vsel vm0, $0x40, v2;
	v25 =	vor.u32 v15, v3;
	v22 =	vld.idx.msk [tilespmem:v22+s13+$0x0], $0xffff  }
0x29a: {  	v23 =	vor.u32 $0x1F, v23;
	vm0 =	vlt.f32 v1, v32;
	v26 =	vor.u32 v16, v24  }
0x29b: {  	vm1 =	vlt.f32 v12, v29;
	v25 =	vor.u32 $0x1F, v25;
	v26 =	vor.u32 $0x1F, v26  }
0x29c: {  	v1 =	vsel vm1, $0x20, v2;
	vm2 =	vlt.f32 v0, v27;
	v0 =	vsel vm0, $0x20, v2  }
0x29d: {  	v1 =	vor.u32 v4, v1;
	v0 =	vor.u32 v9, v0  }
0x29e: {  	v12 =	vsel vm2, $0x20, v2;
	v41 =	vld.idx.msk [tilespmem:v5+s13+$0x0], $0xffff;
	v9 =	vor.u32 v17, v0;
	vm0 =	vlt.f32 v22, v21  }
0x29f: {  	v42 =	vor.u32 v10, v12;
	v10 =	vld.idx.msk [tilespmem:v23+s13+$0x0], $0xffff;
	v9 =	vor.u32 $0xF, v9;
	v12 =	vsel vm0, $0x10, v2  }
0x2a0: {  	v22 =	vor.u32 v19, v1;
	v26 =	vld.idx.msk [tilespmem:v26+s13+$0x0], $0xffff;
	v12 =	vor.u32 v12, v20  }
0x2a1: {  	v23 =	vld.idx.msk [tilespmem:v25+s13+$0x0], $0xffff;
	v25 =	vor.u32 v18, v42;
	v22 =	vor.u32 $0xF, v22;
	v8 =	vor.u32 v8, v12  }
0x2a2: {  	v12 =	vor.u32 $0xF, v25;
	v25 =	vand.u32 $0x70, v8  }
0x2a3: {  	v25 =	vor.u32 v25, v20  }
0x2a4: {  	vm0 =	vlt.f32 v41, v33;
	v9 =	vld.idx.msk [tilespmem:v9+s13+$0x0], $0xffff;
	v43 =	vor.u32 $0x7, v25  }
0x2a5: {  	v25 =	vsel vm0, $0x20, v2;
	vm0 =	vlt.f32 v10, v28;
	vm1 =	vlt.f32 v26, v30  }
0x2a6: {  	v10 =	vld.idx.msk [tilespmem:v22+s13+$0x0], $0xffff;
	v22 =	vsel vm0, $0x20, v2;
	vm0 =	vlt.f32 v23, v31;
	v6 =	vor.u32 v6, v25  }
0x2a7: {  	v25 =	vsel vm1, $0x20, v2;
	v23 =	vsel vm0, $0x20, v2;
	v7 =	vor.u32 v39, v22  }
0x2a8: {  	v12 =	vld.idx.msk [tilespmem:v12+s13+$0x0], $0xffff;
	v22 =	vor.u32 v13, v6;
	v3 =	vor.u32 v3, v23;
	v23 =	vor.u32 v24, v25  }
0x2a9: {  	v24 =	vor.u32 v14, v7;
	v22 =	vor.u32 $0xF, v22;
	vm0 =	vlt.f32 v9, v32;
	v4 =	vld.idx.msk [tilespmem:v43+s13+$0x0], $0xffff  }
0x2aa: {  	v25 =	vor.u32 v15, v3;
	v24 =	vor.u32 $0xF, v24;
	v26 =	vor.u32 v16, v23  }
0x2ab: {  	v9 =	vor.u32 $0xF, v25;
	v25 =	vor.u32 $0xF, v26;
	v26 =	vsel vm0, $0x10, v2  }
0x2ac: {  	vm0 =	vlt.f32 v10, v29;
	v10 =	vor.u32 v26, v17  }
0x2ad: {  	vm1 =	vlt.f32 v12, v27;
	v12 =	vsel vm0, $0x10, v2;
	v0 =	vor.u32 v0, v10  }
0x2ae: {  	v26 =	vsel vm1, $0x10, v2;
	v10 =	vor.u32 v12, v19;
	v12 =	vld.idx.msk [tilespmem:v22+s13+$0x0], $0xffff;
	vm0 =	vlt.f32 v4, v21  }
0x2af: {  	v22 =	vand.u32 $0x70, v0;
	v44 =	vor.u32 v26, v18;
	v24 =	vld.idx.msk [tilespmem:v24+s13+$0x0], $0xffff;
	v26 =	vsel vm0, $0x8, v2  }
0x2b0: {  	v1 =	vor.u32 v1, v10;
	v4 =	vor.u32 v42, v44;
	v45 =	vld.idx.msk [tilespmem:v9+s13+$0x0], $0xffff;
	v8 =	vor.u32 v26, v8  }
0x2b1: {  	v9 =	vor.u32 v22, v17;
	v10 =	vand.u32 $0x70, v1;
	v25 =	vld.idx.msk [tilespmem:v25+s13+$0x0], $0xffff;
	v22 =	vand.u32 $0x7C, v8  }
0x2b2: {  	v9 =	vor.u32 $0x7, v9;
	v10 =	vor.u32 v10, v19;
	v20 =	vor.u32 v22, v20  }
0x2b3: {  	v26 =	vand.u32 $0x70, v4;
	vm0 =	vlt.f32 v12, v33;
	v20 =	vor.u32 $0x3, v20  }
0x2b4: {  	v10 =	vor.u32 $0x7, v10;
	v22 =	vor.u32 v26, v18;
	v12 =	vsel vm0, $0x10, v2  }
0x2b5: {  	vm0 =	vlt.f32 v24, v28;
	v22 =	vor.u32 $0x7, v22;
	vm1 =	vlt.f32 v45, v31  }
0x2b6: {  	v46 =	vsel vm0, $0x10, v2;
	v12 =	vor.u32 v12, v13;
	vm0 =	vlt.f32 v25, v30  }
0x2b7: {  	v24 =	vsel vm1, $0x10, v2;
	v5 =	vor.u32 v46, v14;
	v25 =	vsel vm0, $0x10, v2  }
0x2b8: {  	v6 =	vor.u32 v6, v12;
	v24 =	vor.u32 v24, v15;
	v5 =	vor.u32 v7, v5;
	v47 =	vld.idx.msk [tilespmem:v20+s13+$0x0], $0xffff  }
0x2b9: {  	v12 =	vor.u32 v25, v16;
	v3 =	vor.u32 v3, v24;
	v20 =	vand.u32 $0x70, v6  }
0x2ba: {  	v9 =	vld.idx.msk [tilespmem:v9+s13+$0x0], $0xffff;
	v12 =	vor.u32 v23, v12;
	v23 =	vand.u32 $0x70, v5;
	v20 =	vor.u32 v20, v13  }
0x2bb: {  	v10 =	vld.idx.msk [tilespmem:v10+s13+$0x0], $0xffff;
	v24 =	vand.u32 $0x70, v3;
	v23 =	vor.u32 v23, v14;
	v20 =	vor.u32 $0x7, v20  }
0x2bc: {  	v25 =	vand.u32 $0x70, v12;
	v22 =	vld.idx.msk [tilespmem:v22+s13+$0x0], $0xffff;
	v24 =	vor.u32 v24, v15;
	v23 =	vor.u32 $0x7, v23  }
0x2bd: {  	v25 =	vor.u32 v25, v16;
	v24 =	vor.u32 $0x7, v24;
	vm0 =	vlt.f32 v47, v21  }
0x2be: {  	v48 =	vor.u32 $0x7, v25;
	v25 =	vsel vm0, $0x4, v2  }
0x2bf: {  	vm0 =	vlt.f32 v9, v32;
	v8 =	vor.u32 v25, v8  }
0x2c0: {  	v9 =	vsel vm0, $0x8, v2;
	vm0 =	vlt.f32 v10, v29;
	v10 =	vld.idx.msk [tilespmem:v20+s13+$0x0], $0xffff;
	v20 =	vadd.s32 $0x1, v8  }
0x2c1: {  	vm1 =	vlt.f32 v22, v27;
	v22 =	vld.idx.msk [tilespmem:v23+s13+$0x0], $0xffff;
	v0 =	vor.u32 v9, v0;
	v9 =	vsel vm0, $0x8, v2  }
0x2c2: {  	v23 =	vsel vm1, $0x8, v2;
	v24 =	vld.idx.msk [tilespmem:v24+s13+$0x0], $0xffff;
	v1 =	vor.u32 v9, v1;
	v9 =	vand.u32 $0x7C, v0  }
0x2c3: {  	v7 =	vld.idx.msk [tilespmem:v48+s13+$0x0], $0xffff;
	v4 =	vor.u32 v23, v4;
	v23 =	vand.u32 $0x7C, v1;
	v9 =	vor.u32 v9, v17  }
0x2c4: {  	v17 =	vand.u32 $0x7C, v4;
	v19 =	vor.u32 v23, v19;
	v9 =	vor.u32 $0x3, v9  }
0x2c5: {  	v17 =	vor.u32 v17, v18;
	v18 =	vor.u32 $0x3, v19;
	vm0 =	vlt.f32 v10, v33;
	v10 =	vld.idx.msk [tilespmem:v20+s13+$0x0], $0xffff  }
0x2c6: {  	v17 =	vor.u32 $0x3, v17;
	v19 =	vsel vm0, $0x8, v2;
	vm0 =	vlt.f32 v22, v28  }
0x2c7: {  	v6 =	vor.u32 v19, v6;
	v19 =	vsel vm0, $0x8, v2;
	vm0 =	vlt.f32 v24, v31  }
0x2c8: {  	v5 =	vor.u32 v19, v5;
	v19 =	vsel vm0, $0x8, v2;
	vm0 =	vlt.f32 v7, v30  }
0x2c9: {  	v49 =	vld.idx.msk [tilespmem:v9+s13+$0x0], $0xffff;
	v9 =	vand.u32 $0x7C, v6;
	v3 =	vor.u32 v19, v3;
	v19 =	vsel vm0, $0x8, v2  }
0x2ca: {  	v20 =	vand.u32 $0x7C, v5;
	v18 =	vld.idx.msk [tilespmem:v18+s13+$0x0], $0xffff;
	v9 =	vor.u32 v9, v13;
	vm0 =	vlt.f32 v10, v21  }
0x2cb: {  	v22 =	vand.u32 $0x7C, v3;
	v10 =	vld.idx.msk [tilespmem:v17+s13+$0x0], $0xffff;
	v9 =	vor.u32 $0x3, v9;
	v13 =	vsel vm0, $0x2, v2  }
0x2cc: {  	v12 =	vor.u32 v19, v12;
	v14 =	vor.u32 v20, v14;
	v8 =	vadd.s32 v13, v8  }
0x2cd: {  	v17 =	vand.u32 $0x7C, v12;
	v14 =	vor.u32 $0x3, v14;
	v13 =	vor.u32 v22, v15  }
0x2ce: {  	v15 =	vor.u32 v17, v16;
	v13 =	vor.u32 $0x3, v13;
	vm0 =	vlt.f32 v49, v32  }
0x2cf: {  	v50 =	vor.u32 $0x3, v15;
	vm1 =	vlt.f32 v18, v29;
	v15 =	vsel vm0, $0x4, v2  }
0x2d0: {  	vm0 =	vlt.f32 v10, v27;
	v10 =	vsel vm1, $0x4, v2;
	v0 =	vor.u32 v15, v0;
	v9 =	vld.idx.msk [tilespmem:v9+s13+$0x0], $0xffff  }
0x2d1: {  	v15 =	vsel vm0, $0x4, v2;
	v1 =	vor.u32 v10, v1;
	v10 =	vadd.s32 $0x1, v0;
	v16 =	vld.idx.msk [tilespmem:v8+s13+$0x0], $0xffff  }
0x2d2: {  	v14 =	vld.idx.msk [tilespmem:v14+s13+$0x0], $0xffff;
	v4 =	vor.u32 v15, v4;
	v15 =	vadd.s32 $0x1, v1  }
0x2d3: {  	v23 =	vld.idx.msk [tilespmem:v63+s13+$0x0], $0xffff  }
0x2d4: {  	v17 =	vadd.s32 $0x1, v4;
	v13 =	vld.idx.msk [tilespmem:v13+s13+$0x0], $0xffff  }
0x2d5: {  	v7 =	vld.idx.msk [tilespmem:v50+s13+$0x0], $0xffff  }
0x2d6: {  	vm1 =	vlt.f32 v9, v33;
	v10 =	vld.idx.msk [tilespmem:v10+s13+$0x0], $0xffff;
	vm0 =	vlt.f32 v16, v21  }
0x2d7: {  	s23 =	simm.s32 $0x5640;
	v9 =	vld.idx.msk [tilespmem:v15+s13+$0x0], $0xffff;
	v16 =	vsel vm1, $0x4, v2;
	v15 =	vsel vm0, $0x1, v2;
	vm0 =	vlt.f32 v14, v28  }
0x2d8: {  	v19 =	vld [tilespmem:s23+$0x30];
	v6 =	vor.u32 v16, v6;
	v8 =	vadd.s32 v15, v8;
	v14 =	vsel vm0, $0x4, v2  }
0x2d9: {  	v17 =	vld.idx.msk [tilespmem:v17+s13+$0x0], $0xffff;
	vm0 =	vlt.f32 v13, v31;
	v24 =	vadd.s32 $0x1, v6;
	v8 =	vmax.u32 v8, $0x1  }
0x2da: {  	v13 =	vld [tilespmem:s23+$0xFFFFFFD0];
	v15 =	vsel vm0, $0x4, v2;
	vm0 =	vlt.f32 v7, v30;
	v16 =	vadd.s32 $0xFFFFFFFF, v8  }
0x2db: {  	v20 =	vld [tilespmem:s23+$0xFFFFFFC0];
	v5 =	vor.u32 v14, v5;
	v7 =	vsel vm0, $0x4, v2;
	v3 =	vor.u32 v15, v3  }
0x2dc: {  	v14 =	vld [tilespmem:s23+$0xFFFFFFE0];
	vm0 =	vlt.f32 v10, v32;
	v7 =	vor.u32 v7, v12;
	v12 =	vadd.s32 $0x1, v5  }
0x2dd: {  	v15 =	vld [tilespmem:s23+$0xFFFFFFF0];
	vm1 =	vlt.f32 v9, v29;
	v10 =	vsel vm0, $0x2, v2;
	vm0 =	vlt.f32 v23, v19  }
0x2de: {  	vm2 =	vlt.f32 v17, v27;
	v34 =	vsel vm1, $0x2, v2;
	v22 =	vadd.s32 v10, v0;
	v9 =	vld.idx.msk [tilespmem:v8+s13+$0x0], $0xffff  }
0x2df: {  	v0 =	vsel vm0, $0x200, v2;
	v36 =	vsel vm2, $0x2, v2;
	vm1 =	vlt.f32 v23, v13;
	v35 =	vld.idx.msk [tilespmem:v16+s13+$0x0], $0xffff  }
0x2e0: {  	v37 =	vor.u32 $0xFF, v0;
	vm2 =	vlt.f32 v23, v20;
	v10 =	vsel vm1, $0x200, v2;
	v16 =	vld [tilespmem:s23+$0x0]  }
0x2e1: {  	v25 =	vadd.s32 $0x1, v3;
	v17 =	vld [tilespmem:s23+$0x20];
	v54 =	vsel vm2, $0x200, v2;
	v38 =	vor.u32 $0xFF, v10  }
0x2e2: {  	v18 =	vld [tilespmem:s23+$0x10];
	vm0 =	vlt.f32 v23, v14;
	vm1 =	vlt.f32 v23, v15;
	v42 =	vor.u32 $0xFF, v54  }
0x2e3: {  	v24 =	vld.idx.msk [tilespmem:v24+s13+$0x0], $0xffff;
	v4 =	vadd.s32 v36, v4;
	v39 =	vsel vm0, $0x200, v2;
	v40 =	vsel vm1, $0x200, v2  }
0x2e4: {  	v26 =	vadd.s32 $0x1, v7;
	v51 =	vor.u32 $0xFF, v39;
	v12 =	vld.idx.msk [tilespmem:v12+s13+$0x0], $0xffff;
	v41 =	vor.u32 $0xFF, v40  }
0x2e5: {  	v52 =	vld.idx.msk [tilespmem:v37+s13+$0x0], $0xffff;
	v9 =	vsub.f32 v21, v9;
	vm0 =	vlt.f32 v23, v16;
	v35 =	vsub.f32 v21, v35  }
0x2e6: {  	v1 =	vadd.s32 v34, v1;
	vm1 =	vlt.f32 v23, v17;
	v53 =	vld.idx.msk [tilespmem:v38+s13+$0x0], $0xffff;
	v21 =	vsel vm0, $0x200, v2  }
0x2e7: {  	v42 =	vld.idx.msk [tilespmem:v42+s13+$0x0], $0xffff;
	vm0 =	vlt.f32 v23, v18;
	v9 =	vand.u32 $0x7FFFFFFF, v9;
	v35 =	vand.u32 $0x7FFFFFFF, v35  }
0x2e8: {  	v55 =	vsel vm1, $0x200, v2;
	v46 =	vld.idx.msk [tilespmem:v4+s13+$0x0], $0xffff;
	v23 =	vsel vm0, $0x200, v2;
	vm0 =	vlt.f32 v35, v9  }
0x2e9: {  	v44 =	vor.u32 $0xFF, v55;
	v41 =	vld.idx.msk [tilespmem:v41+s13+$0x0], $0xffff;
	v43 =	vor.u32 $0xFF, v21;
	v57 =	vsel vm0, $0xFFFFFFFF, v2  }
0x2ea: {  	v9 =	vld.idx.msk [tilespmem:v51+s13+$0x0], $0xffff;
	vm1 =	vlt.f32 v52, v19;
	vm0 =	vlt.f32 v24, v33;
	v34 =	vadd.s32 v57, v8  }
0x2eb: {  	v24 =	vld.idx.msk [tilespmem:v25+s13+$0x0], $0xffff;
	v8 =	vor.u32 $0xFF, v23;
	v25 =	vsel vm0, $0x2, v2;
	vm0 =	vlt.f32 v12, v28  }
0x2ec: {  	v12 =	vld.idx.msk [tilespmem:v26+s13+$0x0], $0xffff;
	vm2 =	vlt.f32 v53, v13;
	v26 =	vsel vm1, $0x100, v2;
	vm3 =	vlt.f32 v42, v20  }
0x2ed: {  	v58 =	vsel vm0, $0x2, v2;
	v45 =	vsel vm2, $0x100, v2;
	v0 =	vor.u32 v0, v26  }
0x2ee: {  	v6 =	vadd.s32 v25, v6;
	vm2 =	vlt.f32 v46, v27;
	v50 =	vsel vm3, $0x100, v2  }
0x2ef: {  	v60 =	vor.u32 $0x7F, v0;
	v10 =	vor.u32 v10, v45;
	v5 =	vadd.s32 v58, v5  }
0x2f0: {  	v59 =	vld.idx.msk [tilespmem:v22+s13+$0x0], $0xffff;
	v37 =	vor.u32 v54, v50;
	vm0 =	vlt.f32 v9, v14;
	v45 =	vor.u32 $0x7F, v10  }
0x2f1: {  	v9 =	vld.idx.msk [tilespmem:v1+s13+$0x0], $0xffff;
	v26 =	vsel vm0, $0x100, v2;
	vm0 =	vlt.f32 v41, v15;
	v41 =	vsel vm2, $0x1, v2  }
0x2f2: {  	v62 =	vld.idx.msk [tilespmem:v43+s13+$0x0], $0xffff;
	v26 =	vor.u32 v39, v26;
	v61 =	vsel vm0, $0x100, v2;
	vm0 =	vlt.f32 v24, v31  }
0x2f3: {  	vm1 =	vlt.f32 v12, v30;
	v8 =	vld.idx.msk [tilespmem:v8+s13+$0x0], $0xffff;
	v4 =	vadd.s32 v41, v4;
	v47 =	vor.u32 $0x7F, v26  }
0x2f4: {  	v25 =	vld.idx.msk [tilespmem:v44+s13+$0x0], $0xffff;
	v40 =	vor.u32 v40, v61;
	v12 =	vsel vm0, $0x2, v2;
	v24 =	vsel vm1, $0x2, v2  }
0x2f5: {  	vm0 =	vlt.f32 v59, v32;
	v59 =	vor.u32 $0x7F, v37;
	v48 =	vor.u32 $0x7F, v40  }
0x2f6: {  	v3 =	vadd.s32 v12, v3;
	v7 =	vadd.s32 v24, v7;
	v12 =	vld.idx.msk [tilespmem:v60+s13+$0x0], $0xffff;
	vm1 =	vlt.f32 v9, v29  }
0x2f7: {  	v9 =	vsel vm0, $0x1, v2;
	v49 =	vld.idx.msk [tilespmem:v45+s13+$0x0], $0xffff;
	vm0 =	vlt.f32 v62, v16;
	v24 =	vsel vm1, $0x1, v2  }
0x2f8: {  	v56 =	vsel vm0, $0x100, v2;
	v9 =	vadd.s32 v9, v22;
	vm0 =	vlt.f32 v8, v18;
	v51 =	vld.idx.msk [tilespmem:v47+s13+$0x0], $0xffff  }
0x2f9: {  	v21 =	vor.u32 v21, v56;
	v57 =	vsel vm0, $0x100, v2;
	vm0 =	vlt.f32 v25, v17;
	v25 =	vld.idx.msk [tilespmem:v6+s13+$0x0], $0xffff  }
0x2fa: {  	v1 =	vadd.s32 v24, v1;
	v62 =	vor.u32 $0x7F, v21;
	v8 =	vld.idx.msk [tilespmem:v48+s13+$0x0], $0xffff;
	v58 =	vsel vm0, $0x100, v2  }
0x2fb: {  	v23 =	vor.u32 v23, v57;
	vm0 =	vlt.f32 v12, v19;
	v61 =	vld.idx.msk [tilespmem:v3+s13+$0x0], $0xffff;
	v44 =	vor.u32 v55, v58  }
0x2fc: {  	v12 =	vld.idx.msk [tilespmem:v5+s13+$0x0], $0xffff;
	v60 =	vsel vm0, $0x80, v2;
	v52 =	vor.u32 $0x7F, v23;
	vm0 =	vlt.f32 v49, v13  }
0x2fd: {  	v43 =	vor.u32 v60, v0;
	v53 =	vor.u32 $0x7F, v44;
	v55 =	vsel vm0, $0x80, v2  }
0x2fe: {  	v0 =	vld.idx.msk [tilespmem:v7+s13+$0x0], $0xffff;
	v54 =	vor.u32 $0x3F, v43;
	v38 =	vor.u32 v55, v10;
	vm0 =	vlt.f32 v51, v14  }
0x2ff: {  	v48 =	vor.u32 $0x3F, v38;
	vm1 =	vlt.f32 v8, v15;
	v8 =	vsel vm0, $0x80, v2  }
0x300: {  	vm0 =	vlt.f32 v25, v33;
	vm2 =	vlt.f32 v61, v31;
	v39 =	vor.u32 v8, v26;
	v8 =	vld.idx.msk [tilespmem:v59+s13+$0x0], $0xffff  }
0x301: {  	v25 =	vld.idx.msk [tilespmem:v62+s13+$0x0], $0xffff;
	v10 =	vsel vm1, $0x80, v2;
	vm1 =	vlt.f32 v12, v28;
	v12 =	vsel vm0, $0x1, v2  }
0x302: {  	v57 =	vsel vm2, $0x1, v2;
	v58 =	vld.idx.msk [tilespmem:v52+s13+$0x0], $0xffff;
	v40 =	vor.u32 v10, v40;
	v10 =	vor.u32 $0x3F, v39  }
0x303: {  	vm3 =	vlt.f32 v0, v30;
	v56 =	vsel vm1, $0x1, v2;
	v6 =	vadd.s32 v12, v6;
	v0 =	vld.idx.msk [tilespmem:v54+s13+$0x0], $0xffff  }
0x304: {  	v3 =	vadd.s32 v57, v3;
	v26 =	vor.u32 $0x3F, v40;
	v12 =	vsel vm3, $0x1, v2  }
0x305: {  	v22 =	vld.idx.msk [tilespmem:v53+s13+$0x0], $0xffff;
	v5 =	vadd.s32 v56, v5;
	v35 =	vmax.u32 v6, $0x1;
	vm0 =	vlt.f32 v8, v20  }
0x306: {  	v7 =	vadd.s32 v12, v7;
	v56 =	vadd.s32 $0xFFFFFFFF, v35;
	v12 =	vsel vm0, $0x80, v2  }
0x307: {  	v8 =	vld.idx.msk [tilespmem:v48+s13+$0x0], $0xffff;
	vm1 =	vlt.f32 v58, v18;
	vm0 =	vlt.f32 v25, v16;
	v36 =	vor.u32 v12, v37  }
0x308: {  	v59 =	vld.idx.msk [tilespmem:v10+s13+$0x0], $0xffff;
	v10 =	vsel vm0, $0x80, v2;
	vm0 =	vlt.f32 v0, v19;
	v12 =	vsel vm1, $0x80, v2  }
0x309: {  	v0 =	vld.idx.msk [tilespmem:v26+s13+$0x0], $0xffff;
	v26 =	vmax.u32 v4, $0x1;
	v37 =	vor.u32 v10, v21;
	v10 =	vsel vm0, $0x40, v2  }
0x30a: {  	vm0 =	vlt.f32 v22, v17;
	v22 =	vor.u32 $0x3F, v36;
	v21 =	vor.u32 v43, v10  }
0x30b: {  	v41 =	vor.u32 v12, v23;
	v4 =	vld.idx.msk [tilespmem:v56+s13+$0x0], $0xffff;
	v12 =	vsel vm0, $0x80, v2;
	v21 =	vor.u32 $0x1F, v21  }
0x30c: {  	v23 =	vor.u32 $0x3F, v37;
	v42 =	vor.u32 v12, v44;
	vm0 =	vlt.f32 v8, v13  }
0x30d: {  	v8 =	vor.u32 $0x3F, v41;
	v12 =	vor.u32 $0x3F, v42;
	v44 =	vsel vm0, $0x40, v2  }
0x30e: {  	vm0 =	vlt.f32 v59, v14;
	vm1 =	vlt.f32 v0, v15;
	v60 =	vor.u32 v38, v44  }
0x30f: {  	v45 =	vsel vm0, $0x40, v2;
	v46 =	vsel vm1, $0x40, v2;
	v6 =	vor.u32 $0x1F, v60;
	v62 =	vld.idx.msk [tilespmem:v22+s13+$0x0], $0xffff  }
0x310: {  	v24 =	vor.u32 v39, v45;
	v22 =	vmax.u32 v3, $0x1;
	v4 =	vsub.f32 v33, v4;
	v61 =	vld.idx.msk [tilespmem:v21+s13+$0x0], $0xffff  }
0x311: {  	v0 =	vld.idx.msk [tilespmem:v35+s13+$0x0], $0xffff;
	v25 =	vor.u32 v40, v46;
	v49 =	vor.u32 $0x1F, v24;
	v24 =	vmax.u32 v9, $0x1  }
0x312: {  	v9 =	vld.idx.msk [tilespmem:v23+s13+$0x0], $0xffff;
	v23 =	vmax.u32 v5, $0x1;
	v51 =	vadd.s32 $0xFFFFFFFF, v22;
	v50 =	vor.u32 $0x1F, v25  }
0x313: {  	v25 =	vmax.u32 v1, $0x1;
	v1 =	vld.idx.msk [tilespmem:v8+s13+$0x0], $0xffff;
	v21 =	vmax.u32 v7, $0x1;
	v57 =	vadd.s32 $0xFFFFFFFF, v24  }
0x314: {  	v8 =	vadd.s32 $0xFFFFFFFF, v26;
	v3 =	vld.idx.msk [tilespmem:v12+s13+$0x0], $0xffff;
	v58 =	vadd.s32 $0xFFFFFFFF, v25;
	v12 =	vadd.s32 $0xFFFFFFFF, v23  }
0x315: {  	v52 =	vadd.s32 $0xFFFFFFFF, v21;
	v6 =	vld.idx.msk [tilespmem:v6+s13+$0x0], $0xffff;
	vm1 =	vlt.f32 v62, v20;
	vm0 =	vlt.f32 v61, v19  }
0x316: {  	v0 =	vsub.f32 v33, v0;
	v49 =	vld.idx.msk [tilespmem:v49+s13+$0x0], $0xffff;
	v53 =	vsel vm1, $0x40, v2;
	v59 =	vsel vm0, $0x20, v2  }
0x317: {  	v51 =	vld.idx.msk [tilespmem:v51+s13+$0x0], $0xffff;
	v60 =	vor.u32 v36, v53;
	vm0 =	vlt.f32 v9, v16;
	v9 =	vor.u32 v10, v59  }
0x318: {  	v47 =	vld.idx.msk [tilespmem:v50+s13+$0x0], $0xffff;
	v10 =	vsel vm0, $0x40, v2;
	vm0 =	vlt.f32 v1, v18;
	v1 =	vor.u32 v43, v9  }
0x319: {  	v33 =	vand.u32 $0x7FFFFFFF, v0;
	v5 =	vld.idx.msk [tilespmem:v57+s13+$0x0], $0xffff;
	v7 =	vor.u32 $0x1F, v60;
	v1 =	vor.u32 $0xF, v1  }
0x31a: {  	v8 =	vld.idx.msk [tilespmem:v8+s13+$0x0], $0xffff;
	v54 =	vsel vm0, $0x40, v2;
	vm0 =	vlt.f32 v3, v17;
	v61 =	vor.u32 v37, v10  }
0x31b: {  	v12 =	vld.idx.msk [tilespmem:v12+s13+$0x0], $0xffff;
	v55 =	vsel vm0, $0x40, v2;
	v62 =	vor.u32 v41, v54;
	v48 =	vor.u32 $0x1F, v61  }
0x31c: {  	v3 =	vld.idx.msk [tilespmem:v58+s13+$0x0], $0xffff;
	vm0 =	vlt.f32 v6, v13;
	vm1 =	vlt.f32 v49, v14;
	v56 =	vor.u32 v42, v55  }
0x31d: {  	v6 =	vld.idx.msk [tilespmem:v52+s13+$0x0], $0xffff;
	v50 =	vor.u32 $0x1F, v62;
	vm2 =	vlt.f32 v47, v15;
	v60 =	vsel vm0, $0x20, v2  }
0x31e: {  	v49 =	vsel vm1, $0x20, v2;
	v56 =	vor.u32 $0x1F, v56;
	v61 =	vsel vm2, $0x20, v2;
	v1 =	vld.idx.msk [tilespmem:v1+s13+$0x0], $0xffff  }
0x31f: {  	v47 =	vld.idx.msk [tilespmem:v24+s13+$0x0], $0xffff;
	v57 =	vor.u32 v44, v60;
	v58 =	vor.u32 v45, v49;
	v49 =	vsub.f32 v31, v51  }
0x320: {  	v7 =	vld.idx.msk [tilespmem:v7+s13+$0x0], $0xffff;
	v52 =	vor.u32 v46, v61;
	v44 =	vor.u32 v38, v57;
	v45 =	vor.u32 v39, v58  }
0x321: {  	v46 =	vor.u32 v40, v52;
	v59 =	vor.u32 $0xF, v44;
	v60 =	vor.u32 $0xF, v45;
	v62 =	vld.idx.msk [tilespmem:v48+s13+$0x0], $0xffff  }
0x322: {  	v44 =	vsub.f32 v32, v5;
	v45 =	vsub.f32 v29, v3;
	v61 =	vor.u32 $0xF, v46;
	v5 =	vld.idx.msk [tilespmem:v50+s13+$0x0], $0xffff  }
0x323: {  	v46 =	vsub.f32 v27, v8;
	v48 =	vsub.f32 v28, v12;
	v0 =	vld.idx.msk [tilespmem:v56+s13+$0x0], $0xffff;
	vm0 =	vlt.f32 v1, v19  }
0x324: {  	v47 =	vsub.f32 v32, v47;
	v50 =	vsub.f32 v30, v6;
	v1 =	vsel vm0, $0x10, v2  }
0x325: {  	v32 =	vand.u32 $0x7FFFFFFF, v4;
	vm0 =	vlt.f32 v7, v20;
	v1 =	vor.u32 v1, v43  }
0x326: {  	v3 =	vsel vm0, $0x20, v2;
	vm0 =	vlt.f32 v62, v16;
	v1 =	vor.u32 v9, v1  }
0x327: {  	v7 =	vld.idx.msk [tilespmem:v60+s13+$0x0], $0xffff;
	v56 =	vsel vm0, $0x20, v2;
	vm0 =	vlt.f32 v5, v18;
	v3 =	vor.u32 v53, v3  }
0x328: {  	v62 =	vld.idx.msk [tilespmem:v59+s13+$0x0], $0xffff;
	v59 =	vand.u32 $0x70, v1;
	v8 =	vsel vm0, $0x20, v2;
	vm0 =	vlt.f32 v0, v17  }
0x329: {  	v5 =	vld.idx.msk [tilespmem:v61+s13+$0x0], $0xffff;
	v6 =	vor.u32 v10, v56;
	v10 =	vor.u32 v36, v3;
	v0 =	vor.u32 v59, v43  }
0x32a: {  	v53 =	vld.idx.msk [tilespmem:v25+s13+$0x0], $0xffff;
	v9 =	vsel vm0, $0x20, v2;
	v8 =	vor.u32 v54, v8;
	v0 =	vor.u32 $0x7, v0  }
0x32b: {  	v12 =	vor.u32 v37, v6;
	v10 =	vor.u32 $0xF, v10;
	v9 =	vor.u32 v55, v9  }
0x32c: {  	v60 =	vor.u32 v41, v8;
	v12 =	vor.u32 $0xF, v12;
	v61 =	vor.u32 v42, v9  }
0x32d: {  	v55 =	vld.idx.msk [tilespmem:v26+s13+$0x0], $0xffff;
	vm0 =	vlt.f32 v62, v13;
	v4 =	vor.u32 $0xF, v60;
	v51 =	vor.u32 $0xF, v61  }
0x32e: {  	v62 =	vsel vm0, $0x10, v2;
	vm0 =	vlt.f32 v7, v14;
	vm1 =	vlt.f32 v5, v15  }
0x32f: {  	v29 =	vsub.f32 v29, v53;
	v60 =	vor.u32 v62, v38;
	v7 =	vsel vm0, $0x10, v2;
	v0 =	vld.idx.msk [tilespmem:v0+s13+$0x0], $0xffff  }
0x330: {  	v54 =	vld.idx.msk [tilespmem:v23+s13+$0x0], $0xffff;
	v61 =	vsel vm1, $0x10, v2;
	v5 =	vor.u32 v57, v60;
	v7 =	vor.u32 v7, v39  }
0x331: {  	v56 =	vor.u32 v61, v40;
	v10 =	vld.idx.msk [tilespmem:v10+s13+$0x0], $0xffff;
	v7 =	vor.u32 v58, v7;
	v62 =	vand.u32 $0x70, v5  }
0x332: {  	v52 =	vor.u32 v52, v56;
	v12 =	vld.idx.msk [tilespmem:v12+s13+$0x0], $0xffff;
	v27 =	vsub.f32 v27, v55;
	v60 =	vor.u32 v62, v38  }
0x333: {  	v57 =	vld.idx.msk [tilespmem:v21+s13+$0x0], $0xffff;
	v61 =	vand.u32 $0x70, v7;
	v62 =	vand.u32 $0x70, v52;
	v56 =	vor.u32 $0x7, v60  }
0x334: {  	v4 =	vld.idx.msk [tilespmem:v4+s13+$0x0], $0xffff;
	v58 =	vor.u32 v61, v39;
	v53 =	vor.u32 v62, v40;
	vm0 =	vlt.f32 v0, v19  }
0x335: {  	v51 =	vld.idx.msk [tilespmem:v51+s13+$0x0], $0xffff;
	v58 =	vor.u32 $0x7, v58;
	v0 =	vor.u32 $0x7, v53;
	v60 =	vsel vm0, $0x8, v2  }
0x336: {  	v59 =	vld.idx.msk [tilespmem:v22+s13+$0x0], $0xffff;
	v53 =	vsub.f32 v28, v54;
	vm0 =	vlt.f32 v10, v20;
	v1 =	vor.u32 v60, v1  }
0x337: {  	v28 =	vsel vm0, $0x10, v2;
	vm0 =	vlt.f32 v12, v16;
	v10 =	vand.u32 $0x7C, v1  }
0x338: {  	v55 =	vsub.f32 v30, v57;
	v30 =	vld.idx.msk [tilespmem:v56+s13+$0x0], $0xffff;
	v12 =	vsel vm0, $0x10, v2;
	v10 =	vor.u32 v10, v43  }
0x339: {  	vm0 =	vlt.f32 v4, v18;
	v12 =	vor.u32 v12, v37;
	v61 =	vor.u32 $0x3, v10  }
0x33a: {  	v10 =	vor.u32 v28, v36;
	v28 =	vsel vm0, $0x10, v2;
	vm0 =	vlt.f32 v51, v17  }
0x33b: {  	v54 =	vsub.f32 v31, v59;
	v6 =	vor.u32 v6, v12;
	v31 =	vsel vm0, $0x10, v2  }
0x33c: {  	v0 =	vld.idx.msk [tilespmem:v0+s13+$0x0], $0xffff;
	v28 =	vor.u32 v28, v41;
	v3 =	vor.u32 v3, v10;
	v10 =	vor.u32 v31, v42  }
0x33d: {  	v62 =	vld.idx.msk [tilespmem:v58+s13+$0x0], $0xffff;
	v12 =	vand.u32 $0x70, v3;
	v8 =	vor.u32 v8, v28;
	vm0 =	vlt.f32 v30, v13  }
0x33e: {  	v9 =	vor.u32 v9, v10;
	v10 =	vand.u32 $0x70, v6;
	v28 =	vand.u32 $0x70, v8  }
0x33f: {  	v12 =	vor.u32 v12, v36;
	v31 =	vand.u32 $0x70, v9;
	v10 =	vor.u32 v10, v37  }
0x340: {  	v28 =	vor.u32 v28, v41;
	v12 =	vor.u32 $0x7, v12;
	v10 =	vor.u32 $0x7, v10  }
0x341: {  	v4 =	vld.idx.msk [tilespmem:v61+s13+$0x0], $0xffff;
	v31 =	vor.u32 v31, v42;
	v28 =	vor.u32 $0x7, v28;
	vm1 =	vlt.f32 v0, v15  }
0x342: {  	v30 =	vor.u32 $0x7, v31;
	v31 =	vsel vm0, $0x8, v2;
	vm0 =	vlt.f32 v62, v14  }
0x343: {  	v0 =	vor.u32 v31, v5;
	v51 =	vsel vm0, $0x8, v2;
	v31 =	vsel vm1, $0x8, v2  }
0x344: {  	v29 =	vand.u32 $0x7FFFFFFF, v29;
	v5 =	vor.u32 v51, v7;
	v7 =	vor.u32 v31, v52  }
0x345: {  	v52 =	vand.u32 $0x7C, v0;
	v31 =	vand.u32 $0x7C, v5;
	v57 =	vand.u32 $0x7C, v7  }
0x346: {  	v12 =	vld.idx.msk [tilespmem:v12+s13+$0x0], $0xffff;
	vm0 =	vlt.f32 v4, v19;
	v4 =	vor.u32 v52, v38;
	v31 =	vor.u32 v31, v39  }
0x347: {  	v10 =	vld.idx.msk [tilespmem:v10+s13+$0x0], $0xffff;
	v38 =	vor.u32 v57, v40;
	v40 =	vand.u32 $0x7FFFFFFF, v44;
	v56 =	vsel vm0, $0x4, v2  }
0x348: {  	v28 =	vld.idx.msk [tilespmem:v28+s13+$0x0], $0xffff;
	v44 =	vand.u32 $0x7FFFFFFF, v45;
	v45 =	vand.u32 $0x7FFFFFFF, v46;
	v1 =	vor.u32 v56, v1  }
0x349: {  	v46 =	vand.u32 $0x7FFFFFFF, v48;
	v48 =	vand.u32 $0x7FFFFFFF, v49;
	v58 =	vadd.s32 $0x1, v1  }
0x34a: {  	v49 =	vand.u32 $0x7FFFFFFF, v50;
	v4 =	vor.u32 $0x3, v4;
	v31 =	vor.u32 $0x3, v31;
	v30 =	vld.idx.msk [tilespmem:v30+s13+$0x0], $0xffff  }
0x34b: {  	v38 =	vor.u32 $0x3, v38;
	vm0 =	vlt.f32 v12, v20;
	v12 =	vand.u32 $0x7FFFFFFF, v47  }
0x34c: {  	v59 =	vsel vm0, $0x8, v2;
	vm0 =	vlt.f32 v10, v16;
	v10 =	vand.u32 $0x7FFFFFFF, v27  }
0x34d: {  	v3 =	vor.u32 v59, v3;
	v60 =	vsel vm0, $0x8, v2;
	vm0 =	vlt.f32 v28, v18  }
0x34e: {  	vm3 =	vlt.f32 v45, v10;
	v28 =	vor.u32 v60, v6;
	v61 =	vsel vm0, $0x8, v2;
	v27 =	vld.idx.msk [tilespmem:v58+s13+$0x0], $0xffff  }
0x34f: {  	vm0 =	vlt.f32 v30, v17;
	v43 =	vand.u32 $0x7C, v3;
	v60 =	vand.u32 $0x7FFFFFFF, v55  }
0x350: {  	v62 =	vld.idx.msk [tilespmem:v31+s13+$0x0], $0xffff;
	v39 =	vsel vm3, $0xFFFFFFFF, v2;
	v30 =	vor.u32 v61, v8;
	v50 =	vsel vm0, $0x8, v2  }
0x351: {  	v8 =	vld.idx.msk [tilespmem:v38+s13+$0x0], $0xffff;
	v51 =	vand.u32 $0x7C, v28;
	v56 =	vor.u32 v43, v36;
	v52 =	vand.u32 $0x7C, v30  }
0x352: {  	v4 =	vld.idx.msk [tilespmem:v4+s13+$0x0], $0xffff;
	v31 =	vor.u32 v50, v9;
	v9 =	vor.u32 v51, v37;
	v6 =	vor.u32 $0x3, v56  }
0x353: {  	v57 =	vand.u32 $0x7C, v31;
	v58 =	vor.u32 v52, v41;
	vm0 =	vlt.f32 v27, v19  }
0x354: {  	v9 =	vor.u32 $0x3, v9;
	v36 =	vor.u32 v57, v42;
	v27 =	vsel vm0, $0x2, v2  }
0x355: {  	v37 =	vor.u32 $0x3, v58;
	vm1 =	vlt.f32 v62, v14;
	v1 =	vadd.s32 v27, v1  }
0x356: {  	v59 =	vor.u32 $0x3, v36;
	vm2 =	vlt.f32 v8, v15;
	v8 =	vsel vm1, $0x4, v2  }
0x357: {  	vm1 =	vlt.f32 v40, v12;
	vm0 =	vlt.f32 v4, v13;
	v41 =	vor.u32 v8, v5  }
0x358: {  	v6 =	vld.idx.msk [tilespmem:v6+s13+$0x0], $0xffff;
	v8 =	vand.u32 $0x7FFFFFFF, v53;
	v4 =	vsel vm0, $0x4, v2;
	v27 =	vsel vm2, $0x4, v2  }
0x359: {  	v5 =	vadd.s32 $0x1, v41;
	vm0 =	vlt.f32 v32, v33;
	vm2 =	vlt.f32 v44, v29;
	v9 =	vld.idx.msk [tilespmem:v9+s13+$0x0], $0xffff  }
0x35a: {  	vm4 =	vlt.f32 v46, v8;
	v42 =	vor.u32 v4, v0;
	v43 =	vor.u32 v27, v7;
	v61 =	vld.idx.msk [tilespmem:v1+s13+$0x0], $0xffff  }
0x35b: {  	v0 =	vld.idx.msk [tilespmem:v34+s18+$0x0], $0xffff;
	v27 =	vand.u32 $0x7FFFFFFF, v54;
	v10 =	vsel vm0, $0xFFFFFFFF, v2;
	v4 =	vadd.s32 $0x1, v42  }
0x35c: {  	v8 =	vld.idx.msk [tilespmem:v37+s13+$0x0], $0xffff;
	v37 =	vsel vm1, $0xFFFFFFFF, v2;
	vm0 =	vlt.f32 v49, v60;
	v7 =	vadd.s32 $0x1, v43  }
0x35d: {  	v38 =	vsel vm2, $0xFFFFFFFF, v2;
	v36 =	vsel vm4, $0xFFFFFFFF, v2;
	vm5 =	vlt.f32 v48, v27;
	v44 =	vld.idx.msk [tilespmem:v59+s13+$0x0], $0xffff  }
0x35e: {  	v27 =	vsel vm0, $0xFFFFFFFF, v2;
	v34 =	vadd.s32 v10, v35;
	vm1 =	vlt.f32 v6, v20  }
0x35f: {  	v29 =	vsel vm5, $0xFFFFFFFF, v2;
	v62 =	vsel vm1, $0x4, v2;
	v33 =	vld.idx.msk [tilespmem:v5+s13+$0x0], $0xffff;
	vm0 =	vlt.f32 v61, v19  }
0x360: {  	s25 =	simm.s32 $0x95C0;
	vm1 =	vlt.f32 v9, v16;
	v40 =	vor.u32 v62, v3;
	v32 =	vld.idx.msk [tilespmem:v4+s13+$0x0], $0xffff;
	v3 =	vsel vm0, $0x1, v2  }
0x361: {  	s26 =	simm.s32 $0x8;
	s24 =	simm.s32 $0x95C0;
	[tilespmem:s25+$0x30] =	vst v0;
	v46 =	vsel vm1, $0x4, v2;
	v45 =	vld.idx.msk [tilespmem:v7+s13+$0x0], $0xffff;
	vm0 =	vlt.f32 v8, v18;
	v35 =	vadd.s32 v3, v1  }
.LBB2_18:
0x362: {  	v1 =	vsel vm0, $0x4, v2;
	vm0 =	vlt.f32 v44, v17  }
0x363: {  	v0 =	vld.idx.msk [tilespmem:v63+s13+$0x0], $0xffff;
	s26 =	sadd.s32 $0x8, s26;
	v3 =	vmax.u32 v35, $0x1;
	s23 =	sadd.s32 $0x80, s23;
	v44 =	vor.u32 v46, v28;
	v7 =	vadd.s32 $0x1, v40  }
0x364: {  	v37 =	vadd.s32 v37, v24;
	v4 =	vld [tilespmem:s23+$0x30];
	p0 =	slt.u32 s26, $0x3F8;
	v5 =	vsel vm0, $0x4, v2;
	v6 =	vadd.s32 $0xFFFFFFFF, v3  }
0x365: {  	v24 =	vadd.s32 v39, v26;
	v1 =	vor.u32 v1, v30;
	v35 =	vld [tilespmem:s23+$0xFFFFFFD0];
	v5 =	vor.u32 v5, v31  }
0x366: {  	v8 =	vadd.s32 $0x1, v44;
	v9 =	vadd.s32 $0x1, v1;
	v28 =	vld [tilespmem:s23+$0xFFFFFFE0];
	v10 =	vadd.s32 $0x1, v5  }
0x367: {  	vm0 =	vlt.f32 v32, v13;
	vm1 =	vlt.f32 v33, v14;
	vm2 =	vlt.f32 v45, v15;
	v30 =	vld [tilespmem:s23+$0xFFFFFFF0]  }
0x368: {  	v12 =	vsel vm0, $0x2, v2;
	v31 =	vsel vm1, $0x2, v2;
	v32 =	vsel vm2, $0x2, v2;
	v46 =	vld.idx.msk [tilespmem:v3+s13+$0x0], $0xffff  }
0x369: {  	v42 =	vadd.s32 v12, v42;
	v41 =	vadd.s32 v31, v41;
	vm0 =	vlt.f32 v0, v4;
	v6 =	vld.idx.msk [tilespmem:v6+s13+$0x0], $0xffff  }
0x36a: {  	v45 =	vadd.s32 v32, v43;
	vm1 =	vlt.f32 v0, v35;
	v31 =	vld [tilespmem:s23+$0x0];
	v12 =	vsel vm0, $0x200, v2  }
0x36b: {  	v47 =	vsel vm1, $0x200, v2;
	vm0 =	vlt.f32 v0, v28;
	v32 =	vld [tilespmem:s23+$0x10];
	v48 =	vor.u32 $0xFF, v12  }
0x36c: {  	v49 =	vor.u32 $0xFF, v47;
	v50 =	vsel vm0, $0x200, v2;
	vm0 =	vlt.f32 v0, v30;
	v33 =	vld [tilespmem:s23+$0x20]  }
0x36d: {  	v43 =	vld [tilespmem:s23+$0xFFFFFFC0];
	v51 =	vor.u32 $0xFF, v50;
	v52 =	vsel vm0, $0x200, v2;
	v26 =	vsub.f32 v19, v46  }
0x36e: {  	v25 =	vadd.s32 v38, v25;
	v53 =	vor.u32 $0xFF, v52;
	v7 =	vld.idx.msk [tilespmem:v7+s13+$0x0], $0xffff;
	v6 =	vsub.f32 v19, v6  }
0x36f: {  	v23 =	vadd.s32 v36, v23;
	vm0 =	vlt.f32 v0, v31;
	v8 =	vld.idx.msk [tilespmem:v8+s13+$0x0], $0xffff;
	v26 =	vand.u32 $0x7FFFFFFF, v26  }
0x370: {  	v19 =	vmovc v4;
	v38 =	vsel vm0, $0x200, v2;
	vm0 =	vlt.f32 v0, v32;
	v39 =	vld.idx.msk [tilespmem:v48+s13+$0x0], $0xffff;
	v6 =	vand.u32 $0x7FFFFFFF, v6  }
0x371: {  	v4 =	vld.idx.msk [tilespmem:v49+s13+$0x0], $0xffff;
	vm1 =	vlt.f32 v0, v33;
	v36 =	vsel vm0, $0x200, v2;
	vm0 =	vlt.f32 v6, v26  }
0x372: {  	vm2 =	vlt.f32 v0, v43;
	v0 =	vld.idx.msk [tilespmem:v51+s13+$0x0], $0xffff;
	v46 =	vsel vm1, $0x200, v2;
	v48 =	vsel vm0, $0xFFFFFFFF, v2  }
0x373: {  	v51 =	vor.u32 $0xFF, v38;
	v6 =	vsel vm2, $0x200, v2;
	v26 =	vld.idx.msk [tilespmem:v53+s13+$0x0], $0xffff;
	v3 =	vadd.s32 v48, v3  }
0x374: {  	v48 =	vor.u32 $0xFF, v36;
	vm0 =	vlt.f32 v7, v20;
	v49 =	vor.u32 $0xFF, v6;
	v9 =	vld.idx.msk [tilespmem:v9+s13+$0x0], $0xffff  }
0x375: {  	v53 =	vor.u32 $0xFF, v46;
	v7 =	vld.idx.msk [tilespmem:v10+s13+$0x0], $0xffff;
	vm1 =	vlt.f32 v39, v19;
	v10 =	vsel vm0, $0x2, v2  }
0x376: {  	vm0 =	vlt.f32 v8, v16;
	v39 =	vld.idx.msk [tilespmem:v42+s13+$0x0], $0xffff;
	vm2 =	vlt.f32 v4, v35;
	v4 =	vsel vm1, $0x100, v2  }
0x377: {  	v54 =	vsel vm0, $0x2, v2;
	v8 =	vld.idx.msk [tilespmem:v41+s13+$0x0], $0xffff;
	v55 =	vsel vm2, $0x100, v2;
	vm0 =	vlt.f32 v0, v28  }
0x378: {  	v0 =	vor.u32 v12, v4;
	v4 =	vld.idx.msk [tilespmem:v45+s13+$0x0], $0xffff;
	v12 =	vsel vm0, $0x100, v2;
	vm0 =	vlt.f32 v26, v30  }
0x379: {  	v26 =	vor.u32 $0x7F, v0;
	v47 =	vor.u32 v47, v55;
	v3 =	vld.idx.msk [tilespmem:v3+s18+$0x0], $0xffff;
	v12 =	vor.u32 v50, v12  }
0x37a: {  	v50 =	vsel vm0, $0x100, v2;
	v55 =	vor.u32 $0x7F, v47;
	vm0 =	vlt.f32 v9, v18;
	v49 =	vld.idx.msk [tilespmem:v49+s13+$0x0], $0xffff  }
0x37b: {  	v9 =	vadd.s32 v10, v40;
	v56 =	vor.u32 $0x7F, v12;
	v50 =	vor.u32 v52, v50;
	v51 =	vld.idx.msk [tilespmem:v51+s13+$0x0], $0xffff  }
0x37c: {  	vm1 =	vlt.f32 v7, v17;
	v10 =	vsel vm0, $0x2, v2;
	v52 =	vor.u32 $0x7F, v50;
	v48 =	vld.idx.msk [tilespmem:v48+s13+$0x0], $0xffff  }
0x37d: {  	v40 =	vsel vm1, $0x2, v2;
	v1 =	vadd.s32 v10, v1;
	v7 =	vld.idx.msk [tilespmem:v53+s13+$0x0], $0xffff  }
0x37e: {  	s25 =	sadd.s32 $0x80, s25;
	vm0 =	vlt.f32 v39, v13;
	v5 =	vadd.s32 v40, v5;
	v53 =	vadd.s32 v54, v44;
	v26 =	vld.idx.msk [tilespmem:v26+s13+$0x0], $0xffff  }
0x37f: {  	vm1 =	vlt.f32 v8, v14;
	vm2 =	vlt.f32 v4, v15;
	v4 =	vsel vm0, $0x1, v2;
	[tilespmem:s25+$0x30] =	vst v3  }
0x380: {  	v8 =	vsel vm1, $0x1, v2;
	v4 =	vadd.s32 v4, v42;
	vm3 =	vlt.f32 v49, v43;
	v3 =	vld.idx.msk [tilespmem:v55+s13+$0x0], $0xffff  }
0x381: {  	v49 =	vsel vm2, $0x1, v2;
	v10 =	vsel vm3, $0x100, v2;
	vm0 =	vlt.f32 v51, v31;
	v39 =	vld.idx.msk [tilespmem:v56+s13+$0x0], $0xffff  }
0x382: {  	v6 =	vor.u32 v6, v10;
	v40 =	vsel vm0, $0x100, v2;
	vm0 =	vlt.f32 v48, v32;
	v10 =	vld.idx.msk [tilespmem:v52+s13+$0x0], $0xffff  }
0x383: {  	v38 =	vor.u32 v38, v40;
	v40 =	vsel vm0, $0x100, v2;
	vm0 =	vlt.f32 v7, v33;
	v7 =	vld.idx.msk [tilespmem:v9+s13+$0x0], $0xffff  }
0x384: {  	v48 =	vor.u32 v36, v40;
	v36 =	vsel vm0, $0x100, v2;
	vm0 =	vlt.f32 v26, v19;
	v26 =	vld.idx.msk [tilespmem:v53+s13+$0x0], $0xffff  }
0x385: {  	v40 =	vor.u32 $0x7F, v6;
	v46 =	vor.u32 v46, v36;
	v36 =	vsel vm0, $0x80, v2;
	v51 =	vld.idx.msk [tilespmem:v1+s13+$0x0], $0xffff  }
0x386: {  	v52 =	vor.u32 $0x7F, v38;
	v54 =	vor.u32 $0x7F, v48;
	v44 =	vor.u32 v36, v0;
	v0 =	vld.idx.msk [tilespmem:v5+s13+$0x0], $0xffff  }
0x387: {  	vm0 =	vlt.f32 v3, v35;
	v3 =	vor.u32 $0x7F, v46;
	v36 =	vor.u32 $0x3F, v44;
	v34 =	vld.idx.msk [tilespmem:v34+s18+$0x0], $0xffff  }
0x388: {  	v55 =	vsel vm0, $0x80, v2;
	vm0 =	vlt.f32 v39, v28;
	vm1 =	vlt.f32 v10, v30;
	v10 =	vld.idx.msk [tilespmem:v37+s18+$0x0], $0xffff  }
0x389: {  	v39 =	vsel vm0, $0x80, v2;
	v37 =	vor.u32 v55, v47;
	v47 =	vsel vm1, $0x80, v2;
	v25 =	vld.idx.msk [tilespmem:v25+s18+$0x0], $0xffff  }
0x38a: {  	v39 =	vor.u32 v39, v12;
	v56 =	vor.u32 $0x3F, v37;
	v55 =	vld.idx.msk [tilespmem:v40+s13+$0x0], $0xffff;
	v40 =	vor.u32 v47, v50  }
0x38b: {  	vm0 =	vlt.f32 v7, v20;
	v12 =	vor.u32 $0x3F, v39;
	v47 =	vor.u32 $0x3F, v40;
	v50 =	vld.idx.msk [tilespmem:v52+s13+$0x0], $0xffff  }
0x38c: {  	vm1 =	vlt.f32 v26, v16;
	vm2 =	vlt.f32 v51, v18;
	vm3 =	vlt.f32 v0, v17;
	v7 =	vld.idx.msk [tilespmem:v36+s13+$0x0], $0xffff  }
0x38d: {  	v26 =	vsel vm0, $0x1, v2;
	v51 =	vsel vm2, $0x1, v2;
	v36 =	vsel vm1, $0x1, v2;
	v0 =	vld.idx.msk [tilespmem:v54+s13+$0x0], $0xffff;
	[tilespmem:s24+$0xFFFFFFC0] =	vst v34  }
0x38e: {  	v8 =	vadd.s32 v8, v41;
	v9 =	vadd.s32 v26, v9;
	v26 =	vsel vm3, $0x1, v2;
	v3 =	vld.idx.msk [tilespmem:v3+s13+$0x0], $0xffff;
	[tilespmem:s24+$0xFFFFFFD0] =	vst v10  }
0x38f: {  	v45 =	vadd.s32 v49, v45;
	v1 =	vadd.s32 v51, v1;
	v49 =	vadd.s32 v36, v53;
	v10 =	vld.idx.msk [tilespmem:v56+s13+$0x0], $0xffff  }
0x390: {  	v5 =	vadd.s32 v26, v5;
	v34 =	vmax.u32 v9, $0x1;
	vm0 =	vlt.f32 v55, v43;
	v12 =	vld.idx.msk [tilespmem:v12+s13+$0x0], $0xffff  }
0x391: {  	v1 =	vmax.u32 v1, $0x1;
	v26 =	vsel vm0, $0x80, v2;
	vm0 =	vlt.f32 v50, v31;
	v47 =	vld.idx.msk [tilespmem:v47+s13+$0x0], $0xffff;
	[tilespmem:s24+$0xFFFFFFE0] =	vst v25  }
0x392: {  	v36 =	vor.u32 v26, v6;
	v6 =	vsel vm0, $0x80, v2;
	vm0 =	vlt.f32 v7, v19;
	v7 =	vld.idx.msk [tilespmem:v24+s18+$0x0], $0xffff  }
0x393: {  	v38 =	vor.u32 v6, v38;
	vm1 =	vlt.f32 v0, v32;
	v0 =	vsel vm0, $0x40, v2;
	v6 =	vld.idx.msk [tilespmem:v23+s18+$0x0], $0xffff  }
0x394: {  	v9 =	vsel vm1, $0x80, v2;
	vm0 =	vlt.f32 v3, v33;
	v3 =	vor.u32 v44, v0  }
0x395: {  	v41 =	vor.u32 v9, v48;
	v9 =	vsel vm0, $0x80, v2;
	v3 =	vor.u32 $0x1F, v3  }
0x396: {  	v23 =	vor.u32 $0x3F, v36;
	v25 =	vor.u32 $0x3F, v38;
	v42 =	vor.u32 v9, v46;
	v9 =	vld.idx.msk [tilespmem:v34+s13+$0x0], $0xffff  }
0x397: {  	vm0 =	vlt.f32 v10, v35;
	v10 =	vor.u32 $0x3F, v41;
	v46 =	vor.u32 $0x3F, v42  }
0x398: {  	v48 =	vsel vm0, $0x40, v2;
	vm0 =	vlt.f32 v12, v28;
	vm1 =	vlt.f32 v47, v30;
	[tilespmem:s24+$0xFFFFFFF0] =	vst v7  }
0x399: {  	v12 =	vsel vm0, $0x40, v2;
	v47 =	vsel vm1, $0x40, v2;
	v7 =	vor.u32 v37, v48;
	[tilespmem:s24+$0x0] =	vst v6  }
0x39a: {  	v24 =	vor.u32 v40, v47;
	v6 =	vor.u32 $0x1F, v7;
	v7 =	vor.u32 v39, v12;
	v3 =	vld.idx.msk [tilespmem:v3+s13+$0x0], $0xffff  }
0x39b: {  	v51 =	vor.u32 $0x1F, v24;
	v24 =	vmax.u32 v4, $0x1;
	v7 =	vor.u32 $0x1F, v7;
	v50 =	vld.idx.msk [tilespmem:v23+s13+$0x0], $0xffff  }
0x39c: {  	v26 =	vmax.u32 v45, $0x1;
	v23 =	vmax.u32 v49, $0x1;
	v4 =	vld.idx.msk [tilespmem:v25+s13+$0x0], $0xffff;
	v25 =	vmax.u32 v8, $0x1  }
0x39d: {  	v5 =	vmax.u32 v5, $0x1;
	v54 =	vadd.s32 $0xFFFFFFFF, v1;
	v8 =	vld.idx.msk [tilespmem:v10+s13+$0x0], $0xffff;
	v10 =	vadd.s32 $0xFFFFFFFF, v34  }
0x39e: {  	v52 =	vadd.s32 $0xFFFFFFFF, v26;
	v49 =	vadd.s32 $0xFFFFFFFF, v25;
	v45 =	vld.idx.msk [tilespmem:v46+s13+$0x0], $0xffff;
	v46 =	vadd.s32 $0xFFFFFFFF, v24  }
0x39f: {  	v55 =	vadd.s32 $0xFFFFFFFF, v5;
	v53 =	vadd.s32 $0xFFFFFFFF, v23;
	v6 =	vld.idx.msk [tilespmem:v6+s13+$0x0], $0xffff;
	vm0 =	vlt.f32 v3, v19  }
0x3a0: {  	v3 =	vsub.f32 v20, v9;
	v9 =	vadd.s32 v29, v22;
	v7 =	vld.idx.msk [tilespmem:v7+s13+$0x0], $0xffff;
	vm1 =	vlt.f32 v50, v43  }
0x3a1: {  	v22 =	vmovc v1;
	v50 =	vsel vm0, $0x20, v2;
	v29 =	vld.idx.msk [tilespmem:v51+s13+$0x0], $0xffff;
	v51 =	vadd.s32 v27, v21;
	vm0 =	vlt.f32 v4, v31  }
0x3a2: {  	v1 =	vsel vm1, $0x40, v2;
	v0 =	vor.u32 v0, v50;
	v21 =	vmovc v5;
	v4 =	vld.idx.msk [tilespmem:v10+s13+$0x0], $0xffff;
	v5 =	vsel vm0, $0x40, v2  }
0x3a3: {  	vm0 =	vlt.f32 v8, v32;
	v8 =	vor.u32 v44, v0;
	v27 =	vor.u32 v36, v1;
	v10 =	vld.idx.msk [tilespmem:v46+s13+$0x0], $0xffff  }
0x3a4: {  	v56 =	vsel vm0, $0x40, v2;
	vm0 =	vlt.f32 v45, v33;
	v8 =	vor.u32 $0xF, v8;
	v46 =	vld.idx.msk [tilespmem:v49+s13+$0x0], $0xffff  }
0x3a5: {  	v45 =	vor.u32 v38, v5;
	v27 =	vor.u32 $0x1F, v27;
	v57 =	vsel vm0, $0x40, v2;
	v49 =	vld.idx.msk [tilespmem:v52+s13+$0x0], $0xffff  }
0x3a6: {  	v50 =	vor.u32 v41, v56;
	v45 =	vor.u32 $0x1F, v45;
	v52 =	vor.u32 v42, v57;
	v53 =	vld.idx.msk [tilespmem:v53+s13+$0x0], $0xffff  }
0x3a7: {  	vm0 =	vlt.f32 v6, v35;
	v50 =	vor.u32 $0x1F, v50;
	v52 =	vor.u32 $0x1F, v52;
	v54 =	vld.idx.msk [tilespmem:v54+s13+$0x0], $0xffff  }
0x3a8: {  	vm1 =	vlt.f32 v7, v28;
	v7 =	vsel vm0, $0x20, v2;
	vm2 =	vlt.f32 v29, v30;
	v6 =	vld.idx.msk [tilespmem:v55+s13+$0x0], $0xffff  }
0x3a9: {  	v29 =	vsel vm1, $0x20, v2;
	v7 =	vor.u32 v48, v7;
	v55 =	vsel vm2, $0x20, v2;
	v8 =	vld.idx.msk [tilespmem:v8+s13+$0x0], $0xffff  }
0x3aa: {  	v12 =	vor.u32 v12, v29;
	v4 =	vsub.f32 v20, v4;
	v55 =	vor.u32 v47, v55;
	v29 =	vld.idx.msk [tilespmem:v24+s13+$0x0], $0xffff  }
0x3ab: {  	v47 =	vor.u32 v39, v12;
	v48 =	vor.u32 v40, v55;
	v58 =	vld.idx.msk [tilespmem:v27+s13+$0x0], $0xffff;
	v27 =	vor.u32 v37, v7  }
0x3ac: {  	v60 =	vor.u32 $0xF, v47;
	v61 =	vor.u32 $0xF, v48;
	v59 =	vor.u32 $0xF, v27;
	v62 =	vld.idx.msk [tilespmem:v45+s13+$0x0], $0xffff  }
0x3ad: {  	v20 =	vmovc v43;
	v43 =	vsub.f32 v14, v46;
	v27 =	vand.u32 $0x7FFFFFFF, v3;
	v45 =	vsub.f32 v13, v10;
	v63 =	vld.idx.msk [tilespmem:v50+s13+$0x0], $0xffff  }
0x3ae: {  	v46 =	vsub.f32 v15, v49;
	v48 =	vsub.f32 v16, v53;
	v3 =	vld.idx.msk [tilespmem:v52+s13+$0x0], $0xffff;
	vm0 =	vlt.f32 v8, v19  }
0x3af: {  	v49 =	vsub.f32 v18, v54;
	v50 =	vsub.f32 v17, v6;
	v8 =	vld.idx.msk [tilespmem:v25+s13+$0x0], $0xffff;
	v10 =	vsel vm0, $0x10, v2  }
0x3b0: {  	v47 =	vsub.f32 v13, v29;
	v13 =	vmovc v35;
	v29 =	vand.u32 $0x7FFFFFFF, v4;
	v52 =	vld.idx.msk [tilespmem:v26+s13+$0x0], $0xffff;
	vm0 =	vlt.f32 v58, v20  }
0x3b1: {  	v10 =	vor.u32 v10, v44;
	v6 =	vld.idx.msk [tilespmem:v59+s13+$0x0], $0xffff;
	v4 =	vsel vm0, $0x20, v2;
	vm0 =	vlt.f32 v62, v31  }
0x3b2: {  	v0 =	vor.u32 v0, v10;
	v35 =	vld.idx.msk [tilespmem:v60+s13+$0x0], $0xffff;
	v53 =	vsel vm0, $0x20, v2  }
0x3b3: {  	vm0 =	vlt.f32 v63, v32;
	v63 =	vimm.s32 $0x1FF;
	v54 =	vand.u32 $0x70, v0;
	v10 =	vld.idx.msk [tilespmem:v61+s13+$0x0], $0xffff  }
0x3b4: {  	v58 =	vsel vm0, $0x20, v2;
	vm0 =	vlt.f32 v3, v33;
	v3 =	vor.u32 v54, v44;
	v54 =	vld.idx.msk [tilespmem:v23+s13+$0x0], $0xffff  }
0x3b5: {  	v1 =	vor.u32 v1, v4;
	v4 =	vsel vm0, $0x20, v2;
	v3 =	vor.u32 $0x7, v3;
	v59 =	vld.idx.msk [tilespmem:v22+s13+$0x0], $0xffff  }
0x3b6: {  	v5 =	vor.u32 v5, v53;
	v53 =	vor.u32 v56, v58;
	v4 =	vor.u32 v57, v4;
	v56 =	vld.idx.msk [tilespmem:v21+s13+$0x0], $0xffff  }
0x3b7: {  	v58 =	vor.u32 v38, v5;
	v57 =	vor.u32 v36, v1;
	v60 =	vor.u32 v41, v53;
	v9 =	vld.idx.msk [tilespmem:v9+s18+$0x0], $0xffff  }
0x3b8: {  	v58 =	vor.u32 $0xF, v58;
	v57 =	vor.u32 $0xF, v57;
	v61 =	vor.u32 v42, v4;
	v51 =	vld.idx.msk [tilespmem:v51+s18+$0x0], $0xffff  }
0x3b9: {  	vm0 =	vlt.f32 v6, v13;
	v6 =	vor.u32 $0xF, v60;
	v60 =	vor.u32 $0xF, v61  }
0x3ba: {  	v61 =	vsel vm0, $0x10, v2;
	vm0 =	vlt.f32 v35, v28;
	vm1 =	vlt.f32 v10, v30;
	v3 =	vld.idx.msk [tilespmem:v3+s13+$0x0], $0xffff  }
0x3bb: {  	v10 =	vor.u32 v61, v37;
	v35 =	vsel vm0, $0x10, v2;
	v61 =	vsel vm1, $0x10, v2  }
0x3bc: {  	v7 =	vor.u32 v7, v10;
	v10 =	vor.u32 v35, v39;
	v35 =	vor.u32 v61, v40  }
0x3bd: {  	v61 =	vand.u32 $0x70, v7;
	v10 =	vor.u32 v12, v10;
	v12 =	vor.u32 v55, v35;
	v57 =	vld.idx.msk [tilespmem:v57+s13+$0x0], $0xffff;
	[tilespmem:s24+$0x10] =	vst v9  }
0x3be: {  	v35 =	vand.u32 $0x70, v10;
	v55 =	vand.u32 $0x70, v12;
	v9 =	vor.u32 v61, v37;
	v58 =	vld.idx.msk [tilespmem:v58+s13+$0x0], $0xffff;
	[tilespmem:s24+$0x20] =	vst v51;
	s24 =	smov.u32 s25  }
0x3bf: {  	v35 =	vor.u32 v35, v39;
	v9 =	vor.u32 $0x7, v9;
	v51 =	vor.u32 v55, v40;
	v6 =	vld.idx.msk [tilespmem:v6+s13+$0x0], $0xffff  }
0x3c0: {  	v55 =	vor.u32 $0x7, v35;
	v61 =	vor.u32 $0x7, v51;
	vm0 =	vlt.f32 v3, v19;
	v60 =	vld.idx.msk [tilespmem:v60+s13+$0x0], $0xffff  }
0x3c1: {  	v8 =	vsub.f32 v14, v8;
	v14 =	vmovc v28;
	v62 =	vsub.f32 v15, v52;
	v15 =	vmovc v30;
	v3 =	vsel vm0, $0x8, v2  }
0x3c2: {  	v35 =	vsub.f32 v16, v54;
	v16 =	vmovc v31;
	v51 =	vsub.f32 v18, v59;
	v0 =	vor.u32 v3, v0  }
0x3c3: {  	v52 =	vsub.f32 v17, v56;
	v17 =	vmovc v33;
	v18 =	vmovc v32;
	vm0 =	vlt.f32 v57, v20;
	v3 =	vand.u32 $0x7C, v0  }
0x3c4: {  	v28 =	vsel vm0, $0x10, v2;
	vm0 =	vlt.f32 v58, v16;
	v3 =	vor.u32 v3, v44;
	v9 =	vld.idx.msk [tilespmem:v9+s13+$0x0], $0xffff  }
0x3c5: {  	v31 =	vsel vm0, $0x10, v2;
	vm0 =	vlt.f32 v6, v18;
	v3 =	vor.u32 $0x3, v3;
	v30 =	vld.idx.msk [tilespmem:v55+s13+$0x0], $0xffff  }
0x3c6: {  	v6 =	vor.u32 v28, v36;
	v32 =	vsel vm0, $0x10, v2;
	vm0 =	vlt.f32 v60, v17;
	v28 =	vld.idx.msk [tilespmem:v61+s13+$0x0], $0xffff  }
0x3c7: {  	v31 =	vor.u32 v31, v38;
	v32 =	vor.u32 v32, v41;
	v33 =	vsel vm0, $0x10, v2  }
0x3c8: {  	v1 =	vor.u32 v1, v6;
	v5 =	vor.u32 v5, v31;
	v6 =	vor.u32 v33, v42  }
0x3c9: {  	v31 =	vand.u32 $0x70, v1;
	v32 =	vor.u32 v53, v32;
	v4 =	vor.u32 v4, v6  }
0x3ca: {  	v6 =	vand.u32 $0x70, v5;
	v33 =	vand.u32 $0x70, v32;
	v44 =	vand.u32 $0x70, v4;
	v3 =	vld.idx.msk [tilespmem:v3+s13+$0x0], $0xffff  }
0x3cb: {  	v31 =	vor.u32 v31, v36;
	v6 =	vor.u32 v6, v38;
	v33 =	vor.u32 v33, v41  }
0x3cc: {  	v31 =	vor.u32 $0x7, v31;
	v6 =	vor.u32 $0x7, v6;
	v44 =	vor.u32 v44, v42  }
0x3cd: {  	vm0 =	vlt.f32 v9, v13;
	v9 =	vor.u32 $0x7, v33;
	v33 =	vor.u32 $0x7, v44  }
0x3ce: {  	v44 =	vsel vm0, $0x8, v2;
	vm0 =	vlt.f32 v30, v14;
	vm1 =	vlt.f32 v28, v15  }
0x3cf: {  	v7 =	vor.u32 v44, v7;
	v28 =	vsel vm0, $0x8, v2;
	v30 =	vsel vm1, $0x8, v2  }
0x3d0: {  	v10 =	vor.u32 v28, v10;
	v12 =	vor.u32 v30, v12;
	vm0 =	vlt.f32 v3, v19  }
0x3d1: {  	v28 =	vand.u32 $0x7C, v7;
	v30 =	vand.u32 $0x7C, v10;
	v3 =	vld.idx.msk [tilespmem:v31+s13+$0x0], $0xffff;
	v31 =	vsel vm0, $0x4, v2  }
0x3d2: {  	v28 =	vor.u32 v28, v37;
	v37 =	vand.u32 $0x7C, v12;
	v6 =	vld.idx.msk [tilespmem:v6+s13+$0x0], $0xffff;
	v0 =	vor.u32 v31, v0  }
0x3d3: {  	v30 =	vor.u32 v30, v39;
	v31 =	vor.u32 v37, v40;
	v9 =	vld.idx.msk [tilespmem:v9+s13+$0x0], $0xffff;
	v37 =	vadd.s32 $0x1, v0  }
0x3d4: {  	v28 =	vor.u32 $0x3, v28;
	v30 =	vor.u32 $0x3, v30;
	v31 =	vor.u32 $0x3, v31;
	v33 =	vld.idx.msk [tilespmem:v33+s13+$0x0], $0xffff  }
0x3d5: {  	v44 =	vand.u32 $0x7FFFFFFF, v46;
	v39 =	vand.u32 $0x7FFFFFFF, v45;
	v40 =	vand.u32 $0x7FFFFFFF, v43  }
0x3d6: {  	v46 =	vand.u32 $0x7FFFFFFF, v49;
	v45 =	vand.u32 $0x7FFFFFFF, v48;
	v48 =	vand.u32 $0x7FFFFFFF, v50  }
0x3d7: {  	v8 =	vand.u32 $0x7FFFFFFF, v8;
	vm0 =	vlt.f32 v3, v20;
	v3 =	vand.u32 $0x7FFFFFFF, v47  }
0x3d8: {  	v43 =	vsel vm0, $0x8, v2;
	vm0 =	vlt.f32 v6, v16;
	v6 =	vld.idx.msk [tilespmem:v37+s13+$0x0], $0xffff;
	v37 =	vand.u32 $0x7FFFFFFF, v62  }
0x3d9: {  	v1 =	vor.u32 v43, v1;
	v43 =	vld.idx.msk [tilespmem:v28+s13+$0x0], $0xffff;
	v28 =	vsel vm0, $0x8, v2;
	vm0 =	vlt.f32 v9, v18  }
0x3da: {  	v9 =	vld.idx.msk [tilespmem:v30+s13+$0x0], $0xffff;
	v28 =	vor.u32 v28, v5;
	v5 =	vsel vm0, $0x8, v2;
	vm0 =	vlt.f32 v33, v17  }
0x3db: {  	v33 =	vand.u32 $0x7C, v1;
	v47 =	vld.idx.msk [tilespmem:v31+s13+$0x0], $0xffff;
	v30 =	vor.u32 v5, v32;
	v5 =	vsel vm0, $0x8, v2  }
0x3dc: {  	v32 =	vand.u32 $0x7C, v28;
	v49 =	vand.u32 $0x7C, v30;
	v31 =	vor.u32 v5, v4  }
0x3dd: {  	v4 =	vor.u32 v33, v36;
	v5 =	vor.u32 v32, v38;
	v32 =	vand.u32 $0x7C, v31  }
0x3de: {  	v33 =	vor.u32 v49, v41;
	vm0 =	vlt.f32 v6, v19;
	v32 =	vor.u32 v32, v42  }
0x3df: {  	v4 =	vor.u32 $0x3, v4;
	v5 =	vor.u32 $0x3, v5;
	v6 =	vsel vm0, $0x2, v2  }
0x3e0: {  	v33 =	vor.u32 $0x3, v33;
	v32 =	vor.u32 $0x3, v32;
	v0 =	vadd.s32 v6, v0  }
0x3e1: {  	vm0 =	vlt.f32 v43, v13;
	vm1 =	vlt.f32 v9, v14;
	vm2 =	vlt.f32 v47, v15  }
0x3e2: {  	v6 =	vsel vm0, $0x4, v2;
	v9 =	vsel vm1, $0x4, v2;
	v36 =	vsel vm2, $0x4, v2  }
0x3e3: {  	v42 =	vor.u32 v6, v7;
	v41 =	vor.u32 v9, v10;
	v43 =	vor.u32 v36, v12  }
0x3e4: {  	v6 =	vadd.s32 $0x1, v42;
	v7 =	vadd.s32 $0x1, v41;
	v9 =	vadd.s32 $0x1, v43;
	v4 =	vld.idx.msk [tilespmem:v4+s13+$0x0], $0xffff  }
0x3e5: {  	v12 =	vand.u32 $0x7FFFFFFF, v35;
	v35 =	vand.u32 $0x7FFFFFFF, v51;
	v36 =	vand.u32 $0x7FFFFFFF, v52;
	v10 =	vld.idx.msk [tilespmem:v0+s13+$0x0], $0xffff  }
0x3e6: {  	vm0 =	vlt.f32 v29, v27;
	vm1 =	vlt.f32 v39, v3;
	vm2 =	vlt.f32 v40, v8;
	v5 =	vld.idx.msk [tilespmem:v5+s13+$0x0], $0xffff  }
0x3e7: {  	vm3 =	vlt.f32 v44, v37;
	vm4 =	vlt.f32 v45, v12;
	vm5 =	vlt.f32 v46, v35;
	v3 =	vld.idx.msk [tilespmem:v33+s13+$0x0], $0xffff  }
0x3e8: {  	v8 =	vsel vm0, $0xFFFFFFFF, v2;
	v37 =	vsel vm1, $0xFFFFFFFF, v2;
	vm0 =	vlt.f32 v48, v36;
	v44 =	vld.idx.msk [tilespmem:v32+s13+$0x0], $0xffff  }
.Ltmp12:
0x3e9: {  	v39 =	vsel vm3, $0xFFFFFFFF, v2;
	v38 =	vsel vm2, $0xFFFFFFFF, v2;
	v36 =	vsel vm4, $0xFFFFFFFF, v2;
	v32 =	vld.idx.msk [tilespmem:v6+s13+$0x0], $0xffff;
	(pc) =	sbr.rel @p0 .LBB2_18-.Ltmp12, $4  }
0x3ea: {  	v29 =	vsel vm5, $0xFFFFFFFF, v2;
	v27 =	vsel vm0, $0xFFFFFFFF, v2;
	vm1 =	vlt.f32 v4, v20;
	v33 =	vld.idx.msk [tilespmem:v7+s13+$0x0], $0xffff  }
0x3eb: {  	v34 =	vadd.s32 v8, v34;
	v4 =	vsel vm1, $0x4, v2;
	vm0 =	vlt.f32 v10, v19;
	v45 =	vld.idx.msk [tilespmem:v9+s13+$0x0], $0xffff  }
0x3ec: {  	v40 =	vor.u32 v4, v1;
	vm1 =	vlt.f32 v5, v16;
	v1 =	vsel vm0, $0x1, v2  }
0x3ed: {  	v46 =	vsel vm1, $0x4, v2;
	vm0 =	vlt.f32 v3, v18;
	v35 =	vadd.s32 v1, v0  }
0x3ee: {  	vm6 =	vlt.f32 v44, v17;
	v3 =	vadd.s32 $0x1, v40  }
0x3ef: {  	v1 =	vor.u32 v46, v28;
	v4 =	vsel vm6, $0x4, v2  }
0x3f0: {  	v0 =	vsel vm0, $0x4, v2;
	v5 =	vadd.s32 $0x1, v1;
	v4 =	vor.u32 v4, v31  }
0x3f1: {  	v0 =	vor.u32 v0, v30;
	v7 =	vadd.s32 $0x1, v4  }
0x3f2: {  	vm7 =	vlt.f32 v32, v13;
	v6 =	vadd.s32 $0x1, v0  }
0x3f3: {  	vm1 =	vlt.f32 v33, v14;
	v8 =	vsel vm7, $0x2, v2;
	v3 =	vld.idx.msk [tilespmem:v3+s13+$0x0], $0xffff  }
0x3f4: {  	v9 =	vsel vm1, $0x2, v2;
	v8 =	vadd.s32 v8, v42  }
0x3f5: {  	v9 =	vadd.s32 v9, v41;
	v5 =	vld.idx.msk [tilespmem:v5+s13+$0x0], $0xffff  }
0x3f6: {  	vm8 =	vlt.f32 v45, v15;
	v7 =	vld.idx.msk [tilespmem:v7+s13+$0x0], $0xffff  }
0x3f7: {  	v10 =	vsel vm8, $0x2, v2;
	v6 =	vld.idx.msk [tilespmem:v6+s13+$0x0], $0xffff  }
0x3f8: {  	vm9 =	vlt.f32 v3, v20;
	v3 =	vadd.s32 v10, v43  }
0x3f9: {  	v45 =	vld.idx.msk [tilespmem:v8+s13+$0x0], $0xffff;
	v10 =	vsel vm9, $0x2, v2  }
0x3fa: {  	v46 =	vld.idx.msk [tilespmem:v9+s13+$0x0], $0xffff;
	vm10 =	vlt.f32 v5, v16;
	v43 =	vadd.s32 v10, v40  }
0x3fb: {  	v50 =	vmax.u32 v35, $0x1;
	v5 =	vsel vm10, $0x2, v2;
	vm12 =	vlt.f32 v7, v17  }
0x3fc: {  	vm11 =	vlt.f32 v6, v18;
	v1 =	vadd.s32 v5, v1;
	v10 =	vsel vm12, $0x2, v2  }
0x3fd: {  	v51 =	vadd.s32 $0xFFFFFFFF, v50;
	v44 =	vsel vm11, $0x2, v2;
	v4 =	vadd.s32 v10, v4;
	v10 =	vld.idx.msk [tilespmem:v3+s13+$0x0], $0xffff  }
0x3fe: {  	vm13 =	vlt.f32 v45, v13;
	v0 =	vadd.s32 v44, v0  }
0x3ff: {  	v24 =	vadd.s32 v37, v24;
	vm14 =	vlt.f32 v46, v14;
	v5 =	vsel vm13, $0x1, v2;
	v12 =	vld.idx.msk [tilespmem:v43+s13+$0x0], $0xffff  }
0x400: {  	v25 =	vadd.s32 v38, v25;
	v7 =	vsel vm14, $0x1, v2;
	v5 =	vadd.s32 v5, v8  }
0x401: {  	v26 =	vadd.s32 v39, v26;
	v7 =	vadd.s32 v7, v9;
	v5 =	vmax.u32 v5, $0x1;
	v47 =	vld.idx.msk [tilespmem:v1+s13+$0x0], $0xffff  }
0x402: {  	v23 =	vadd.s32 v36, v23;
	v54 =	vld.idx.msk [tilespmem:v51+s13+$0x0], $0xffff;
	v7 =	vmax.u32 v7, $0x1;
	vm2 =	vlt.f32 v10, v15  }
0x403: {  	v22 =	vadd.s32 v29, v22;
	v53 =	vadd.s32 $0xFFFFFFFF, v7;
	v48 =	vld.idx.msk [tilespmem:v0+s13+$0x0], $0xffff;
	v10 =	vsel vm2, $0x1, v2  }
0x404: {  	v52 =	vld.idx.msk [tilespmem:v50+s13+$0x0], $0xffff;
	vm15 =	vlt.f32 v12, v20;
	v3 =	vadd.s32 v10, v3;
	v10 =	vadd.s32 $0xFFFFFFFF, v5  }
0x405: {  	v21 =	vadd.s32 v27, v21;
	v49 =	vld.idx.msk [tilespmem:v4+s13+$0x0], $0xffff;
	v12 =	vsel vm15, $0x1, v2;
	v3 =	vmax.u32 v3, $0x1  }
0x406: {  	v59 =	vld.idx.msk [tilespmem:v5+s13+$0x0], $0xffff;
	vm6 =	vlt.f32 v47, v16;
	v6 =	vadd.s32 v12, v43;
	v55 =	vadd.s32 $0xFFFFFFFF, v3  }
0x407: {  	v31 =	vsub.f32 v19, v54;
	v60 =	vld.idx.msk [tilespmem:v7+s13+$0x0], $0xffff;
	v28 =	vsel vm6, $0x1, v2;
	v6 =	vmax.u32 v6, $0x1  }
0x408: {  	vm7 =	vlt.f32 v48, v18;
	v1 =	vadd.s32 v28, v1;
	v28 =	vld.idx.msk [tilespmem:v53+s13+$0x0], $0xffff;
	v9 =	vadd.s32 $0xFFFFFFFF, v6  }
0x409: {  	v31 =	vand.u32 $0x7FFFFFFF, v31;
	v30 =	vsel vm7, $0x1, v2;
	v1 =	vmax.u32 v1, $0x1;
	v10 =	vld.idx.msk [tilespmem:v10+s13+$0x0], $0xffff  }
0x40a: {  	vm3 =	vlt.f32 v49, v17;
	v0 =	vadd.s32 v30, v0;
	v56 =	vadd.s32 $0xFFFFFFFF, v1;
	v61 =	vld.idx.msk [tilespmem:v3+s13+$0x0], $0xffff  }
0x40b: {  	v12 =	vsub.f32 v19, v52;
	v8 =	vsel vm3, $0x1, v2;
	v0 =	vmax.u32 v0, $0x1;
	v30 =	vld.idx.msk [tilespmem:v55+s13+$0x0], $0xffff  }
0x40c: {  	v45 =	vsub.f32 v13, v59;
	v4 =	vadd.s32 v8, v4;
	v57 =	vadd.s32 $0xFFFFFFFF, v0;
	v8 =	vld.idx.msk [tilespmem:v6+s13+$0x0], $0xffff  }
0x40d: {  	v12 =	vand.u32 $0x7FFFFFFF, v12;
	v47 =	vsub.f32 v14, v60;
	v4 =	vmax.u32 v4, $0x1;
	v9 =	vld.idx.msk [tilespmem:v9+s13+$0x0], $0xffff  }
0x40e: {  	vm8 =	vlt.f32 v31, v12;
	v58 =	vadd.s32 $0xFFFFFFFF, v4;
	v28 =	vsub.f32 v14, v28;
	v62 =	vld.idx.msk [tilespmem:v1+s13+$0x0], $0xffff  }
0x40f: {  	v39 =	vsel vm8, $0xFFFFFFFF, v2;
	v14 =	vand.u32 $0x7FFFFFFF, v47;
	v33 =	vld.idx.msk [tilespmem:v56+s13+$0x0], $0xffff;
	v10 =	vsub.f32 v13, v10  }
0x410: {  	v38 =	vld.idx.msk [tilespmem:v0+s13+$0x0], $0xffff;
	v51 =	vand.u32 $0x7FFFFFFF, v28;
	v13 =	vand.u32 $0x7FFFFFFF, v45;
	v48 =	vsub.f32 v15, v61  }
0x411: {  	v35 =	vld.idx.msk [tilespmem:v57+s13+$0x0], $0xffff;
	vm11 =	vlt.f32 v51, v14;
	v30 =	vsub.f32 v15, v30;
	v10 =	vand.u32 $0x7FFFFFFF, v10  }
0x412: {  	v42 =	vld.idx.msk [tilespmem:v4+s13+$0x0], $0xffff;
	v57 =	vsel vm11, $0xFFFFFFFF, v2;
	v8 =	vsub.f32 v20, v8;
	v15 =	vand.u32 $0x7FFFFFFF, v48  }
0x413: {  	v40 =	vld.idx.msk [tilespmem:v58+s13+$0x0], $0xffff;
	vm10 =	vlt.f32 v10, v13;
	v7 =	vadd.s32 v57, v7;
	v9 =	vsub.f32 v20, v9  }
0x414: {  	v20 =	vadd.s32 v39, v50;
	v49 =	vsub.f32 v16, v62;
	v52 =	vand.u32 $0x7FFFFFFF, v30  }
0x415: {  	v56 =	vsel vm10, $0xFFFFFFFF, v2;
	v43 =	vsub.f32 v16, v33;
	v8 =	vand.u32 $0x7FFFFFFF, v8  }
0x416: {  	v54 =	vld.idx.msk [tilespmem:v34+s18+$0x0], $0xffff;
	v12 =	vsub.f32 v18, v38;
	vm12 =	vlt.f32 v52, v15;
	v5 =	vadd.s32 v56, v5  }
0x417: {  	v60 =	vld.idx.msk [tilespmem:v22+s18+$0x0], $0xffff;
	v44 =	vsub.f32 v18, v35;
	v9 =	vand.u32 $0x7FFFFFFF, v9;
	v50 =	vsub.f32 v17, v42  }
0x418: {  	v55 =	vld.idx.msk [tilespmem:v25+s18+$0x0], $0xffff;
	v16 =	vand.u32 $0x7FFFFFFF, v49;
	v59 =	vsel vm12, $0xFFFFFFFF, v2;
	v46 =	vsub.f32 v17, v40  }
0x419: {  	v58 =	vld.idx.msk [tilespmem:v23+s18+$0x0], $0xffff;
	v53 =	vand.u32 $0x7FFFFFFF, v43;
	v12 =	vand.u32 $0x7FFFFFFF, v12;
	vm9 =	vlt.f32 v9, v8  }
0x41a: {  	v8 =	vld.idx.msk [tilespmem:v24+s18+$0x0], $0xffff;
	v3 =	vadd.s32 v59, v3;
	v29 =	vand.u32 $0x7FFFFFFF, v44;
	v9 =	vand.u32 $0x7FFFFFFF, v50  }
0x41b: {  	[tilespmem:s24+$0xFFFFFFC0] =	vst v54;
	v10 =	vsel vm9, $0xFFFFFFFF, v2;
	vm13 =	vlt.f32 v53, v16;
	v7 =	vld.idx.msk [tilespmem:v7+s18+$0x0], $0xffff;
	v27 =	vand.u32 $0x7FFFFFFF, v46  }
0x41c: {  	[tilespmem:s24+$0x10] =	vst v60;
	v20 =	vld.idx.msk [tilespmem:v20+s18+$0x0], $0xffff;
	v6 =	vadd.s32 v10, v6;
	vm14 =	vlt.f32 v29, v12;
	v61 =	vsel vm13, $0xFFFFFFFF, v2  }
0x41d: {  	[tilespmem:s24+$0xFFFFFFE0] =	vst v55;
	v10 =	vld.idx.msk [tilespmem:v26+s18+$0x0], $0xffff;
	vm15 =	vlt.f32 v27, v9;
	v9 =	vsel vm14, $0xFFFFFFFF, v2;
	v1 =	vadd.s32 v61, v1  }
0x41e: {  	[tilespmem:s24+$0x0] =	vst v58;
	v5 =	vld.idx.msk [tilespmem:v5+s18+$0x0], $0xffff;
	v62 =	vsel vm15, $0xFFFFFFFF, v2;
	v0 =	vadd.s32 v9, v0  }
0x41f: {  	s23 =	sadd.s32 $0x80, s25;
	[tilespmem:s24+$0xFFFFFFD0] =	vst v8;
	v8 =	vld.idx.msk [tilespmem:v21+s18+$0x0], $0xffff;
	v4 =	vadd.s32 v62, v4  }
0x420: {  	v3 =	vld.idx.msk [tilespmem:v3+s18+$0x0], $0xffff;
	[tilespmem:s23+$0xFFFFFFE0] =	vst v7  }
0x421: {  	[tilespmem:s23+$0x30] =	vst v20;
	v6 =	vld.idx.msk [tilespmem:v6+s18+$0x0], $0xffff  }
0x422: {  	[tilespmem:s24+$0xFFFFFFF0] =	vst v10;
	v1 =	vld.idx.msk [tilespmem:v1+s18+$0x0], $0xffff  }
0x423: {  	[tilespmem:s23+$0xFFFFFFD0] =	vst v5;
	v0 =	vld.idx.msk [tilespmem:v0+s18+$0x0], $0xffff  }
0x424: {  	[tilespmem:s24+$0x20] =	vst v8;
	v4 =	vld.idx.msk [tilespmem:v4+s18+$0x0], $0xffff  }
0x425: {  	[tilespmem:s23+$0xFFFFFFF0] =	vst v3  }
0x426: {  	[tilespmem:s23+$0xFFFFFFC0] =	vst v6  }
0x427: {  	[tilespmem:s23+$0x0] =	vst v1  }
0x428: {  	s21 =	sadd.s32 $0x1, s21;
	[tilespmem:s23+$0x10] =	vst v0  }
0x429: {  	s22 =	sadd.s32 s7, s22;
	p0 =	sne.s32 s21, $0x20;
	[tilespmem:s23+$0x20] =	vst v4  }
0x42a: {  	[hbm4b:s22+s2] =	stream.linear.scatter [tilespmem:s19], [sflag:$0x1], $0x4000, $0x38;
	[tilespmem:$0xD580] =	vst v63  }
.Ltmp13:
0x42b: {  	_ = 	snop;
	(pc) =	sbr.rel @p0 .LBB2_17-.Ltmp13, $4  }
.Ltmp14:
0x42c: {  	_ = 	snop;
	(pc) =	sbr.rel @!p0 .LBB2_20-.Ltmp14, $4  }
0x42d: {  	_ =	swait.ge [sflag:s10], $0x4000  }
0x42e: {  	[sflag:s10] =	ssyncset.done $0x0  }
0x42f: {  	[sflag:s10] =	ssyncadd.s32 $0xFFFFC000  }
0x430: {  	_ = 	snop  }
.LBB2_21:
0x431: {  	_ =	sfence.sel $0x180000  }
0x432: {  	[bflag:$0x0] =	sbarrier.arrive $0xFFFF  }
0x433: {  	p0 =	sne.s32 s3, $0x0;
	_ =	strace $0x9000004A  }
0x434: {  	s0 =	sadd.s32 @!p0 $0x100000, s0;
	[bflag:$0x2] =	sbarrier.arrive $0xFFFF  }
0x435: {  	[sflag:s0] =	ssyncadd.tile.s32 @!p0 $0x1;
	_ =	shalt  }
.Lfunc_end2:
_tile_overlayer_lowered:
.L_overlay_start_2:
0x436: {  	(tag) =	ssettag $0x2  }
0x437: {  	s0 =	rddreg [dreg:$0x0];
	s2 =	stileid.u32  }
0x438: {  	s1 =	rddreg [dreg:$0x1];
	p0 =	sne.s32 s2, $0x0  }
0x439: {  	s3 =	rddreg [dreg:$0x2];
	[bflag:$0x3] =	sbarrier.arrive $0xFFFF;
	s2 =	simm.s32 @!p0 $0x1C01  }
0x43a: {  	[timem:s3], [sflag:s2] =	dma.local @!p0 [hbm:s0], s1  }
0x43b: {  	s0 =	simm.s32 @!p0 $0x1  }
0x43c: {  	_ =	swait.ge @!p0 [sflag:s0], s1  }
0x43d: {  	s1 =	ssub.s32 @!p0 $0x0, s1;
	[sflag:s0] =	ssyncset.done @!p0 $0x0  }
0x43e: {  	[sflag:s0] =	ssyncadd.s32 @!p0 s1  }
0x43f: {  	[bflag:$0x3] =	sbarrier.arrive $0xFFFF  }
0x440: {  	_ =	shalt  }

// kernel: sparse-core-data-format-call.cloned.1.call-start
scs
called_computation_lowered:
.L_overlay_start_0:
0x0: {  	s2 =	sld [smem:$0x3FD9]  }
0x1: {  	s3 =	sld [smem:$0x3FFE];
	_ =	sdelay $0x1  }
0x2: {  	s1 =	srdreg.scid  }
0x3: {  	s0 =	sand.u32 $0x1, s1  }
0x4: {  	s19 =	sshll.u32 s0, $0xA;
	s2 =	sadd.s32 s3, s2  }
0x5: {  	s2 =	sadd.s32 s2, s19  }
0x6: {  	[smem:$0x3FC3] =	sst s2  }
0x7: {  	_ = 	snop  }
0x8: {  	s2 =	sld [smem:$0x3FC9]  }
0x9: {  	s20 =	sld [smem:$0x3FD0];
	(tm) =	ssettm $0x1  }
0xa: {  	s4 =	sld [smem:$0x3FFB];
	_ =	sdelay $0x3  }
0xb: {  	_ =	strace s4  }
0xc: {  	s4 =	sld [smem:$0x3FFC];
	_ =	sdelay $0x3  }
0xd: {  	_ =	strace s4  }
0xe: {  	s4 =	sld [smem:$0x3FFD];
	_ =	sdelay $0x3  }
0xf: {  	_ =	strace s4  }
0x10: {  	_ =	strace $0x8FFFFFFF  }
0x11: {  	s21 =	sld [smem:$0x3FDB];
	_ =	sdelay $0x1  }
0x12: {  	s5 =	simm.s32 $_scs_section_size  }
0x13: {  	s6 =	simm.s32 $_size__tile_overlayer_lowered;
	s7 =	simm.s32 $_tile_overlayer_lowered  }
0x14: {  	s24 =	simm.s32 $0x1BFF;
	s23 =	sshll.u32 s7, $0x1;
	s4 =	sadd.s32 s5, s21  }
0x15: {  	s8 =	simm.s32 $0x0;
	s22 =	sshll.u32 s6, $0x1;
	s6 =	sadd.s32 s23, s4  }
0x16: {  	[timem:s8], [sflag:s24] =	dma.local [hbm:s6], s22  }
0x17: {  	_ =	swait.ge [sflag:s24], s22  }
0x18: {  	s5 =	ssub.s32 $0x0, s22;
	[sflag:s24] =	ssyncset.done $0x0  }
0x19: {  	[sflag:s24] =	ssyncadd.s32 s5;
	_ =	sdelay $0x1  }
0x1a: {  	s25 =	simm.s32 $0x1B8B  }
0x1b: {  	_ =	swait.ge [sflag:s25], $0x1  }
0x1c: {  	[sflag:s25] =	ssyncset.done $0x0  }
0x1d: {  	s26 =	simm.s32 $0x1B8E;
	[sflag:s25] =	ssyncadd.s32 $0xFFFFFFFF  }
0x1e: {  	s27 =	simm.s32 $execute0_lowered;
	[smem:$0x3FD2] =	sst s26  }
0x1f: {  	s5 =	sshll.u32 s27, $0x1;
	_ =	strace $0x80000046;
	[dreg:$0x1] =	wrdreg $0xFFFFFFFF  }
0x20: {  	s28 =	simm.s32 $_size_execute0_lowered;
	s4 =	sadd.s32 s4, s5;
	[dreg:$0x0] =	wrdreg $0x0  }
0x21: {  	s5 =	sshll.u32 s28, $0x1;
	[dreg:$0x2] =	wrdreg s4  }
0x22: {  	[dreg:$0x3] =	wrdreg s5  }
0x23: {  	[dreg:$0x4] =	wrdreg $0xC0  }
0x24: {  	_ =	task [dreg:s8], $0x5FFFF  }
0x25: {  	[dreg:$0x1] =	wrdreg $0xFFFFFFFF  }
0x26: {  	[dreg:$0x0] =	wrdreg $0x60  }
0x27: {  	[dreg:$0x2] =	wrdreg s2  }
0x28: {  	[dreg:$0x3] =	wrdreg s20  }
0x29: {  	[dreg:$0x4] =	wrdreg $0x9  }
0x2a: {  	_ =	task.clear_ibuf [dreg:s8], $0x5FFFF;
	_ =	strace $0x90000046  }
0x2b: {  	s29 =	simm.s32 $0x9;
	_ =	strace $0x80000048  }
0x2c: {  	_ =	swait.ge [sflag:s29], $0x1  }
0x2d: {  	[sflag:s29] =	ssyncadd.s32 $0xFFFFFFFF  }
0x2e: {  	_ =	strace $0x90000048  }
0x2f: {  	_ =	sfence  }
0x30: {  	s30 =	sld [smem:$0x0];
	_ =	sdelay $0x2  }
0x31: {  	s31 =	sshll.u32 s1, $0xD;
	s1 =	sshrl.u32 s1, $0x2  }
0x32: {  	s3 =	sand.u32 $0x4000, s31;
	s1 =	sadd.s32 s1, s30  }
0x33: {  	s0 =	sor.u32 s3, s0;
	s1 =	sshll.u32 s1, $0x11  }
0x34: {  	s0 =	sor.u32 s1, s0  }
0x35: {  	s0 =	sadd.s32 $0x8F2B, s0  }
0x36: {  	[sflag:s0] =	ssyncadd.remote.s32 $0x1  }
0x37: {  	_ =	sfence.sel $0xFFFF  }
0x38: {  	[dreg:$0x0] =	wrdreg $0xFFFFFFFF;
	(pc) =	sbr.abs _section_cstart, $3  }
0x39: {  	[dreg:$0x1] =	wrdreg $0xFFFFFFFF  }
0x3a: {  	_ =	task.clear_ibuf [dreg:s8], $0x2FFFF;
	_ =	strace $0x9FFFFFFF  }
0x3b: {  	(tm) =	ssettm $0x7FFFFFFF  }
tec
execute0_lowered:
.L_overlay_start_1:
0x0: {  	(tag) =	ssettag $0x1  }
0x1: {  	s2 =	rddreg [dreg:$0x0]  }
0x2: {  	s3 =	rddreg [dreg:$0x1]  }
0x3: {  	s0 =	rddreg [dreg:$0x2];
	_ =	strace $0x80000047  }
0x4: {  	s4 =	srdreg.scid;
	s1 =	stileid.u32;
	s6 =	simm.s32 $0x2  }
.Ltmp0:
0x5: {  	s11 =	simm.s32 $0x0;
	p0 =	por $0x0, $0x0;
	(pc) =	sbr.rel .LBB1_1-.Ltmp0, $4  }
0x6: {  	s7 =	simm.s32 $0x1000;
	s12 =	simm.s32 $0x0;
	s5 =	sshll.u32 s4, $0x4  }
0x7: {  	s9 =	simm.s32 $0x0;
	s4 =	simm.s32 $0x1;
	s5 =	sand.u32 $0x10, s5  }
0x8: {  	s8 =	simm.s32 $0x0;
	[sflag:s4] =	ssyncpa.u1 $0x0;
	s5 =	sor.u32 s1, s5  }
0x9: {  	[sflag:s6] =	ssyncpa.u1 $0x0;
	s6 =	simm.s32 $0x800;
	s10 =	smov.u32 s5  }
.LBB1_7:
0xa: {  	s13 =	sadd.s32 $0x10, s9  }
0xb: {  	s11 =	sadd.s32 $0x20, s10;
	s15 =	smov.u32 s10;
	p2 =	sgt.s32 s13, $0x1F  }
0xc: {  	p1 =	slt.u32 s8, $0x2;
	s15 =	smov.u32 @p2 s11  }
0xd: {  	s8 =	sadd.s32 $0x1, s8;
	s13 =	simm.s32 @p2 $0x0;
	p2 =	sgt.s32 s15, $0x1FF  }
0xe: {  	s15 =	smov.u32 @p2 s5;
	p2 =	sne.s32 s8, $0x22  }
.Ltmp1:
0xf: {  	_ = 	snop;
	(pc) =	sbr.rel @!p2 .LBB1_8-.Ltmp1, $4  }
0x10: {  	s14 =	simm.s32 @!p1 $0x2  }
0x11: {  	s12 =	smov.u32 s10;
	_ =	swait.ge @!p1 [sflag:s14], $0x4000  }
0x12: {  	p0 =	por !p0, !p0;
	s11 =	smov.u32 s9;
	[sflag:s14] =	ssyncset.done @!p1 $0x0  }
0x13: {  	s9 =	smov.u32 s13;
	[sflag:s14] =	ssyncadd.s32 @!p1 $0xFFFFC000;
	s10 =	smov.u32 s15  }
.LBB1_1:
0x14: {  	p1 =	sgt.u32 s8, $0x1F  }
0x15: {  	s13 =	sxor.u32 @!p1 $0xFFFFFFFF, s8;
	s14 =	sshll.u32 @!p1 s10, $0xC  }
0x16: {  	s15 =	sshll.u32 @!p1 s9, $0x7;
	s13 =	sshll.u32 @!p1 s13, $0xE;
	s14 =	sadd.s32 @!p1 s2, s14  }
0x17: {  	s13 =	sand.u32 @!p1 $0x4000, s13;
	s14 =	sadd.s32 @!p1 s15, s14;
	s15 =	simm.s32 @!p1 $0x0  }
0x18: {  	[tilespmem:s13], [sflag:$0x1] =	stream.linear.gather @!p1 [hbm4b:s14+s15], $0x4000, $0x38;
	[tilespmem:$0x10000] =	vst v63  }
0x19: {  	p1 =	seq.s32 s8, $0x0  }
0x1a: {  	p2 =	seq.s32 @!p1 s8, $0x21  }
0x1b: {  	p1 =	por p1, p2  }
.Ltmp2:
0x1c: {  	_ = 	snop;
	(pc) =	sbr.rel @p1 .LBB1_7-.Ltmp2, $1  }
0x1d: {  	_ =	sdelay $0x3  }
0x1e: {  	s13 =	simm.s32 $0x1;
	_ =	swait.ge [sflag:s4], $0x4000;
	s16 =	sshll.u32 s8, $0xE  }
0x1f: {  	s13 =	simm.s32 @!p0 $0x0;
	[sflag:s4] =	ssyncset.done $0x0;
	s31 =	sand.u32 $0x4000, s16  }
0x20: {  	s16 =	simm.s32 $0x0;
	s14 =	sshll.u32 s13, $0xE;
	[sflag:s4] =	ssyncadd.s32 $0xFFFFC000  }
0x21: {  	s13 =	sor.u32 $0x8040, s14;
	s15 =	sor.u32 $0x40, s14;
	s14 =	sor.u32 $0x8000, s31  }
.LBB1_3:
0x22: {  	v0 =	vmov s15;
	_ =	sdelay $0x3  }
0x23: {  	s18 =	simm.s32 $0x0  }
0x24: {  	v6 =	vld.idx.msk [tilespmem:v0+s18+$0x30 ss:$0x1], $0xffff  }
0x25: {  	v7 =	vld.idx.msk [tilespmem:v0+s18+$0xFFFFFFC0 ss:$0x1], $0xffff  }
0x26: {  	v5 =	vld.idx.msk [tilespmem:v0+s18+$0xFFFFFFD0 ss:$0x1], $0xffff  }
0x27: {  	v4 =	vld.idx.msk [tilespmem:v0+s18+$0xFFFFFFE0 ss:$0x1], $0xffff  }
0x28: {  	v3 =	vld.idx.msk [tilespmem:v0+s18+$0xFFFFFFF0 ss:$0x1], $0xffff  }
0x29: {  	v1 =	vld.idx.msk [tilespmem:v0+s18+$0x0 ss:$0x1], $0xffff  }
0x2a: {  	v2 =	vld.idx.msk [tilespmem:v0+s18+$0x10 ss:$0x1], $0xffff;
	[tilespmem:s13+$0x30] =	vst v6  }
0x2b: {  	s17 =	simm.s32 $0x80;
	s19 =	simm.s32 $0x400;
	[tilespmem:s13+$0xFFFFFFC0] =	vst v7;
	v6 =	vld.idx.msk [tilespmem:v0+s18+$0x20 ss:$0x1], $0xffff;
	s18 =	smov.u32 s13  }
.LBB1_4:
0x2c: {  	p1 =	sne.s32 s19, $0xE00;
	v7 =	vld.idx.msk [tilespmem:v0+s17+$0x30 ss:$0x1], $0xffff;
	[tilespmem:s18+$0xFFFFFFD0] =	vst v5  }
0x2d: {  	v8 =	vld.idx.msk [tilespmem:v0+s17+$0xFFFFFFC0 ss:$0x1], $0xffff;
	[tilespmem:s18+$0xFFFFFFE0] =	vst v4  }
0x2e: {  	v5 =	vld.idx.msk [tilespmem:v0+s17+$0xFFFFFFD0 ss:$0x1], $0xffff;
	[tilespmem:s18+$0xFFFFFFF0] =	vst v3  }
.Ltmp3:
0x2f: {  	v4 =	vld.idx.msk [tilespmem:v0+s17+$0xFFFFFFE0 ss:$0x1], $0xffff;
	[tilespmem:s18+$0x0] =	vst v1;
	(pc) =	sbr.rel @p1 .LBB1_4-.Ltmp3, $4  }
0x30: {  	v3 =	vld.idx.msk [tilespmem:v0+s17+$0xFFFFFFF0 ss:$0x1], $0xffff;
	[tilespmem:s18+$0x10] =	vst v2  }
0x31: {  	v1 =	vld.idx.msk [tilespmem:v0+s17+$0x0 ss:$0x1], $0xffff;
	[tilespmem:s18+$0x20] =	vst v6;
	s18 =	sadd.s32 $0x800, s18  }
0x32: {  	v2 =	vld.idx.msk [tilespmem:v0+s17+$0x10 ss:$0x1], $0xffff;
	[tilespmem:s18+$0x30] =	vst v7  }
0x33: {  	[tilespmem:s18+$0xFFFFFFC0] =	vst v8;
	v6 =	vld.idx.msk [tilespmem:v0+s17+$0x20 ss:$0x1], $0xffff;
	s17 =	sshra.s32 s19, $0x2;
	s19 =	sadd.s32 $0x200, s19  }
0x34: {  	_ =	sdelay $0x2  }
0x35: {  	[tilespmem:s18+$0xFFFFFFD0] =	vst v5  }
0x36: {  	v56 =	vld.idx.msk [tilespmem:v0+s17+$0x30 ss:$0x1], $0xffff;
	[tilespmem:s18+$0xFFFFFFE0] =	vst v4  }
0x37: {  	v57 =	vld.idx.msk [tilespmem:v0+s17+$0xFFFFFFC0 ss:$0x1], $0xffff;
	[tilespmem:s18+$0xFFFFFFF0] =	vst v3  }
0x38: {  	v58 =	vld.idx.msk [tilespmem:v0+s17+$0xFFFFFFD0 ss:$0x1], $0xffff;
	[tilespmem:s18+$0x0] =	vst v1  }
0x39: {  	v59 =	vld.idx.msk [tilespmem:v0+s17+$0xFFFFFFE0 ss:$0x1], $0xffff;
	[tilespmem:s18+$0x10] =	vst v2  }
0x3a: {  	v60 =	vld.idx.msk [tilespmem:v0+s17+$0xFFFFFFF0 ss:$0x1], $0xffff;
	s31 =	sadd.s32 $0x800, s18;
	[tilespmem:s18+$0x20] =	vst v6  }
0x3b: {  	v61 =	vld.idx.msk [tilespmem:v0+s17+$0x0 ss:$0x1], $0xffff;
	[tilespmem:s31+$0x30] =	vst v56  }
0x3c: {  	v62 =	vld.idx.msk [tilespmem:v0+s17+$0x10 ss:$0x1], $0xffff;
	s16 =	sadd.s32 $0x1, s16;
	[tilespmem:s31+$0xFFFFFFC0] =	vst v57  }
0x3d: {  	v63 =	vld.idx.msk [tilespmem:v0+s17+$0x20 ss:$0x1], $0xffff;
	p1 =	sne.s32 s16, $0x10;
	[tilespmem:s31+$0xFFFFFFD0] =	vst v58  }
.Ltmp4:
0x3e: {  	[tilespmem:s31+$0xFFFFFFE0] =	vst v59;
	(pc) =	sbr.rel @p1 .LBB1_3-.Ltmp4, $4  }
0x3f: {  	[tilespmem:s31+$0xFFFFFFF0] =	vst v60  }
0x40: {  	[tilespmem:s31+$0x0] =	vst v61  }
0x41: {  	[tilespmem:s31+$0x10] =	vst v62  }
0x42: {  	s13 =	sadd.s32 $0x80, s13;
	s15 =	sadd.s32 $0x400, s15;
	[tilespmem:s31+$0x20] =	vst v63  }
.Ltmp5:
0x43: {  	(pc) =	sbr.rel .LBB1_7-.Ltmp5, $4  }
0x44: {  	s12 =	sshll.u32 s12, $0xC;
	s11 =	sshll.u32 s11, $0x4  }
0x45: {  	s11 =	sand.u32 $0x1F0, s11;
	s12 =	sadd.s32 s3, s12  }
0x46: {  	s11 =	sadd.s32 s11, s12  }
0x47: {  	[hbm4b:s11+s6] =	stream.strided.scatter [tilespmem:s14], [sflag:$0x2], $0x4000, s7, s6, $0x38;
	[tilespmem:$0x10000] =	vst v63  }
.LBB1_8:
0x48: {  	_ =	sfence.sel $0x180000  }
0x49: {  	s2 =	simm.s32 $0x1;
	[bflag:$0x0] =	sbarrier.arrive $0xFFFF  }
0x4a: {  	s31 =	simm.s32 $0x2;
	[sflag:s2] =	ssyncpa.u1 $0x1  }
0x4b: {  	[sflag:s31] =	ssyncpa.u1 $0x1  }
0x4c: {  	p0 =	sne.s32 s1, $0x0;
	_ =	strace $0x90000047  }
0x4d: {  	s0 =	sadd.s32 @!p0 $0x100000, s0;
	[bflag:$0x2] =	sbarrier.arrive $0xFFFF  }
0x4e: {  	[sflag:s0] =	ssyncadd.tile.s32 @!p0 $0x1;
	_ =	shalt  }
.Lfunc_end1:
_tile_overlayer_lowered:
.L_overlay_start_2:
0x4f: {  	(tag) =	ssettag $0x2  }
0x50: {  	s0 =	rddreg [dreg:$0x0];
	s2 =	stileid.u32  }
0x51: {  	s1 =	rddreg [dreg:$0x1];
	p0 =	sne.s32 s2, $0x0  }
0x52: {  	s3 =	rddreg [dreg:$0x2];
	[bflag:$0x3] =	sbarrier.arrive $0xFFFF;
	s2 =	simm.s32 @!p0 $0x1C01  }
0x53: {  	[timem:s3], [sflag:s2] =	dma.local @!p0 [hbm:s0], s1  }
0x54: {  	s0 =	simm.s32 @!p0 $0x1  }
0x55: {  	_ =	swait.ge @!p0 [sflag:s0], s1  }
0x56: {  	s1 =	ssub.s32 @!p0 $0x0, s1;
	[sflag:s0] =	ssyncset.done @!p0 $0x0  }
0x57: {  	[sflag:s0] =	ssyncadd.s32 @!p0 s1  }
0x58: {  	[bflag:$0x3] =	sbarrier.arrive $0xFFFF  }
0x59: {  	_ =	shalt  }

</sc_bundles>
